<compile_context>
chip_gen: v7x
topology: tpu7x:2x2x1
jax: 0.10.2.dev20260603
libtpu: 0.0.44.dev20260713+nightly
codegen_flags: <defaults>
</compile_context>

<pallas_src>
import functools

import jax
import jax.numpy as jnp
from jax import lax
from jax.experimental import pallas as pl
from jax.experimental.pallas import tpu as pltpu
from jax.experimental.pallas import tpu_sc as plsc

N_ROWS = 10000
N_PAD = 10240
N_INC = 320000
CH_F = 128
NC = 2
NS = 16
NW = NC * NS
CHUNK = 128
N_CH = 80
PER_W = N_CH * CHUNK
INC_PAD = NW * PER_W
FROWS = N_PAD // NS
ZBLK = 32

_mesh = plsc.VectorSubcoreMesh(core_axis_name="c", subcore_axis_name="s")


@functools.partial(
    pl.kernel,
    out_type=[
        jax.ShapeDtypeStruct((NC, N_PAD, CH_F), jnp.float32),
        jax.ShapeDtypeStruct((NC, N_PAD), jnp.float32),
    ],
    mesh=_mesh,
    scratch_types=[
        [pltpu.VMEM((CHUNK,), jnp.int32) for _ in range(2)],
        [pltpu.VMEM((CHUNK,), jnp.int32) for _ in range(2)],
        [pltpu.VMEM((CHUNK, CH_F), jnp.float32) for _ in range(2)],
        pltpu.VMEM((CHUNK,), jnp.float32),
        pltpu.VMEM((ZBLK, CH_F), jnp.float32),
        pltpu.VMEM((FROWS,), jnp.float32),
        pltpu.VMEM_SHARED((N_PAD, CH_F), jnp.float32),
        pltpu.VMEM_SHARED((N_PAD,), jnp.float32),
        pltpu.SemaphoreType.DMA,
    ],
)
def _sc_phase(table, gidx, sidx, acc_out, deg_out,
              gv, sv, rows, ones_v, zrow, zdeg,
              acc_sh, deg_sh, sem):
    c = lax.axis_index("c")
    s = lax.axis_index("s")
    wid = c * NS + s
    base = wid * PER_W

    zero16 = jnp.zeros((16,), jnp.float32)

    @pl.loop(0, CHUNK // 16)
    def _fill_ones(i):
        ones_v[pl.ds(i * 16, 16)] = jnp.ones((16,), jnp.float32)

    @pl.loop(0, ZBLK)
    def _fill_zrow(i):
        for j in range(CH_F // 16):
            zrow[i, pl.ds(j * 16, 16)] = zero16

    @pl.loop(0, FROWS // 16)
    def _fill_zdeg(i):
        zdeg[pl.ds(i * 16, 16)] = zero16

    z0 = s * FROWS
    for k in range(FROWS // ZBLK):
        pltpu.sync_copy(zrow, acc_sh.at[pl.ds(z0 + k * ZBLK, ZBLK)])
    pltpu.sync_copy(zdeg, deg_sh.at[pl.ds(z0, FROWS)])
    plsc.subcore_barrier()

    def scatter(b):
        pltpu.sync_copy(rows[b], acc_sh.at[sv[b]], add=True)
        pltpu.sync_copy(ones_v, deg_sh.at[sv[b]], add=True)

    def load_idx(ci, k):
        off = base + ci * CHUNK
        pltpu.sync_copy(gidx.at[pl.ds(off, CHUNK)], gv[k])
        pltpu.sync_copy(sidx.at[pl.ds(off, CHUNK)], sv[k])

    load_idx(0, 0)
    g0 = pltpu.async_copy(table.at[gv[0]], rows[0], sem)
    load_idx(1, 1)
    g0.wait()

    @pl.loop(0, (N_CH - 2) // 2)
    def _outer(o):
        for j in range(2):
            ci = o * 2 + j + 1
            b = (j + 1) % 2
            nb = j % 2
            g = pltpu.async_copy(table.at[gv[b]], rows[b], sem)
            scatter(nb)
            load_idx(ci + 1, nb)
            g.wait()

    g = pltpu.async_copy(table.at[gv[1]], rows[1], sem)
    scatter(0)
    g.wait()
    scatter(1)

    plsc.subcore_barrier()

    pltpu.sync_copy(acc_sh.at[pl.ds(z0, FROWS)],
                    acc_out.at[c, pl.ds(z0, FROWS)])
    pltpu.sync_copy(deg_sh.at[pl.ds(z0, FROWS)],
                    deg_out.at[c, pl.ds(z0, FROWS)])


_RB = 1024


def _combine1_body(acc_ref, deg_ref, w_ref, out_ref):
    e = acc_ref[0] + acc_ref[1]
    d = (deg_ref[0] + deg_ref[1])[:, None]
    t = lax.dot_general(e, w_ref[...], (((1,), (1,)), ((), ())),
                        preferred_element_type=jnp.float32)
    out_ref[...] = jnp.where(d > 0, t / jnp.where(d > 0, d, 1.0), 0.0)


def _combine2_body(acc_ref, deg_ref, bias_ref, out_ref):
    e = acc_ref[0] + acc_ref[1]
    d = (deg_ref[0] + deg_ref[1])[:, None]
    out_ref[...] = jnp.where(d > 0, e / jnp.where(d > 0, d, 1.0), 0.0) \
        + bias_ref[...]


def _combine1(acc, deg, W):
    return pl.pallas_call(
        _combine1_body,
        grid=(N_PAD // _RB,),
        in_specs=[
            pl.BlockSpec((NC, _RB, CH_F), lambda i: (0, i, 0)),
            pl.BlockSpec((NC, _RB), lambda i: (0, i)),
            pl.BlockSpec((CH_F, CH_F), lambda i: (0, 0)),
        ],
        out_specs=pl.BlockSpec((_RB, CH_F), lambda i: (i, 0)),
        out_shape=jax.ShapeDtypeStruct((N_PAD, CH_F), jnp.float32),
    )(acc, deg, W)


def _combine2(acc, deg, bias2d):
    return pl.pallas_call(
        _combine2_body,
        grid=(N_PAD // _RB,),
        in_specs=[
            pl.BlockSpec((NC, _RB, CH_F), lambda i: (0, i, 0)),
            pl.BlockSpec((NC, _RB), lambda i: (0, i)),
            pl.BlockSpec((1, CH_F), lambda i: (0, 0)),
        ],
        out_specs=pl.BlockSpec((_RB, CH_F), lambda i: (i, 0)),
        out_shape=jax.ShapeDtypeStruct((N_PAD, CH_F), jnp.float32),
    )(acc, deg, bias2d)


def _pad_gather(idx):
    pad = (jnp.arange(INC_PAD - N_INC, dtype=jnp.int32) * 37) % N_ROWS
    return jnp.concatenate([idx, pad])


def _pad_scatter(idx):
    pad = N_ROWS + (jnp.arange(INC_PAD - N_INC, dtype=jnp.int32)
                    % (N_PAD - N_ROWS))
    return jnp.concatenate([idx, pad])


def kernel(x, hyperedge_index, W, bias):
    idx_node = hyperedge_index[0].astype(jnp.int32)
    idx_edge = hyperedge_index[1].astype(jnp.int32)
    node_g = _pad_gather(idx_node)
    node_s = _pad_scatter(idx_node)
    edge_g = _pad_gather(idx_edge)
    edge_s = _pad_scatter(idx_edge)

    acc_e, deg_e = _sc_phase(x, node_g, edge_s)
    t_edge = _combine1(acc_e, deg_e, W)
    acc_n, deg_n = _sc_phase(t_edge, edge_g, node_s)
    out = _combine2(acc_n, deg_n, bias.reshape(1, CH_F))
    return out[:N_ROWS]

# --- scband reference (transcript-rebuilt; emitter-appended) ---
"""Pipeline reference for scband-hgcn-embedding-53180285059692 (READ-ONLY COPY).

The authoritative reference and input builder live on the scoring server;
editing this copy changes nothing except your own understanding.
"""

import jax, jax.numpy as jnp
import numpy as np

N_NODES = 10000
NUM_EDGES = 10000  # hyperedge ids drawn from [0, 10000)
N_INC = 320000
IN_CH = 128
OUT_CH = 128


def setup_inputs(seed: int = 0) -> dict:
    key = jax.random.key(seed)
    k1, k2, k3, k4 = jax.random.split(key, 4)
    x = jax.random.normal(k1, (N_NODES, IN_CH), dtype=jnp.float32)
    hyperedge_index = jax.random.randint(k2, (2, N_INC), 0, N_NODES, dtype=jnp.int64)
    # glorot-style linear weight (torch Linear stores [out, in])
    limit = float(np.sqrt(6.0 / (IN_CH + OUT_CH)))
    W = jax.random.uniform(k3, (OUT_CH, IN_CH), dtype=jnp.float32, minval=-limit, maxval=limit)
    bias = jax.random.normal(k4, (OUT_CH,), dtype=jnp.float32) * 0.01
    return {"x": x, "hyperedge_index": hyperedge_index, "W": W, "bias": bias}


def reference(x, hyperedge_index, W, bias):
    num_nodes = x.shape[0]
    num_edges = NUM_EDGES
    idx_node = hyperedge_index[0]
    idx_edge = hyperedge_index[1]

    # x = self.lin(x)
    xw = x @ W.T

    # hyperedge_weight defaults to ones(num_edges)
    hyperedge_weight = jnp.ones((num_edges,), dtype=x.dtype)

    # D = scatter_sum(hyperedge_weight[idx_edge], idx_node, dim_size=num_nodes); D = 1/D, inf->0
    D = jax.ops.segment_sum(hyperedge_weight[idx_edge], idx_node, num_segments=num_nodes)
    D = jnp.where(D == 0, jnp.zeros_like(D), 1.0 / D)

    # B = scatter_sum(ones(E), idx_edge, dim_size=num_edges); B = 1/B, inf->0
    B = jax.ops.segment_sum(jnp.ones((idx_node.shape[0],), dtype=x.dtype), idx_edge, num_segments=num_edges)
    B = jnp.where(B == 0, jnp.zeros_like(B), 1.0 / B)

    # propagate 1: nodes -> hyperedges, message = norm_i (B at target edge) * x_j (source node feat)
    msg1 = B[idx_edge][:, None] * xw[idx_node]
    out_edges = jax.ops.segment_sum(msg1, idx_edge, num_segments=num_edges)

    # propagate 2 (flipped): hyperedges -> nodes, message = norm_i (D at target node) * out_edges[source edge]
    msg2 = D[idx_node][:, None] * out_edges[idx_edge]
    out_nodes = jax.ops.segment_sum(msg2, idx_node, num_segments=num_nodes)

    # heads=1, concat=True -> view is identity; add bias
    out = out_nodes + bias
    return out

if __name__ == "__main__":
    import jax
    _d = setup_inputs()
    print(jax.jit(kernel)(*tuple(_d.values())))

</pallas_src>

<mosaic_0001>
#map = affine_map<(d0, d1) -> (0, 0)>
#map1 = affine_map<(d0, d1) -> (0)>
#map2 = affine_map<(d0, d1) -> (0, 0, 0)>
module attributes {stable_mosaic.version = 14 : i64} {
  func.func @_sc_phase(%arg0: i32, %arg1: i32, %arg2: memref<10240x128xf32, #tpu.memory_space<hbm>>, %arg3: memref<327680xi32, #tpu.memory_space<hbm>>, %arg4: memref<327680xi32, #tpu.memory_space<hbm>>, %arg5: memref<2x10240x128xf32, #tpu.memory_space<hbm>>, %arg6: memref<2x10240xf32, #tpu.memory_space<hbm>>, %arg7: memref<128xi32, #tpu.memory_space<vmem>>, %arg8: memref<128xi32, #tpu.memory_space<vmem>>, %arg9: memref<128xi32, #tpu.memory_space<vmem>>, %arg10: memref<128xi32, #tpu.memory_space<vmem>>, %arg11: memref<128x128xf32, #tpu.memory_space<vmem>>, %arg12: memref<128x128xf32, #tpu.memory_space<vmem>>, %arg13: memref<128xf32, #tpu.memory_space<vmem>>, %arg14: memref<32x128xf32, #tpu.memory_space<vmem>>, %arg15: memref<640xf32, #tpu.memory_space<vmem>>, %arg16: memref<10240x128xf32, #tpu.memory_space<vmem_shared>>, %arg17: memref<10240xf32, #tpu.memory_space<vmem_shared>>, %arg18: memref<!tpu.dma_semaphore, #tpu.memory_space<semaphore_mem>>) attributes {dimension_semantics = [#tpu.dimension_semantics<core_parallel>, #tpu.dimension_semantics<subcore_parallel>], iteration_bounds = array<i64: 2, 16>, scalar_prefetch = 0 : i64, scratch_operands = 12 : i64, tpu.core_type = #tpu.core_type<sc_vector_subcore>, window_params = [{transform_indices = #map}, {transform_indices = #map1}, {transform_indices = #map1}, {transform_indices = #map2}, {transform_indices = #map}]} {
    %mul3A = arith.constant 16 : i32
    %mul3A_0 = arith.muli %arg0, %mul3A : i32
    %add3A = arith.addi %mul3A_0, %arg1 : i32
    %mul3A_1 = arith.constant 10240 : i32
    %mul3A_2 = arith.muli %add3A, %mul3A_1 : i32
    %broadcast_in_dim3A = arith.constant 0.000000e+00 : f32
    %broadcast_in_dim3A_3 = vector.broadcast %broadcast_in_dim3A : f32 to vector<16xf32>
    %scan3A = arith.constant 0 : i32
    %scan3A_4 = arith.constant 8 : i32
    %scan3A_5 = arith.addi %scan3A, %scan3A_4 : i32
    %scan3A_6 = arith.constant 1 : i32
    scf.for %scan3A_80 = %scan3A to %scan3A_5 step %scan3A_6  : i32 {
      %mul3A_81 = arith.constant 1 : i32
      %mul3A_82 = arith.muli %scan3A_80, %mul3A_81 : i32
      %add3A_83 = arith.constant 0 : i32
      %add3A_84 = arith.addi %add3A_83, %mul3A_82 : i32
      %broadcast_in_dim3A_85 = arith.constant 1.000000e+00 : f32
      %broadcast_in_dim3A_86 = vector.broadcast %broadcast_in_dim3A_85 : f32 to vector<16xf32>
      %mul3A_87 = arith.constant 16 : i32
      %mul3A_88 = arith.muli %add3A_84, %mul3A_87 : i32
      %swap3A = arith.index_cast %mul3A_88 : i32 to index
      %swap3A_89 = tpu.vector_load %arg13[%swap3A] {strides = array<i32>} : memref<128xf32, #tpu.memory_space<vmem>>, vector<16xf32>,
      %swap3A_90 = vector.shape_cast %swap3A_89 : vector<16xf32> to vector<16xf32>
      %swap3A_91 = vector.shape_cast %broadcast_in_dim3A_86 : vector<16xf32> to vector<16xf32>
      tpu.vector_store %arg13[%swap3A], %swap3A_91 {strides = array<i32>} : memref<128xf32, #tpu.memory_space<vmem>>, vector<16xf32>,
    }
    %scan3A_7 = arith.constant 8 : i32
    %scan3A_8 = arith.constant 0 : i32
    %scan3A_9 = arith.constant 32 : i32
    %scan3A_10 = arith.addi %scan3A_8, %scan3A_9 : i32
    %scan3A_11 = arith.constant 1 : i32
    scf.for %scan3A_80 = %scan3A_8 to %scan3A_10 step %scan3A_11  : i32 {
      %mul3A_81 = arith.constant 1 : i32
      %mul3A_82 = arith.muli %scan3A_80, %mul3A_81 : i32
      %add3A_83 = arith.constant 0 : i32
      %add3A_84 = arith.addi %add3A_83, %mul3A_82 : i32
      %swap3A = arith.index_cast %add3A_84 : i32 to index
      %swap3A_85 = arith.constant 0 : index
      %swap3A_86 = tpu.vector_load %arg14[%swap3A, %swap3A_85] {strides = array<i32>} : memref<32x128xf32, #tpu.memory_space<vmem>>, vector<1x16xf32>,
      %swap3A_87 = vector.shape_cast %swap3A_86 : vector<1x16xf32> to vector<16xf32>
      %swap3A_88 = vector.shape_cast %broadcast_in_dim3A_3 : vector<16xf32> to vector<1x16xf32>
      tpu.vector_store %arg14[%swap3A, %swap3A_85], %swap3A_88 {strides = array<i32>} : memref<32x128xf32, #tpu.memory_space<vmem>>, vector<1x16xf32>,
      %swap3A_89 = arith.index_cast %add3A_84 : i32 to index
      %swap3A_90 = arith.constant 16 : index
      %swap3A_91 = tpu.vector_load %arg14[%swap3A_89, %swap3A_90] {strides = array<i32>} : memref<32x128xf32, #tpu.memory_space<vmem>>, vector<1x16xf32>,
      %swap3A_92 = vector.shape_cast %swap3A_91 : vector<1x16xf32> to vector<16xf32>
      %swap3A_93 = vector.shape_cast %broadcast_in_dim3A_3 : vector<16xf32> to vector<1x16xf32>
      tpu.vector_store %arg14[%swap3A_89, %swap3A_90], %swap3A_93 {strides = array<i32>} : memref<32x128xf32, #tpu.memory_space<vmem>>, vector<1x16xf32>,
      %swap3A_94 = arith.index_cast %add3A_84 : i32 to index
      %swap3A_95 = arith.constant 32 : index
      %swap3A_96 = tpu.vector_load %arg14[%swap3A_94, %swap3A_95] {strides = array<i32>} : memref<32x128xf32, #tpu.memory_space<vmem>>, vector<1x16xf32>,
      %swap3A_97 = vector.shape_cast %swap3A_96 : vector<1x16xf32> to vector<16xf32>
      %swap3A_98 = vector.shape_cast %broadcast_in_dim3A_3 : vector<16xf32> to vector<1x16xf32>
      tpu.vector_store %arg14[%swap3A_94, %swap3A_95], %swap3A_98 {strides = array<i32>} : memref<32x128xf32, #tpu.memory_space<vmem>>, vector<1x16xf32>,
      %swap3A_99 = arith.index_cast %add3A_84 : i32 to index
      %swap3A_100 = arith.constant 48 : index
      %swap3A_101 = tpu.vector_load %arg14[%swap3A_99, %swap3A_100] {strides = array<i32>} : memref<32x128xf32, #tpu.memory_space<vmem>>, vector<1x16xf32>,
      %swap3A_102 = vector.shape_cast %swap3A_101 : vector<1x16xf32> to vector<16xf32>
      %swap3A_103 = vector.shape_cast %broadcast_in_dim3A_3 : vector<16xf32> to vector<1x16xf32>
      tpu.vector_store %arg14[%swap3A_99, %swap3A_100], %swap3A_103 {strides = array<i32>} : memref<32x128xf32, #tpu.memory_space<vmem>>, vector<1x16xf32>,
      %swap3A_104 = arith.index_cast %add3A_84 : i32 to index
      %swap3A_105 = arith.constant 64 : index
      %swap3A_106 = tpu.vector_load %arg14[%swap3A_104, %swap3A_105] {strides = array<i32>} : memref<32x128xf32, #tpu.memory_space<vmem>>, vector<1x16xf32>,
      %swap3A_107 = vector.shape_cast %swap3A_106 : vector<1x16xf32> to vector<16xf32>
      %swap3A_108 = vector.shape_cast %broadcast_in_dim3A_3 : vector<16xf32> to vector<1x16xf32>
      tpu.vector_store %arg14[%swap3A_104, %swap3A_105], %swap3A_108 {strides = array<i32>} : memref<32x128xf32, #tpu.memory_space<vmem>>, vector<1x16xf32>,
      %swap3A_109 = arith.index_cast %add3A_84 : i32 to index
      %swap3A_110 = arith.constant 80 : index
      %swap3A_111 = tpu.vector_load %arg14[%swap3A_109, %swap3A_110] {strides = array<i32>} : memref<32x128xf32, #tpu.memory_space<vmem>>, vector<1x16xf32>,
      %swap3A_112 = vector.shape_cast %swap3A_111 : vector<1x16xf32> to vector<16xf32>
      %swap3A_113 = vector.shape_cast %broadcast_in_dim3A_3 : vector<16xf32> to vector<1x16xf32>
      tpu.vector_store %arg14[%swap3A_109, %swap3A_110], %swap3A_113 {strides = array<i32>} : memref<32x128xf32, #tpu.memory_space<vmem>>, vector<1x16xf32>,
      %swap3A_114 = arith.index_cast %add3A_84 : i32 to index
      %swap3A_115 = arith.constant 96 : index
      %swap3A_116 = tpu.vector_load %arg14[%swap3A_114, %swap3A_115] {strides = array<i32>} : memref<32x128xf32, #tpu.memory_space<vmem>>, vector<1x16xf32>,
      %swap3A_117 = vector.shape_cast %swap3A_116 : vector<1x16xf32> to vector<16xf32>
      %swap3A_118 = vector.shape_cast %broadcast_in_dim3A_3 : vector<16xf32> to vector<1x16xf32>
      tpu.vector_store %arg14[%swap3A_114, %swap3A_115], %swap3A_118 {strides = array<i32>} : memref<32x128xf32, #tpu.memory_space<vmem>>, vector<1x16xf32>,
      %swap3A_119 = arith.index_cast %add3A_84 : i32 to index
      %swap3A_120 = arith.constant 112 : index
      %swap3A_121 = tpu.vector_load %arg14[%swap3A_119, %swap3A_120] {strides = array<i32>} : memref<32x128xf32, #tpu.memory_space<vmem>>, vector<1x16xf32>,
      %swap3A_122 = vector.shape_cast %swap3A_121 : vector<1x16xf32> to vector<16xf32>
      %swap3A_123 = vector.shape_cast %broadcast_in_dim3A_3 : vector<16xf32> to vector<1x16xf32>
      tpu.vector_store %arg14[%swap3A_119, %swap3A_120], %swap3A_123 {strides = array<i32>} : memref<32x128xf32, #tpu.memory_space<vmem>>, vector<1x16xf32>,
    }
    %scan3A_12 = arith.constant 32 : i32
    %scan3A_13 = arith.constant 0 : i32
    %scan3A_14 = arith.constant 40 : i32
    %scan3A_15 = arith.addi %scan3A_13, %scan3A_14 : i32
    %scan3A_16 = arith.constant 1 : i32
    scf.for %scan3A_80 = %scan3A_13 to %scan3A_15 step %scan3A_16  : i32 {
      %mul3A_81 = arith.constant 1 : i32
      %mul3A_82 = arith.muli %scan3A_80, %mul3A_81 : i32
      %add3A_83 = arith.constant 0 : i32
      %add3A_84 = arith.addi %add3A_83, %mul3A_82 : i32
      %mul3A_85 = arith.constant 16 : i32
      %mul3A_86 = arith.muli %add3A_84, %mul3A_85 : i32
      %swap3A = arith.index_cast %mul3A_86 : i32 to index
      %swap3A_87 = tpu.vector_load %arg15[%swap3A] {strides = array<i32>} : memref<640xf32, #tpu.memory_space<vmem>>, vector<16xf32>,
      %swap3A_88 = vector.shape_cast %swap3A_87 : vector<16xf32> to vector<16xf32>
      %swap3A_89 = vector.shape_cast %broadcast_in_dim3A_3 : vector<16xf32> to vector<16xf32>
      tpu.vector_store %arg15[%swap3A], %swap3A_89 {strides = array<i32>} : memref<640xf32, #tpu.memory_space<vmem>>, vector<16xf32>,
    }
    %scan3A_17 = arith.constant 40 : i32
    %mul3A_18 = arith.constant 640 : i32
    %mul3A_19 = arith.muli %arg1, %mul3A_18 : i32
    %add3A_20 = arith.constant 0 : i32
    %add3A_21 = arith.addi %mul3A_19, %add3A_20 : i32
    "tpu.region"() ({
      %run_scoped3A = tpu.sem_alloc : memref<!tpu.dma_semaphore, #tpu.memory_space<semaphore_mem>>
      %dma_start3A_80 = arith.constant 0 : i32
      %dma_start3A_81 = tpu.memref_slice %arg16[%add3A_21, %dma_start3A_80] : memref<10240x128xf32, #tpu.memory_space<vmem_shared>> -> memref<32x128xf32, #tpu.memory_space<vmem_shared>>
      %dma_start3A_82 = arith.constant 0 : i32
      %dma_start3A_83 = tpu.memref_slice %arg16[%add3A_21, %dma_start3A_82] : memref<10240x128xf32, #tpu.memory_space<vmem_shared>> -> memref<32x128xf32, #tpu.memory_space<vmem_shared>>
      tpu.enqueue_dma source(%arg14 : memref<32x128xf32, #tpu.memory_space<vmem>>) target(%dma_start3A_83 : memref<32x128xf32, #tpu.memory_space<vmem_shared>>) target_semaphore(%run_scoped3A : memref<!tpu.dma_semaphore, #tpu.memory_space<semaphore_mem>>)
      %dma_wait3A_84 = arith.constant 0 : i32
      %dma_wait3A_85 = tpu.memref_slice %arg16[%add3A_21, %dma_wait3A_84] : memref<10240x128xf32, #tpu.memory_space<vmem_shared>> -> memref<32x128xf32, #tpu.memory_space<vmem_shared>>
      %dma_wait3A_86 = arith.constant 0 : i32
      %dma_wait3A_87 = tpu.memref_slice %arg16[%add3A_21, %dma_wait3A_86] : memref<10240x128xf32, #tpu.memory_space<vmem_shared>> -> memref<32x128xf32, #tpu.memory_space<vmem_shared>>
      tpu.wait_dma2 semaphore(%run_scoped3A : memref<!tpu.dma_semaphore, #tpu.memory_space<semaphore_mem>>) src(%arg14 : memref<32x128xf32, #tpu.memory_space<vmem>>) dst(%dma_wait3A_87 : memref<32x128xf32, #tpu.memory_space<vmem_shared>>)
      tpu.yield
    }) : () -> ()
    %add3A_22 = arith.constant 32 : i32
    %add3A_23 = arith.addi %mul3A_19, %add3A_22 : i32
    "tpu.region"() ({
      %run_scoped3A = tpu.sem_alloc : memref<!tpu.dma_semaphore, #tpu.memory_space<semaphore_mem>>
      %dma_start3A_80 = arith.constant 0 : i32
      %dma_start3A_81 = tpu.memref_slice %arg16[%add3A_23, %dma_start3A_80] : memref<10240x128xf32, #tpu.memory_space<vmem_shared>> -> memref<32x128xf32, #tpu.memory_space<vmem_shared>>
      %dma_start3A_82 = arith.constant 0 : i32
      %dma_start3A_83 = tpu.memref_slice %arg16[%add3A_23, %dma_start3A_82] : memref<10240x128xf32, #tpu.memory_space<vmem_shared>> -> memref<32x128xf32, #tpu.memory_space<vmem_shared>>
      tpu.enqueue_dma source(%arg14 : memref<32x128xf32, #tpu.memory_space<vmem>>) target(%dma_start3A_83 : memref<32x128xf32, #tpu.memory_space<vmem_shared>>) target_semaphore(%run_scoped3A : memref<!tpu.dma_semaphore, #tpu.memory_space<semaphore_mem>>)
      %dma_wait3A_84 = arith.constant 0 : i32
      %dma_wait3A_85 = tpu.memref_slice %arg16[%add3A_23, %dma_wait3A_84] : memref<10240x128xf32, #tpu.memory_space<vmem_shared>> -> memref<32x128xf32, #tpu.memory_space<vmem_shared>>
      %dma_wait3A_86 = arith.constant 0 : i32
      %dma_wait3A_87 = tpu.memref_slice %arg16[%add3A_23, %dma_wait3A_86] : memref<10240x128xf32, #tpu.memory_space<vmem_shared>> -> memref<32x128xf32, #tpu.memory_space<vmem_shared>>
      tpu.wait_dma2 semaphore(%run_scoped3A : memref<!tpu.dma_semaphore, #tpu.memory_space<semaphore_mem>>) src(%arg14 : memref<32x128xf32, #tpu.memory_space<vmem>>) dst(%dma_wait3A_87 : memref<32x128xf32, #tpu.memory_space<vmem_shared>>)
      tpu.yield
    }) : () -> ()
    %add3A_24 = arith.constant 64 : i32
    %add3A_25 = arith.addi %mul3A_19, %add3A_24 : i32
    "tpu.region"() ({
      %run_scoped3A = tpu.sem_alloc : memref<!tpu.dma_semaphore, #tpu.memory_space<semaphore_mem>>
      %dma_start3A_80 = arith.constant 0 : i32
      %dma_start3A_81 = tpu.memref_slice %arg16[%add3A_25, %dma_start3A_80] : memref<10240x128xf32, #tpu.memory_space<vmem_shared>> -> memref<32x128xf32, #tpu.memory_space<vmem_shared>>
      %dma_start3A_82 = arith.constant 0 : i32
      %dma_start3A_83 = tpu.memref_slice %arg16[%add3A_25, %dma_start3A_82] : memref<10240x128xf32, #tpu.memory_space<vmem_shared>> -> memref<32x128xf32, #tpu.memory_space<vmem_shared>>
      tpu.enqueue_dma source(%arg14 : memref<32x128xf32, #tpu.memory_space<vmem>>) target(%dma_start3A_83 : memref<32x128xf32, #tpu.memory_space<vmem_shared>>) target_semaphore(%run_scoped3A : memref<!tpu.dma_semaphore, #tpu.memory_space<semaphore_mem>>)
      %dma_wait3A_84 = arith.constant 0 : i32
      %dma_wait3A_85 = tpu.memref_slice %arg16[%add3A_25, %dma_wait3A_84] : memref<10240x128xf32, #tpu.memory_space<vmem_shared>> -> memref<32x128xf32, #tpu.memory_space<vmem_shared>>
      %dma_wait3A_86 = arith.constant 0 : i32
      %dma_wait3A_87 = tpu.memref_slice %arg16[%add3A_25, %dma_wait3A_86] : memref<10240x128xf32, #tpu.memory_space<vmem_shared>> -> memref<32x128xf32, #tpu.memory_space<vmem_shared>>
      tpu.wait_dma2 semaphore(%run_scoped3A : memref<!tpu.dma_semaphore, #tpu.memory_space<semaphore_mem>>) src(%arg14 : memref<32x128xf32, #tpu.memory_space<vmem>>) dst(%dma_wait3A_87 : memref<32x128xf32, #tpu.memory_space<vmem_shared>>)
      tpu.yield
    }) : () -> ()
    %add3A_26 = arith.constant 96 : i32
    %add3A_27 = arith.addi %mul3A_19, %add3A_26 : i32
    "tpu.region"() ({
      %run_scoped3A = tpu.sem_alloc : memref<!tpu.dma_semaphore, #tpu.memory_space<semaphore_mem>>
      %dma_start3A_80 = arith.constant 0 : i32
      %dma_start3A_81 = tpu.memref_slice %arg16[%add3A_27, %dma_start3A_80] : memref<10240x128xf32, #tpu.memory_space<vmem_shared>> -> memref<32x128xf32, #tpu.memory_space<vmem_shared>>
      %dma_start3A_82 = arith.constant 0 : i32
      %dma_start3A_83 = tpu.memref_slice %arg16[%add3A_27, %dma_start3A_82] : memref<10240x128xf32, #tpu.memory_space<vmem_shared>> -> memref<32x128xf32, #tpu.memory_space<vmem_shared>>
      tpu.enqueue_dma source(%arg14 : memref<32x128xf32, #tpu.memory_space<vmem>>) target(%dma_start3A_83 : memref<32x128xf32, #tpu.memory_space<vmem_shared>>) target_semaphore(%run_scoped3A : memref<!tpu.dma_semaphore, #tpu.memory_space<semaphore_mem>>)
      %dma_wait3A_84 = arith.constant 0 : i32
      %dma_wait3A_85 = tpu.memref_slice %arg16[%add3A_27, %dma_wait3A_84] : memref<10240x128xf32, #tpu.memory_space<vmem_shared>> -> memref<32x128xf32, #tpu.memory_space<vmem_shared>>
      %dma_wait3A_86 = arith.constant 0 : i32
      %dma_wait3A_87 = tpu.memref_slice %arg16[%add3A_27, %dma_wait3A_86] : memref<10240x128xf32, #tpu.memory_space<vmem_shared>> -> memref<32x128xf32, #tpu.memory_space<vmem_shared>>
      tpu.wait_dma2 semaphore(%run_scoped3A : memref<!tpu.dma_semaphore, #tpu.memory_space<semaphore_mem>>) src(%arg14 : memref<32x128xf32, #tpu.memory_space<vmem>>) dst(%dma_wait3A_87 : memref<32x128xf32, #tpu.memory_space<vmem_shared>>)
      tpu.yield
    }) : () -> ()
    %add3A_28 = arith.constant 128 : i32
    %add3A_29 = arith.addi %mul3A_19, %add3A_28 : i32
    "tpu.region"() ({
      %run_scoped3A = tpu.sem_alloc : memref<!tpu.dma_semaphore, #tpu.memory_space<semaphore_mem>>
      %dma_start3A_80 = arith.constant 0 : i32
      %dma_start3A_81 = tpu.memref_slice %arg16[%add3A_29, %dma_start3A_80] : memref<10240x128xf32, #tpu.memory_space<vmem_shared>> -> memref<32x128xf32, #tpu.memory_space<vmem_shared>>
      %dma_start3A_82 = arith.constant 0 : i32
      %dma_start3A_83 = tpu.memref_slice %arg16[%add3A_29, %dma_start3A_82] : memref<10240x128xf32, #tpu.memory_space<vmem_shared>> -> memref<32x128xf32, #tpu.memory_space<vmem_shared>>
      tpu.enqueue_dma source(%arg14 : memref<32x128xf32, #tpu.memory_space<vmem>>) target(%dma_start3A_83 : memref<32x128xf32, #tpu.memory_space<vmem_shared>>) target_semaphore(%run_scoped3A : memref<!tpu.dma_semaphore, #tpu.memory_space<semaphore_mem>>)
      %dma_wait3A_84 = arith.constant 0 : i32
      %dma_wait3A_85 = tpu.memref_slice %arg16[%add3A_29, %dma_wait3A_84] : memref<10240x128xf32, #tpu.memory_space<vmem_shared>> -> memref<32x128xf32, #tpu.memory_space<vmem_shared>>
      %dma_wait3A_86 = arith.constant 0 : i32
      %dma_wait3A_87 = tpu.memref_slice %arg16[%add3A_29, %dma_wait3A_86] : memref<10240x128xf32, #tpu.memory_space<vmem_shared>> -> memref<32x128xf32, #tpu.memory_space<vmem_shared>>
      tpu.wait_dma2 semaphore(%run_scoped3A : memref<!tpu.dma_semaphore, #tpu.memory_space<semaphore_mem>>) src(%arg14 : memref<32x128xf32, #tpu.memory_space<vmem>>) dst(%dma_wait3A_87 : memref<32x128xf32, #tpu.memory_space<vmem_shared>>)
      tpu.yield
    }) : () -> ()
    %add3A_30 = arith.constant 160 : i32
    %add3A_31 = arith.addi %mul3A_19, %add3A_30 : i32
    "tpu.region"() ({
      %run_scoped3A = tpu.sem_alloc : memref<!tpu.dma_semaphore, #tpu.memory_space<semaphore_mem>>
      %dma_start3A_80 = arith.constant 0 : i32
      %dma_start3A_81 = tpu.memref_slice %arg16[%add3A_31, %dma_start3A_80] : memref<10240x128xf32, #tpu.memory_space<vmem_shared>> -> memref<32x128xf32, #tpu.memory_space<vmem_shared>>
      %dma_start3A_82 = arith.constant 0 : i32
      %dma_start3A_83 = tpu.memref_slice %arg16[%add3A_31, %dma_start3A_82] : memref<10240x128xf32, #tpu.memory_space<vmem_shared>> -> memref<32x128xf32, #tpu.memory_space<vmem_shared>>
      tpu.enqueue_dma source(%arg14 : memref<32x128xf32, #tpu.memory_space<vmem>>) target(%dma_start3A_83 : memref<32x128xf32, #tpu.memory_space<vmem_shared>>) target_semaphore(%run_scoped3A : memref<!tpu.dma_semaphore, #tpu.memory_space<semaphore_mem>>)
      %dma_wait3A_84 = arith.constant 0 : i32
      %dma_wait3A_85 = tpu.memref_slice %arg16[%add3A_31, %dma_wait3A_84] : memref<10240x128xf32, #tpu.memory_space<vmem_shared>> -> memref<32x128xf32, #tpu.memory_space<vmem_shared>>
      %dma_wait3A_86 = arith.constant 0 : i32
      %dma_wait3A_87 = tpu.memref_slice %arg16[%add3A_31, %dma_wait3A_86] : memref<10240x128xf32, #tpu.memory_space<vmem_shared>> -> memref<32x128xf32, #tpu.memory_space<vmem_shared>>
      tpu.wait_dma2 semaphore(%run_scoped3A : memref<!tpu.dma_semaphore, #tpu.memory_space<semaphore_mem>>) src(%arg14 : memref<32x128xf32, #tpu.memory_space<vmem>>) dst(%dma_wait3A_87 : memref<32x128xf32, #tpu.memory_space<vmem_shared>>)
      tpu.yield
    }) : () -> ()
    %add3A_32 = arith.constant 192 : i32
    %add3A_33 = arith.addi %mul3A_19, %add3A_32 : i32
    "tpu.region"() ({
      %run_scoped3A = tpu.sem_alloc : memref<!tpu.dma_semaphore, #tpu.memory_space<semaphore_mem>>
      %dma_start3A_80 = arith.constant 0 : i32
      %dma_start3A_81 = tpu.memref_slice %arg16[%add3A_33, %dma_start3A_80] : memref<10240x128xf32, #tpu.memory_space<vmem_shared>> -> memref<32x128xf32, #tpu.memory_space<vmem_shared>>
      %dma_start3A_82 = arith.constant 0 : i32
      %dma_start3A_83 = tpu.memref_slice %arg16[%add3A_33, %dma_start3A_82] : memref<10240x128xf32, #tpu.memory_space<vmem_shared>> -> memref<32x128xf32, #tpu.memory_space<vmem_shared>>
      tpu.enqueue_dma source(%arg14 : memref<32x128xf32, #tpu.memory_space<vmem>>) target(%dma_start3A_83 : memref<32x128xf32, #tpu.memory_space<vmem_shared>>) target_semaphore(%run_scoped3A : memref<!tpu.dma_semaphore, #tpu.memory_space<semaphore_mem>>)
      %dma_wait3A_84 = arith.constant 0 : i32
      %dma_wait3A_85 = tpu.memref_slice %arg16[%add3A_33, %dma_wait3A_84] : memref<10240x128xf32, #tpu.memory_space<vmem_shared>> -> memref<32x128xf32, #tpu.memory_space<vmem_shared>>
      %dma_wait3A_86 = arith.constant 0 : i32
      %dma_wait3A_87 = tpu.memref_slice %arg16[%add3A_33, %dma_wait3A_86] : memref<10240x128xf32, #tpu.memory_space<vmem_shared>> -> memref<32x128xf32, #tpu.memory_space<vmem_shared>>
      tpu.wait_dma2 semaphore(%run_scoped3A : memref<!tpu.dma_semaphore, #tpu.memory_space<semaphore_mem>>) src(%arg14 : memref<32x128xf32, #tpu.memory_space<vmem>>) dst(%dma_wait3A_87 : memref<32x128xf32, #tpu.memory_space<vmem_shared>>)
      tpu.yield
    }) : () -> ()
    %add3A_34 = arith.constant 224 : i32
    %add3A_35 = arith.addi %mul3A_19, %add3A_34 : i32
    "tpu.region"() ({
      %run_scoped3A = tpu.sem_alloc : memref<!tpu.dma_semaphore, #tpu.memory_space<semaphore_mem>>
      %dma_start3A_80 = arith.constant 0 : i32
      %dma_start3A_81 = tpu.memref_slice %arg16[%add3A_35, %dma_start3A_80] : memref<10240x128xf32, #tpu.memory_space<vmem_shared>> -> memref<32x128xf32, #tpu.memory_space<vmem_shared>>
      %dma_start3A_82 = arith.constant 0 : i32
      %dma_start3A_83 = tpu.memref_slice %arg16[%add3A_35, %dma_start3A_82] : memref<10240x128xf32, #tpu.memory_space<vmem_shared>> -> memref<32x128xf32, #tpu.memory_space<vmem_shared>>
      tpu.enqueue_dma source(%arg14 : memref<32x128xf32, #tpu.memory_space<vmem>>) target(%dma_start3A_83 : memref<32x128xf32, #tpu.memory_space<vmem_shared>>) target_semaphore(%run_scoped3A : memref<!tpu.dma_semaphore, #tpu.memory_space<semaphore_mem>>)
      %dma_wait3A_84 = arith.constant 0 : i32
      %dma_wait3A_85 = tpu.memref_slice %arg16[%add3A_35, %dma_wait3A_84] : memref<10240x128xf32, #tpu.memory_space<vmem_shared>> -> memref<32x128xf32, #tpu.memory_space<vmem_shared>>
      %dma_wait3A_86 = arith.constant 0 : i32
      %dma_wait3A_87 = tpu.memref_slice %arg16[%add3A_35, %dma_wait3A_86] : memref<10240x128xf32, #tpu.memory_space<vmem_shared>> -> memref<32x128xf32, #tpu.memory_space<vmem_shared>>
      tpu.wait_dma2 semaphore(%run_scoped3A : memref<!tpu.dma_semaphore, #tpu.memory_space<semaphore_mem>>) src(%arg14 : memref<32x128xf32, #tpu.memory_space<vmem>>) dst(%dma_wait3A_87 : memref<32x128xf32, #tpu.memory_space<vmem_shared>>)
      tpu.yield
    }) : () -> ()
    %add3A_36 = arith.constant 256 : i32
    %add3A_37 = arith.addi %mul3A_19, %add3A_36 : i32
    "tpu.region"() ({
      %run_scoped3A = tpu.sem_alloc : memref<!tpu.dma_semaphore, #tpu.memory_space<semaphore_mem>>
      %dma_start3A_80 = arith.constant 0 : i32
      %dma_start3A_81 = tpu.memref_slice %arg16[%add3A_37, %dma_start3A_80] : memref<10240x128xf32, #tpu.memory_space<vmem_shared>> -> memref<32x128xf32, #tpu.memory_space<vmem_shared>>
      %dma_start3A_82 = arith.constant 0 : i32
      %dma_start3A_83 = tpu.memref_slice %arg16[%add3A_37, %dma_start3A_82] : memref<10240x128xf32, #tpu.memory_space<vmem_shared>> -> memref<32x128xf32, #tpu.memory_space<vmem_shared>>
      tpu.enqueue_dma source(%arg14 : memref<32x128xf32, #tpu.memory_space<vmem>>) target(%dma_start3A_83 : memref<32x128xf32, #tpu.memory_space<vmem_shared>>) target_semaphore(%run_scoped3A : memref<!tpu.dma_semaphore, #tpu.memory_space<semaphore_mem>>)
      %dma_wait3A_84 = arith.constant 0 : i32
      %dma_wait3A_85 = tpu.memref_slice %arg16[%add3A_37, %dma_wait3A_84] : memref<10240x128xf32, #tpu.memory_space<vmem_shared>> -> memref<32x128xf32, #tpu.memory_space<vmem_shared>>
      %dma_wait3A_86 = arith.constant 0 : i32
      %dma_wait3A_87 = tpu.memref_slice %arg16[%add3A_37, %dma_wait3A_86] : memref<10240x128xf32, #tpu.memory_space<vmem_shared>> -> memref<32x128xf32, #tpu.memory_space<vmem_shared>>
      tpu.wait_dma2 semaphore(%run_scoped3A : memref<!tpu.dma_semaphore, #tpu.memory_space<semaphore_mem>>) src(%arg14 : memref<32x128xf32, #tpu.memory_space<vmem>>) dst(%dma_wait3A_87 : memref<32x128xf32, #tpu.memory_space<vmem_shared>>)
      tpu.yield
    }) : () -> ()
    %add3A_38 = arith.constant 288 : i32
    %add3A_39 = arith.addi %mul3A_19, %add3A_38 : i32
    "tpu.region"() ({
      %run_scoped3A = tpu.sem_alloc : memref<!tpu.dma_semaphore, #tpu.memory_space<semaphore_mem>>
      %dma_start3A_80 = arith.constant 0 : i32
      %dma_start3A_81 = tpu.memref_slice %arg16[%add3A_39, %dma_start3A_80] : memref<10240x128xf32, #tpu.memory_space<vmem_shared>> -> memref<32x128xf32, #tpu.memory_space<vmem_shared>>
      %dma_start3A_82 = arith.constant 0 : i32
      %dma_start3A_83 = tpu.memref_slice %arg16[%add3A_39, %dma_start3A_82] : memref<10240x128xf32, #tpu.memory_space<vmem_shared>> -> memref<32x128xf32, #tpu.memory_space<vmem_shared>>
      tpu.enqueue_dma source(%arg14 : memref<32x128xf32, #tpu.memory_space<vmem>>) target(%dma_start3A_83 : memref<32x128xf32, #tpu.memory_space<vmem_shared>>) target_semaphore(%run_scoped3A : memref<!tpu.dma_semaphore, #tpu.memory_space<semaphore_mem>>)
      %dma_wait3A_84 = arith.constant 0 : i32
      %dma_wait3A_85 = tpu.memref_slice %arg16[%add3A_39, %dma_wait3A_84] : memref<10240x128xf32, #tpu.memory_space<vmem_shared>> -> memref<32x128xf32, #tpu.memory_space<vmem_shared>>
      %dma_wait3A_86 = arith.constant 0 : i32
      %dma_wait3A_87 = tpu.memref_slice %arg16[%add3A_39, %dma_wait3A_86] : memref<10240x128xf32, #tpu.memory_space<vmem_shared>> -> memref<32x128xf32, #tpu.memory_space<vmem_shared>>
      tpu.wait_dma2 semaphore(%run_scoped3A : memref<!tpu.dma_semaphore, #tpu.memory_space<semaphore_mem>>) src(%arg14 : memref<32x128xf32, #tpu.memory_space<vmem>>) dst(%dma_wait3A_87 : memref<32x128xf32, #tpu.memory_space<vmem_shared>>)
      tpu.yield
    }) : () -> ()
    %add3A_40 = arith.constant 320 : i32
    %add3A_41 = arith.addi %mul3A_19, %add3A_40 : i32
    "tpu.region"() ({
      %run_scoped3A = tpu.sem_alloc : memref<!tpu.dma_semaphore, #tpu.memory_space<semaphore_mem>>
      %dma_start3A_80 = arith.constant 0 : i32
      %dma_start3A_81 = tpu.memref_slice %arg16[%add3A_41, %dma_start3A_80] : memref<10240x128xf32, #tpu.memory_space<vmem_shared>> -> memref<32x128xf32, #tpu.memory_space<vmem_shared>>
      %dma_start3A_82 = arith.constant 0 : i32
      %dma_start3A_83 = tpu.memref_slice %arg16[%add3A_41, %dma_start3A_82] : memref<10240x128xf32, #tpu.memory_space<vmem_shared>> -> memref<32x128xf32, #tpu.memory_space<vmem_shared>>
      tpu.enqueue_dma source(%arg14 : memref<32x128xf32, #tpu.memory_space<vmem>>) target(%dma_start3A_83 : memref<32x128xf32, #tpu.memory_space<vmem_shared>>) target_semaphore(%run_scoped3A : memref<!tpu.dma_semaphore, #tpu.memory_space<semaphore_mem>>)
      %dma_wait3A_84 = arith.constant 0 : i32
      %dma_wait3A_85 = tpu.memref_slice %arg16[%add3A_41, %dma_wait3A_84] : memref<10240x128xf32, #tpu.memory_space<vmem_shared>> -> memref<32x128xf32, #tpu.memory_space<vmem_shared>>
      %dma_wait3A_86 = arith.constant 0 : i32
      %dma_wait3A_87 = tpu.memref_slice %arg16[%add3A_41, %dma_wait3A_86] : memref<10240x128xf32, #tpu.memory_space<vmem_shared>> -> memref<32x128xf32, #tpu.memory_space<vmem_shared>>
      tpu.wait_dma2 semaphore(%run_scoped3A : memref<!tpu.dma_semaphore, #tpu.memory_space<semaphore_mem>>) src(%arg14 : memref<32x128xf32, #tpu.memory_space<vmem>>) dst(%dma_wait3A_87 : memref<32x128xf32, #tpu.memory_space<vmem_shared>>)
      tpu.yield
    }) : () -> ()
    %add3A_42 = arith.constant 352 : i32
    %add3A_43 = arith.addi %mul3A_19, %add3A_42 : i32
    "tpu.region"() ({
      %run_scoped3A = tpu.sem_alloc : memref<!tpu.dma_semaphore, #tpu.memory_space<semaphore_mem>>
      %dma_start3A_80 = arith.constant 0 : i32
      %dma_start3A_81 = tpu.memref_slice %arg16[%add3A_43, %dma_start3A_80] : memref<10240x128xf32, #tpu.memory_space<vmem_shared>> -> memref<32x128xf32, #tpu.memory_space<vmem_shared>>
      %dma_start3A_82 = arith.constant 0 : i32
      %dma_start3A_83 = tpu.memref_slice %arg16[%add3A_43, %dma_start3A_82] : memref<10240x128xf32, #tpu.memory_space<vmem_shared>> -> memref<32x128xf32, #tpu.memory_space<vmem_shared>>
      tpu.enqueue_dma source(%arg14 : memref<32x128xf32, #tpu.memory_space<vmem>>) target(%dma_start3A_83 : memref<32x128xf32, #tpu.memory_space<vmem_shared>>) target_semaphore(%run_scoped3A : memref<!tpu.dma_semaphore, #tpu.memory_space<semaphore_mem>>)
      %dma_wait3A_84 = arith.constant 0 : i32
      %dma_wait3A_85 = tpu.memref_slice %arg16[%add3A_43, %dma_wait3A_84] : memref<10240x128xf32, #tpu.memory_space<vmem_shared>> -> memref<32x128xf32, #tpu.memory_space<vmem_shared>>
      %dma_wait3A_86 = arith.constant 0 : i32
      %dma_wait3A_87 = tpu.memref_slice %arg16[%add3A_43, %dma_wait3A_86] : memref<10240x128xf32, #tpu.memory_space<vmem_shared>> -> memref<32x128xf32, #tpu.memory_space<vmem_shared>>
      tpu.wait_dma2 semaphore(%run_scoped3A : memref<!tpu.dma_semaphore, #tpu.memory_space<semaphore_mem>>) src(%arg14 : memref<32x128xf32, #tpu.memory_space<vmem>>) dst(%dma_wait3A_87 : memref<32x128xf32, #tpu.memory_space<vmem_shared>>)
      tpu.yield
    }) : () -> ()
    %add3A_44 = arith.constant 384 : i32
    %add3A_45 = arith.addi %mul3A_19, %add3A_44 : i32
    "tpu.region"() ({
      %run_scoped3A = tpu.sem_alloc : memref<!tpu.dma_semaphore, #tpu.memory_space<semaphore_mem>>
      %dma_start3A_80 = arith.constant 0 : i32
      %dma_start3A_81 = tpu.memref_slice %arg16[%add3A_45, %dma_start3A_80] : memref<10240x128xf32, #tpu.memory_space<vmem_shared>> -> memref<32x128xf32, #tpu.memory_space<vmem_shared>>
      %dma_start3A_82 = arith.constant 0 : i32
      %dma_start3A_83 = tpu.memref_slice %arg16[%add3A_45, %dma_start3A_82] : memref<10240x128xf32, #tpu.memory_space<vmem_shared>> -> memref<32x128xf32, #tpu.memory_space<vmem_shared>>
      tpu.enqueue_dma source(%arg14 : memref<32x128xf32, #tpu.memory_space<vmem>>) target(%dma_start3A_83 : memref<32x128xf32, #tpu.memory_space<vmem_shared>>) target_semaphore(%run_scoped3A : memref<!tpu.dma_semaphore, #tpu.memory_space<semaphore_mem>>)
      %dma_wait3A_84 = arith.constant 0 : i32
      %dma_wait3A_85 = tpu.memref_slice %arg16[%add3A_45, %dma_wait3A_84] : memref<10240x128xf32, #tpu.memory_space<vmem_shared>> -> memref<32x128xf32, #tpu.memory_space<vmem_shared>>
      %dma_wait3A_86 = arith.constant 0 : i32
      %dma_wait3A_87 = tpu.memref_slice %arg16[%add3A_45, %dma_wait3A_86] : memref<10240x128xf32, #tpu.memory_space<vmem_shared>> -> memref<32x128xf32, #tpu.memory_space<vmem_shared>>
      tpu.wait_dma2 semaphore(%run_scoped3A : memref<!tpu.dma_semaphore, #tpu.memory_space<semaphore_mem>>) src(%arg14 : memref<32x128xf32, #tpu.memory_space<vmem>>) dst(%dma_wait3A_87 : memref<32x128xf32, #tpu.memory_space<vmem_shared>>)
      tpu.yield
    }) : () -> ()
    %add3A_46 = arith.constant 416 : i32
    %add3A_47 = arith.addi %mul3A_19, %add3A_46 : i32
    "tpu.region"() ({
      %run_scoped3A = tpu.sem_alloc : memref<!tpu.dma_semaphore, #tpu.memory_space<semaphore_mem>>
      %dma_start3A_80 = arith.constant 0 : i32
      %dma_start3A_81 = tpu.memref_slice %arg16[%add3A_47, %dma_start3A_80] : memref<10240x128xf32, #tpu.memory_space<vmem_shared>> -> memref<32x128xf32, #tpu.memory_space<vmem_shared>>
      %dma_start3A_82 = arith.constant 0 : i32
      %dma_start3A_83 = tpu.memref_slice %arg16[%add3A_47, %dma_start3A_82] : memref<10240x128xf32, #tpu.memory_space<vmem_shared>> -> memref<32x128xf32, #tpu.memory_space<vmem_shared>>
      tpu.enqueue_dma source(%arg14 : memref<32x128xf32, #tpu.memory_space<vmem>>) target(%dma_start3A_83 : memref<32x128xf32, #tpu.memory_space<vmem_shared>>) target_semaphore(%run_scoped3A : memref<!tpu.dma_semaphore, #tpu.memory_space<semaphore_mem>>)
      %dma_wait3A_84 = arith.constant 0 : i32
      %dma_wait3A_85 = tpu.memref_slice %arg16[%add3A_47, %dma_wait3A_84] : memref<10240x128xf32, #tpu.memory_space<vmem_shared>> -> memref<32x128xf32, #tpu.memory_space<vmem_shared>>
      %dma_wait3A_86 = arith.constant 0 : i32
      %dma_wait3A_87 = tpu.memref_slice %arg16[%add3A_47, %dma_wait3A_86] : memref<10240x128xf32, #tpu.memory_space<vmem_shared>> -> memref<32x128xf32, #tpu.memory_space<vmem_shared>>
      tpu.wait_dma2 semaphore(%run_scoped3A : memref<!tpu.dma_semaphore, #tpu.memory_space<semaphore_mem>>) src(%arg14 : memref<32x128xf32, #tpu.memory_space<vmem>>) dst(%dma_wait3A_87 : memref<32x128xf32, #tpu.memory_space<vmem_shared>>)
      tpu.yield
    }) : () -> ()
    %add3A_48 = arith.constant 448 : i32
    %add3A_49 = arith.addi %mul3A_19, %add3A_48 : i32
    "tpu.region"() ({
      %run_scoped3A = tpu.sem_alloc : memref<!tpu.dma_semaphore, #tpu.memory_space<semaphore_mem>>
      %dma_start3A_80 = arith.constant 0 : i32
      %dma_start3A_81 = tpu.memref_slice %arg16[%add3A_49, %dma_start3A_80] : memref<10240x128xf32, #tpu.memory_space<vmem_shared>> -> memref<32x128xf32, #tpu.memory_space<vmem_shared>>
      %dma_start3A_82 = arith.constant 0 : i32
      %dma_start3A_83 = tpu.memref_slice %arg16[%add3A_49, %dma_start3A_82] : memref<10240x128xf32, #tpu.memory_space<vmem_shared>> -> memref<32x128xf32, #tpu.memory_space<vmem_shared>>
      tpu.enqueue_dma source(%arg14 : memref<32x128xf32, #tpu.memory_space<vmem>>) target(%dma_start3A_83 : memref<32x128xf32, #tpu.memory_space<vmem_shared>>) target_semaphore(%run_scoped3A : memref<!tpu.dma_semaphore, #tpu.memory_space<semaphore_mem>>)
      %dma_wait3A_84 = arith.constant 0 : i32
      %dma_wait3A_85 = tpu.memref_slice %arg16[%add3A_49, %dma_wait3A_84] : memref<10240x128xf32, #tpu.memory_space<vmem_shared>> -> memref<32x128xf32, #tpu.memory_space<vmem_shared>>
      %dma_wait3A_86 = arith.constant 0 : i32
      %dma_wait3A_87 = tpu.memref_slice %arg16[%add3A_49, %dma_wait3A_86] : memref<10240x128xf32, #tpu.memory_space<vmem_shared>> -> memref<32x128xf32, #tpu.memory_space<vmem_shared>>
      tpu.wait_dma2 semaphore(%run_scoped3A : memref<!tpu.dma_semaphore, #tpu.memory_space<semaphore_mem>>) src(%arg14 : memref<32x128xf32, #tpu.memory_space<vmem>>) dst(%dma_wait3A_87 : memref<32x128xf32, #tpu.memory_space<vmem_shared>>)
      tpu.yield
    }) : () -> ()
    %add3A_50 = arith.constant 480 : i32
    %add3A_51 = arith.addi %mul3A_19, %add3A_50 : i32
    "tpu.region"() ({
      %run_scoped3A = tpu.sem_alloc : memref<!tpu.dma_semaphore, #tpu.memory_space<semaphore_mem>>
      %dma_start3A_80 = arith.constant 0 : i32
      %dma_start3A_81 = tpu.memref_slice %arg16[%add3A_51, %dma_start3A_80] : memref<10240x128xf32, #tpu.memory_space<vmem_shared>> -> memref<32x128xf32, #tpu.memory_space<vmem_shared>>
      %dma_start3A_82 = arith.constant 0 : i32
      %dma_start3A_83 = tpu.memref_slice %arg16[%add3A_51, %dma_start3A_82] : memref<10240x128xf32, #tpu.memory_space<vmem_shared>> -> memref<32x128xf32, #tpu.memory_space<vmem_shared>>
      tpu.enqueue_dma source(%arg14 : memref<32x128xf32, #tpu.memory_space<vmem>>) target(%dma_start3A_83 : memref<32x128xf32, #tpu.memory_space<vmem_shared>>) target_semaphore(%run_scoped3A : memref<!tpu.dma_semaphore, #tpu.memory_space<semaphore_mem>>)
      %dma_wait3A_84 = arith.constant 0 : i32
      %dma_wait3A_85 = tpu.memref_slice %arg16[%add3A_51, %dma_wait3A_84] : memref<10240x128xf32, #tpu.memory_space<vmem_shared>> -> memref<32x128xf32, #tpu.memory_space<vmem_shared>>
      %dma_wait3A_86 = arith.constant 0 : i32
      %dma_wait3A_87 = tpu.memref_slice %arg16[%add3A_51, %dma_wait3A_86] : memref<10240x128xf32, #tpu.memory_space<vmem_shared>> -> memref<32x128xf32, #tpu.memory_space<vmem_shared>>
      tpu.wait_dma2 semaphore(%run_scoped3A : memref<!tpu.dma_semaphore, #tpu.memory_space<semaphore_mem>>) src(%arg14 : memref<32x128xf32, #tpu.memory_space<vmem>>) dst(%dma_wait3A_87 : memref<32x128xf32, #tpu.memory_space<vmem_shared>>)
      tpu.yield
    }) : () -> ()
    %add3A_52 = arith.constant 512 : i32
    %add3A_53 = arith.addi %mul3A_19, %add3A_52 : i32
    "tpu.region"() ({
      %run_scoped3A = tpu.sem_alloc : memref<!tpu.dma_semaphore, #tpu.memory_space<semaphore_mem>>
      %dma_start3A_80 = arith.constant 0 : i32
      %dma_start3A_81 = tpu.memref_slice %arg16[%add3A_53, %dma_start3A_80] : memref<10240x128xf32, #tpu.memory_space<vmem_shared>> -> memref<32x128xf32, #tpu.memory_space<vmem_shared>>
      %dma_start3A_82 = arith.constant 0 : i32
      %dma_start3A_83 = tpu.memref_slice %arg16[%add3A_53, %dma_start3A_82] : memref<10240x128xf32, #tpu.memory_space<vmem_shared>> -> memref<32x128xf32, #tpu.memory_space<vmem_shared>>
      tpu.enqueue_dma source(%arg14 : memref<32x128xf32, #tpu.memory_space<vmem>>) target(%dma_start3A_83 : memref<32x128xf32, #tpu.memory_space<vmem_shared>>) target_semaphore(%run_scoped3A : memref<!tpu.dma_semaphore, #tpu.memory_space<semaphore_mem>>)
      %dma_wait3A_84 = arith.constant 0 : i32
      %dma_wait3A_85 = tpu.memref_slice %arg16[%add3A_53, %dma_wait3A_84] : memref<10240x128xf32, #tpu.memory_space<vmem_shared>> -> memref<32x128xf32, #tpu.memory_space<vmem_shared>>
      %dma_wait3A_86 = arith.constant 0 : i32
      %dma_wait3A_87 = tpu.memref_slice %arg16[%add3A_53, %dma_wait3A_86] : memref<10240x128xf32, #tpu.memory_space<vmem_shared>> -> memref<32x128xf32, #tpu.memory_space<vmem_shared>>
      tpu.wait_dma2 semaphore(%run_scoped3A : memref<!tpu.dma_semaphore, #tpu.memory_space<semaphore_mem>>) src(%arg14 : memref<32x128xf32, #tpu.memory_space<vmem>>) dst(%dma_wait3A_87 : memref<32x128xf32, #tpu.memory_space<vmem_shared>>)
      tpu.yield
    }) : () -> ()
    %add3A_54 = arith.constant 544 : i32
    %add3A_55 = arith.addi %mul3A_19, %add3A_54 : i32
    "tpu.region"() ({
      %run_scoped3A = tpu.sem_alloc : memref<!tpu.dma_semaphore, #tpu.memory_space<semaphore_mem>>
      %dma_start3A_80 = arith.constant 0 : i32
      %dma_start3A_81 = tpu.memref_slice %arg16[%add3A_55, %dma_start3A_80] : memref<10240x128xf32, #tpu.memory_space<vmem_shared>> -> memref<32x128xf32, #tpu.memory_space<vmem_shared>>
      %dma_start3A_82 = arith.constant 0 : i32
      %dma_start3A_83 = tpu.memref_slice %arg16[%add3A_55, %dma_start3A_82] : memref<10240x128xf32, #tpu.memory_space<vmem_shared>> -> memref<32x128xf32, #tpu.memory_space<vmem_shared>>
      tpu.enqueue_dma source(%arg14 : memref<32x128xf32, #tpu.memory_space<vmem>>) target(%dma_start3A_83 : memref<32x128xf32, #tpu.memory_space<vmem_shared>>) target_semaphore(%run_scoped3A : memref<!tpu.dma_semaphore, #tpu.memory_space<semaphore_mem>>)
      %dma_wait3A_84 = arith.constant 0 : i32
      %dma_wait3A_85 = tpu.memref_slice %arg16[%add3A_55, %dma_wait3A_84] : memref<10240x128xf32, #tpu.memory_space<vmem_shared>> -> memref<32x128xf32, #tpu.memory_space<vmem_shared>>
      %dma_wait3A_86 = arith.constant 0 : i32
      %dma_wait3A_87 = tpu.memref_slice %arg16[%add3A_55, %dma_wait3A_86] : memref<10240x128xf32, #tpu.memory_space<vmem_shared>> -> memref<32x128xf32, #tpu.memory_space<vmem_shared>>
      tpu.wait_dma2 semaphore(%run_scoped3A : memref<!tpu.dma_semaphore, #tpu.memory_space<semaphore_mem>>) src(%arg14 : memref<32x128xf32, #tpu.memory_space<vmem>>) dst(%dma_wait3A_87 : memref<32x128xf32, #tpu.memory_space<vmem_shared>>)
      tpu.yield
    }) : () -> ()
    %add3A_56 = arith.constant 576 : i32
    %add3A_57 = arith.addi %mul3A_19, %add3A_56 : i32
    "tpu.region"() ({
      %run_scoped3A = tpu.sem_alloc : memref<!tpu.dma_semaphore, #tpu.memory_space<semaphore_mem>>
      %dma_start3A_80 = arith.constant 0 : i32
      %dma_start3A_81 = tpu.memref_slice %arg16[%add3A_57, %dma_start3A_80] : memref<10240x128xf32, #tpu.memory_space<vmem_shared>> -> memref<32x128xf32, #tpu.memory_space<vmem_shared>>
      %dma_start3A_82 = arith.constant 0 : i32
      %dma_start3A_83 = tpu.memref_slice %arg16[%add3A_57, %dma_start3A_82] : memref<10240x128xf32, #tpu.memory_space<vmem_shared>> -> memref<32x128xf32, #tpu.memory_space<vmem_shared>>
      tpu.enqueue_dma source(%arg14 : memref<32x128xf32, #tpu.memory_space<vmem>>) target(%dma_start3A_83 : memref<32x128xf32, #tpu.memory_space<vmem_shared>>) target_semaphore(%run_scoped3A : memref<!tpu.dma_semaphore, #tpu.memory_space<semaphore_mem>>)
      %dma_wait3A_84 = arith.constant 0 : i32
      %dma_wait3A_85 = tpu.memref_slice %arg16[%add3A_57, %dma_wait3A_84] : memref<10240x128xf32, #tpu.memory_space<vmem_shared>> -> memref<32x128xf32, #tpu.memory_space<vmem_shared>>
      %dma_wait3A_86 = arith.constant 0 : i32
      %dma_wait3A_87 = tpu.memref_slice %arg16[%add3A_57, %dma_wait3A_86] : memref<10240x128xf32, #tpu.memory_space<vmem_shared>> -> memref<32x128xf32, #tpu.memory_space<vmem_shared>>
      tpu.wait_dma2 semaphore(%run_scoped3A : memref<!tpu.dma_semaphore, #tpu.memory_space<semaphore_mem>>) src(%arg14 : memref<32x128xf32, #tpu.memory_space<vmem>>) dst(%dma_wait3A_87 : memref<32x128xf32, #tpu.memory_space<vmem_shared>>)
      tpu.yield
    }) : () -> ()
    %add3A_58 = arith.constant 608 : i32
    %add3A_59 = arith.addi %mul3A_19, %add3A_58 : i32
    "tpu.region"() ({
      %run_scoped3A = tpu.sem_alloc : memref<!tpu.dma_semaphore, #tpu.memory_space<semaphore_mem>>
      %dma_start3A_80 = arith.constant 0 : i32
      %dma_start3A_81 = tpu.memref_slice %arg16[%add3A_59, %dma_start3A_80] : memref<10240x128xf32, #tpu.memory_space<vmem_shared>> -> memref<32x128xf32, #tpu.memory_space<vmem_shared>>
      %dma_start3A_82 = arith.constant 0 : i32
      %dma_start3A_83 = tpu.memref_slice %arg16[%add3A_59, %dma_start3A_82] : memref<10240x128xf32, #tpu.memory_space<vmem_shared>> -> memref<32x128xf32, #tpu.memory_space<vmem_shared>>
      tpu.enqueue_dma source(%arg14 : memref<32x128xf32, #tpu.memory_space<vmem>>) target(%dma_start3A_83 : memref<32x128xf32, #tpu.memory_space<vmem_shared>>) target_semaphore(%run_scoped3A : memref<!tpu.dma_semaphore, #tpu.memory_space<semaphore_mem>>)
      %dma_wait3A_84 = arith.constant 0 : i32
      %dma_wait3A_85 = tpu.memref_slice %arg16[%add3A_59, %dma_wait3A_84] : memref<10240x128xf32, #tpu.memory_space<vmem_shared>> -> memref<32x128xf32, #tpu.memory_space<vmem_shared>>
      %dma_wait3A_86 = arith.constant 0 : i32
      %dma_wait3A_87 = tpu.memref_slice %arg16[%add3A_59, %dma_wait3A_86] : memref<10240x128xf32, #tpu.memory_space<vmem_shared>> -> memref<32x128xf32, #tpu.memory_space<vmem_shared>>
      tpu.wait_dma2 semaphore(%run_scoped3A : memref<!tpu.dma_semaphore, #tpu.memory_space<semaphore_mem>>) src(%arg14 : memref<32x128xf32, #tpu.memory_space<vmem>>) dst(%dma_wait3A_87 : memref<32x128xf32, #tpu.memory_space<vmem_shared>>)
      tpu.yield
    }) : () -> ()
    "tpu.region"() ({
      %run_scoped3A = tpu.sem_alloc : memref<!tpu.dma_semaphore, #tpu.memory_space<semaphore_mem>>
      %dma_start3A_80 = tpu.memref_slice %arg17[%mul3A_19] : memref<10240xf32, #tpu.memory_space<vmem_shared>> -> memref<640xf32, #tpu.memory_space<vmem_shared>>
      %dma_start3A_81 = tpu.memref_slice %arg17[%mul3A_19] : memref<10240xf32, #tpu.memory_space<vmem_shared>> -> memref<640xf32, #tpu.memory_space<vmem_shared>>
      tpu.enqueue_dma source(%arg15 : memref<640xf32, #tpu.memory_space<vmem>>) target(%dma_start3A_81 : memref<640xf32, #tpu.memory_space<vmem_shared>>) target_semaphore(%run_scoped3A : memref<!tpu.dma_semaphore, #tpu.memory_space<semaphore_mem>>)
      %dma_wait3A_82 = tpu.memref_slice %arg17[%mul3A_19] : memref<10240xf32, #tpu.memory_space<vmem_shared>> -> memref<640xf32, #tpu.memory_space<vmem_shared>>
      %dma_wait3A_83 = tpu.memref_slice %arg17[%mul3A_19] : memref<10240xf32, #tpu.memory_space<vmem_shared>> -> memref<640xf32, #tpu.memory_space<vmem_shared>>
      tpu.wait_dma2 semaphore(%run_scoped3A : memref<!tpu.dma_semaphore, #tpu.memory_space<semaphore_mem>>) src(%arg15 : memref<640xf32, #tpu.memory_space<vmem>>) dst(%dma_wait3A_83 : memref<640xf32, #tpu.memory_space<vmem_shared>>)
      tpu.yield
    }) : () -> ()
    %barrier3A = arith.constant 0 : index
    tpu.barrier barrier_id(%barrier3A)
    %add3A_60 = arith.constant 0 : i32
    %add3A_61 = arith.addi %mul3A_2, %add3A_60 : i32
    "tpu.region"() ({
      %run_scoped3A = tpu.sem_alloc : memref<!tpu.dma_semaphore, #tpu.memory_space<semaphore_mem>>
      %dma_start3A_80 = tpu.memref_slice %arg3[%add3A_61] : memref<327680xi32, #tpu.memory_space<hbm>> -> memref<128xi32, #tpu.memory_space<hbm>>
      %dma_start3A_81 = tpu.memref_slice %arg3[%add3A_61] : memref<327680xi32, #tpu.memory_space<hbm>> -> memref<128xi32, #tpu.memory_space<hbm>>
      tpu.enqueue_dma source(%dma_start3A_81 : memref<128xi32, #tpu.memory_space<hbm>>) target(%arg7 : memref<128xi32, #tpu.memory_space<vmem>>) target_semaphore(%run_scoped3A : memref<!tpu.dma_semaphore, #tpu.memory_space<semaphore_mem>>)
      %dma_wait3A_82 = tpu.memref_slice %arg3[%add3A_61] : memref<327680xi32, #tpu.memory_space<hbm>> -> memref<128xi32, #tpu.memory_space<hbm>>
      %dma_wait3A_83 = tpu.memref_slice %arg3[%add3A_61] : memref<327680xi32, #tpu.memory_space<hbm>> -> memref<128xi32, #tpu.memory_space<hbm>>
      tpu.wait_dma2 semaphore(%run_scoped3A : memref<!tpu.dma_semaphore, #tpu.memory_space<semaphore_mem>>) src(%dma_wait3A_83 : memref<128xi32, #tpu.memory_space<hbm>>) dst(%arg7 : memref<128xi32, #tpu.memory_space<vmem>>)
      tpu.yield
    }) : () -> ()
    "tpu.region"() ({
      %run_scoped3A = tpu.sem_alloc : memref<!tpu.dma_semaphore, #tpu.memory_space<semaphore_mem>>
      %dma_start3A_80 = tpu.memref_slice %arg4[%add3A_61] : memref<327680xi32, #tpu.memory_space<hbm>> -> memref<128xi32, #tpu.memory_space<hbm>>
      %dma_start3A_81 = tpu.memref_slice %arg4[%add3A_61] : memref<327680xi32, #tpu.memory_space<hbm>> -> memref<128xi32, #tpu.memory_space<hbm>>
      tpu.enqueue_dma source(%dma_start3A_81 : memref<128xi32, #tpu.memory_space<hbm>>) target(%arg9 : memref<128xi32, #tpu.memory_space<vmem>>) target_semaphore(%run_scoped3A : memref<!tpu.dma_semaphore, #tpu.memory_space<semaphore_mem>>)
      %dma_wait3A_82 = tpu.memref_slice %arg4[%add3A_61] : memref<327680xi32, #tpu.memory_space<hbm>> -> memref<128xi32, #tpu.memory_space<hbm>>
      %dma_wait3A_83 = tpu.memref_slice %arg4[%add3A_61] : memref<327680xi32, #tpu.memory_space<hbm>> -> memref<128xi32, #tpu.memory_space<hbm>>
      tpu.wait_dma2 semaphore(%run_scoped3A : memref<!tpu.dma_semaphore, #tpu.memory_space<semaphore_mem>>) src(%dma_wait3A_83 : memref<128xi32, #tpu.memory_space<hbm>>) dst(%arg9 : memref<128xi32, #tpu.memory_space<vmem>>)
      tpu.yield
    }) : () -> ()
    %dma_start3A = arith.constant 0 : i32
    %dma_start3A_62 = arith.constant 0 : i32
    %dma_start3A_63 = tpu.memref_slice %arg2[%dma_start3A, %dma_start3A_62] : memref<10240x128xf32, #tpu.memory_space<hbm>> -> memref<10240x128xf32, #tpu.memory_space<hbm>>
    tpu.enqueue_indirect_dma source(%dma_start3A_63 : memref<10240x128xf32, #tpu.memory_space<hbm>>) target(%arg11 : memref<128x128xf32, #tpu.memory_space<vmem>>) offsets(%arg7 : memref<128xi32, #tpu.memory_space<vmem>>) semaphore(%arg18 : memref<!tpu.dma_semaphore, #tpu.memory_space<semaphore_mem>>)
    %add3A_64 = arith.constant 128 : i32
    %add3A_65 = arith.addi %mul3A_2, %add3A_64 : i32
    "tpu.region"() ({
      %run_scoped3A = tpu.sem_alloc : memref<!tpu.dma_semaphore, #tpu.memory_space<semaphore_mem>>
      %dma_start3A_80 = tpu.memref_slice %arg3[%add3A_65] : memref<327680xi32, #tpu.memory_space<hbm>> -> memref<128xi32, #tpu.memory_space<hbm>>
      %dma_start3A_81 = tpu.memref_slice %arg3[%add3A_65] : memref<327680xi32, #tpu.memory_space<hbm>> -> memref<128xi32, #tpu.memory_space<hbm>>
      tpu.enqueue_dma source(%dma_start3A_81 : memref<128xi32, #tpu.memory_space<hbm>>) target(%arg8 : memref<128xi32, #tpu.memory_space<vmem>>) target_semaphore(%run_scoped3A : memref<!tpu.dma_semaphore, #tpu.memory_space<semaphore_mem>>)
      %dma_wait3A_82 = tpu.memref_slice %arg3[%add3A_65] : memref<327680xi32, #tpu.memory_space<hbm>> -> memref<128xi32, #tpu.memory_space<hbm>>
      %dma_wait3A_83 = tpu.memref_slice %arg3[%add3A_65] : memref<327680xi32, #tpu.memory_space<hbm>> -> memref<128xi32, #tpu.memory_space<hbm>>
      tpu.wait_dma2 semaphore(%run_scoped3A : memref<!tpu.dma_semaphore, #tpu.memory_space<semaphore_mem>>) src(%dma_wait3A_83 : memref<128xi32, #tpu.memory_space<hbm>>) dst(%arg8 : memref<128xi32, #tpu.memory_space<vmem>>)
      tpu.yield
    }) : () -> ()
    "tpu.region"() ({
      %run_scoped3A = tpu.sem_alloc : memref<!tpu.dma_semaphore, #tpu.memory_space<semaphore_mem>>
      %dma_start3A_80 = tpu.memref_slice %arg4[%add3A_65] : memref<327680xi32, #tpu.memory_space<hbm>> -> memref<128xi32, #tpu.memory_space<hbm>>
      %dma_start3A_81 = tpu.memref_slice %arg4[%add3A_65] : memref<327680xi32, #tpu.memory_space<hbm>> -> memref<128xi32, #tpu.memory_space<hbm>>
      tpu.enqueue_dma source(%dma_start3A_81 : memref<128xi32, #tpu.memory_space<hbm>>) target(%arg10 : memref<128xi32, #tpu.memory_space<vmem>>) target_semaphore(%run_scoped3A : memref<!tpu.dma_semaphore, #tpu.memory_space<semaphore_mem>>)
      %dma_wait3A_82 = tpu.memref_slice %arg4[%add3A_65] : memref<327680xi32, #tpu.memory_space<hbm>> -> memref<128xi32, #tpu.memory_space<hbm>>
      %dma_wait3A_83 = tpu.memref_slice %arg4[%add3A_65] : memref<327680xi32, #tpu.memory_space<hbm>> -> memref<128xi32, #tpu.memory_space<hbm>>
      tpu.wait_dma2 semaphore(%run_scoped3A : memref<!tpu.dma_semaphore, #tpu.memory_space<semaphore_mem>>) src(%dma_wait3A_83 : memref<128xi32, #tpu.memory_space<hbm>>) dst(%arg10 : memref<128xi32, #tpu.memory_space<vmem>>)
      tpu.yield
    }) : () -> ()
    %dma_wait3A = arith.constant 0 : i32
    %dma_wait3A_66 = arith.constant 0 : i32
    %dma_wait3A_67 = tpu.memref_slice %arg2[%dma_wait3A, %dma_wait3A_66] : memref<10240x128xf32, #tpu.memory_space<hbm>> -> memref<10240x128xf32, #tpu.memory_space<hbm>>
    tpu.wait_indirect_dma semaphore(%arg18 : memref<!tpu.dma_semaphore, #tpu.memory_space<semaphore_mem>>) src(%dma_wait3A_67 : memref<10240x128xf32, #tpu.memory_space<hbm>>) dst(%arg11 : memref<128x128xf32, #tpu.memory_space<vmem>>)
    %scan3A_68 = arith.constant 0 : i32
    %scan3A_69 = arith.constant 39 : i32
    %scan3A_70 = arith.addi %scan3A_68, %scan3A_69 : i32
    %scan3A_71 = arith.constant 1 : i32
    scf.for %scan3A_80 = %scan3A_68 to %scan3A_70 step %scan3A_71  : i32 {
      %mul3A_81 = arith.constant 1 : i32
      %mul3A_82 = arith.muli %scan3A_80, %mul3A_81 : i32
      %add3A_83 = arith.constant 0 : i32
      %add3A_84 = arith.addi %add3A_83, %mul3A_82 : i32
      %mul3A_85 = arith.constant 2 : i32
      %mul3A_86 = arith.muli %add3A_84, %mul3A_85 : i32
      %add3A_87 = arith.constant 0 : i32
      %add3A_88 = arith.addi %mul3A_86, %add3A_87 : i32
      %add3A_89 = arith.constant 1 : i32
      %add3A_90 = arith.addi %add3A_88, %add3A_89 : i32
      %dma_start3A_91 = arith.constant 0 : i32
      %dma_start3A_92 = arith.constant 0 : i32
      %dma_start3A_93 = tpu.memref_slice %arg2[%dma_start3A_91, %dma_start3A_92] : memref<10240x128xf32, #tpu.memory_space<hbm>> -> memref<10240x128xf32, #tpu.memory_space<hbm>>
      tpu.enqueue_indirect_dma source(%dma_start3A_93 : memref<10240x128xf32, #tpu.memory_space<hbm>>) target(%arg12 : memref<128x128xf32, #tpu.memory_space<vmem>>) offsets(%arg8 : memref<128xi32, #tpu.memory_space<vmem>>) semaphore(%arg18 : memref<!tpu.dma_semaphore, #tpu.memory_space<semaphore_mem>>)
      "tpu.region"() ({
        %run_scoped3A = tpu.sem_alloc : memref<!tpu.dma_semaphore, #tpu.memory_space<semaphore_mem>>
        %dma_start3A_119 = arith.constant 0 : i32
        %dma_start3A_120 = arith.constant 0 : i32
        %dma_start3A_121 = tpu.memref_slice %arg16[%dma_start3A_119, %dma_start3A_120] : memref<10240x128xf32, #tpu.memory_space<vmem_shared>> -> memref<10240x128xf32, #tpu.memory_space<vmem_shared>>
        tpu.enqueue_indirect_dma source(%arg11 : memref<128x128xf32, #tpu.memory_space<vmem>>) target(%dma_start3A_121 : memref<10240x128xf32, #tpu.memory_space<vmem_shared>>) offsets(%arg9 : memref<128xi32, #tpu.memory_space<vmem>>) semaphore(%run_scoped3A : memref<!tpu.dma_semaphore, #tpu.memory_space<semaphore_mem>>) {add = true}
        %dma_wait3A_122 = arith.constant 0 : i32
        %dma_wait3A_123 = arith.constant 0 : i32
        %dma_wait3A_124 = tpu.memref_slice %arg16[%dma_wait3A_122, %dma_wait3A_123] : memref<10240x128xf32, #tpu.memory_space<vmem_shared>> -> memref<10240x128xf32, #tpu.memory_space<vmem_shared>>
        tpu.wait_indirect_dma semaphore(%run_scoped3A : memref<!tpu.dma_semaphore, #tpu.memory_space<semaphore_mem>>) src(%arg11 : memref<128x128xf32, #tpu.memory_space<vmem>>) dst(%dma_wait3A_124 : memref<10240x128xf32, #tpu.memory_space<vmem_shared>>)
        tpu.yield
      }) : () -> ()
      "tpu.region"() ({
        %run_scoped3A = tpu.sem_alloc : memref<!tpu.dma_semaphore, #tpu.memory_space<semaphore_mem>>
        %dma_start3A_119 = arith.constant 0 : i32
        %dma_start3A_120 = tpu.memref_slice %arg17[%dma_start3A_119] : memref<10240xf32, #tpu.memory_space<vmem_shared>> -> memref<10240xf32, #tpu.memory_space<vmem_shared>>
        tpu.enqueue_indirect_dma source(%arg13 : memref<128xf32, #tpu.memory_space<vmem>>) target(%dma_start3A_120 : memref<10240xf32, #tpu.memory_space<vmem_shared>>) offsets(%arg9 : memref<128xi32, #tpu.memory_space<vmem>>) semaphore(%run_scoped3A : memref<!tpu.dma_semaphore, #tpu.memory_space<semaphore_mem>>) {add = true}
        %dma_wait3A_121 = arith.constant 0 : i32
        %dma_wait3A_122 = tpu.memref_slice %arg17[%dma_wait3A_121] : memref<10240xf32, #tpu.memory_space<vmem_shared>> -> memref<10240xf32, #tpu.memory_space<vmem_shared>>
        tpu.wait_indirect_dma semaphore(%run_scoped3A : memref<!tpu.dma_semaphore, #tpu.memory_space<semaphore_mem>>) src(%arg13 : memref<128xf32, #tpu.memory_space<vmem>>) dst(%dma_wait3A_122 : memref<10240xf32, #tpu.memory_space<vmem_shared>>)
        tpu.yield
      }) : () -> ()
      %add3A_94 = arith.constant 1 : i32
      %add3A_95 = arith.addi %add3A_90, %add3A_94 : i32
      %mul3A_96 = arith.constant 128 : i32
      %mul3A_97 = arith.muli %add3A_95, %mul3A_96 : i32
      %add3A_98 = arith.addi %mul3A_2, %mul3A_97 : i32
      "tpu.region"() ({
        %run_scoped3A = tpu.sem_alloc : memref<!tpu.dma_semaphore, #tpu.memory_space<semaphore_mem>>
        %dma_start3A_119 = tpu.memref_slice %arg3[%add3A_98] : memref<327680xi32, #tpu.memory_space<hbm>> -> memref<128xi32, #tpu.memory_space<hbm>>
        %dma_start3A_120 = tpu.memref_slice %arg3[%add3A_98] : memref<327680xi32, #tpu.memory_space<hbm>> -> memref<128xi32, #tpu.memory_space<hbm>>
        tpu.enqueue_dma source(%dma_start3A_120 : memref<128xi32, #tpu.memory_space<hbm>>) target(%arg7 : memref<128xi32, #tpu.memory_space<vmem>>) target_semaphore(%run_scoped3A : memref<!tpu.dma_semaphore, #tpu.memory_space<semaphore_mem>>)
        %dma_wait3A_121 = tpu.memref_slice %arg3[%add3A_98] : memref<327680xi32, #tpu.memory_space<hbm>> -> memref<128xi32, #tpu.memory_space<hbm>>
        %dma_wait3A_122 = tpu.memref_slice %arg3[%add3A_98] : memref<327680xi32, #tpu.memory_space<hbm>> -> memref<128xi32, #tpu.memory_space<hbm>>
        tpu.wait_dma2 semaphore(%run_scoped3A : memref<!tpu.dma_semaphore, #tpu.memory_space<semaphore_mem>>) src(%dma_wait3A_122 : memref<128xi32, #tpu.memory_space<hbm>>) dst(%arg7 : memref<128xi32, #tpu.memory_space<vmem>>)
        tpu.yield
      }) : () -> ()
      "tpu.region"() ({
        %run_scoped3A = tpu.sem_alloc : memref<!tpu.dma_semaphore, #tpu.memory_space<semaphore_mem>>
        %dma_start3A_119 = tpu.memref_slice %arg4[%add3A_98] : memref<327680xi32, #tpu.memory_space<hbm>> -> memref<128xi32, #tpu.memory_space<hbm>>
        %dma_start3A_120 = tpu.memref_slice %arg4[%add3A_98] : memref<327680xi32, #tpu.memory_space<hbm>> -> memref<128xi32, #tpu.memory_space<hbm>>
        tpu.enqueue_dma source(%dma_start3A_120 : memref<128xi32, #tpu.memory_space<hbm>>) target(%arg9 : memref<128xi32, #tpu.memory_space<vmem>>) target_semaphore(%run_scoped3A : memref<!tpu.dma_semaphore, #tpu.memory_space<semaphore_mem>>)
        %dma_wait3A_121 = tpu.memref_slice %arg4[%add3A_98] : memref<327680xi32, #tpu.memory_space<hbm>> -> memref<128xi32, #tpu.memory_space<hbm>>
        %dma_wait3A_122 = tpu.memref_slice %arg4[%add3A_98] : memref<327680xi32, #tpu.memory_space<hbm>> -> memref<128xi32, #tpu.memory_space<hbm>>
        tpu.wait_dma2 semaphore(%run_scoped3A : memref<!tpu.dma_semaphore, #tpu.memory_space<semaphore_mem>>) src(%dma_wait3A_122 : memref<128xi32, #tpu.memory_space<hbm>>) dst(%arg9 : memref<128xi32, #tpu.memory_space<vmem>>)
        tpu.yield
      }) : () -> ()
      %dma_wait3A_99 = arith.constant 0 : i32
      %dma_wait3A_100 = arith.constant 0 : i32
      %dma_wait3A_101 = tpu.memref_slice %arg2[%dma_wait3A_99, %dma_wait3A_100] : memref<10240x128xf32, #tpu.memory_space<hbm>> -> memref<10240x128xf32, #tpu.memory_space<hbm>>
      tpu.wait_indirect_dma semaphore(%arg18 : memref<!tpu.dma_semaphore, #tpu.memory_space<semaphore_mem>>) src(%dma_wait3A_101 : memref<10240x128xf32, #tpu.memory_space<hbm>>) dst(%arg12 : memref<128x128xf32, #tpu.memory_space<vmem>>)
      %mul3A_102 = arith.constant 2 : i32
      %mul3A_103 = arith.muli %add3A_84, %mul3A_102 : i32
      %add3A_104 = arith.constant 1 : i32
      %add3A_105 = arith.addi %mul3A_103, %add3A_104 : i32
      %add3A_106 = arith.constant 1 : i32
      %add3A_107 = arith.addi %add3A_105, %add3A_106 : i32
      %dma_start3A_108 = arith.constant 0 : i32
      %dma_start3A_109 = arith.constant 0 : i32
      %dma_start3A_110 = tpu.memref_slice %arg2[%dma_start3A_108, %dma_start3A_109] : memref<10240x128xf32, #tpu.memory_space<hbm>> -> memref<10240x128xf32, #tpu.memory_space<hbm>>
      tpu.enqueue_indirect_dma source(%dma_start3A_110 : memref<10240x128xf32, #tpu.memory_space<hbm>>) target(%arg11 : memref<128x128xf32, #tpu.memory_space<vmem>>) offsets(%arg7 : memref<128xi32, #tpu.memory_space<vmem>>) semaphore(%arg18 : memref<!tpu.dma_semaphore, #tpu.memory_space<semaphore_mem>>)
      "tpu.region"() ({
        %run_scoped3A = tpu.sem_alloc : memref<!tpu.dma_semaphore, #tpu.memory_space<semaphore_mem>>
        %dma_start3A_119 = arith.constant 0 : i32
        %dma_start3A_120 = arith.constant 0 : i32
        %dma_start3A_121 = tpu.memref_slice %arg16[%dma_start3A_119, %dma_start3A_120] : memref<10240x128xf32, #tpu.memory_space<vmem_shared>> -> memref<10240x128xf32, #tpu.memory_space<vmem_shared>>
        tpu.enqueue_indirect_dma source(%arg12 : memref<128x128xf32, #tpu.memory_space<vmem>>) target(%dma_start3A_121 : memref<10240x128xf32, #tpu.memory_space<vmem_shared>>) offsets(%arg10 : memref<128xi32, #tpu.memory_space<vmem>>) semaphore(%run_scoped3A : memref<!tpu.dma_semaphore, #tpu.memory_space<semaphore_mem>>) {add = true}
        %dma_wait3A_122 = arith.constant 0 : i32
        %dma_wait3A_123 = arith.constant 0 : i32
        %dma_wait3A_124 = tpu.memref_slice %arg16[%dma_wait3A_122, %dma_wait3A_123] : memref<10240x128xf32, #tpu.memory_space<vmem_shared>> -> memref<10240x128xf32, #tpu.memory_space<vmem_shared>>
        tpu.wait_indirect_dma semaphore(%run_scoped3A : memref<!tpu.dma_semaphore, #tpu.memory_space<semaphore_mem>>) src(%arg12 : memref<128x128xf32, #tpu.memory_space<vmem>>) dst(%dma_wait3A_124 : memref<10240x128xf32, #tpu.memory_space<vmem_shared>>)
        tpu.yield
      }) : () -> ()
      "tpu.region"() ({
        %run_scoped3A = tpu.sem_alloc : memref<!tpu.dma_semaphore, #tpu.memory_space<semaphore_mem>>
        %dma_start3A_119 = arith.constant 0 : i32
        %dma_start3A_120 = tpu.memref_slice %arg17[%dma_start3A_119] : memref<10240xf32, #tpu.memory_space<vmem_shared>> -> memref<10240xf32, #tpu.memory_space<vmem_shared>>
        tpu.enqueue_indirect_dma source(%arg13 : memref<128xf32, #tpu.memory_space<vmem>>) target(%dma_start3A_120 : memref<10240xf32, #tpu.memory_space<vmem_shared>>) offsets(%arg10 : memref<128xi32, #tpu.memory_space<vmem>>) semaphore(%run_scoped3A : memref<!tpu.dma_semaphore, #tpu.memory_space<semaphore_mem>>) {add = true}
        %dma_wait3A_121 = arith.constant 0 : i32
        %dma_wait3A_122 = tpu.memref_slice %arg17[%dma_wait3A_121] : memref<10240xf32, #tpu.memory_space<vmem_shared>> -> memref<10240xf32, #tpu.memory_space<vmem_shared>>
        tpu.wait_indirect_dma semaphore(%run_scoped3A : memref<!tpu.dma_semaphore, #tpu.memory_space<semaphore_mem>>) src(%arg13 : memref<128xf32, #tpu.memory_space<vmem>>) dst(%dma_wait3A_122 : memref<10240xf32, #tpu.memory_space<vmem_shared>>)
        tpu.yield
      }) : () -> ()
      %add3A_111 = arith.constant 1 : i32
      %add3A_112 = arith.addi %add3A_107, %add3A_111 : i32
      %mul3A_113 = arith.constant 128 : i32
      %mul3A_114 = arith.muli %add3A_112, %mul3A_113 : i32
      %add3A_115 = arith.addi %mul3A_2, %mul3A_114 : i32
      "tpu.region"() ({
        %run_scoped3A = tpu.sem_alloc : memref<!tpu.dma_semaphore, #tpu.memory_space<semaphore_mem>>
        %dma_start3A_119 = tpu.memref_slice %arg3[%add3A_115] : memref<327680xi32, #tpu.memory_space<hbm>> -> memref<128xi32, #tpu.memory_space<hbm>>
        %dma_start3A_120 = tpu.memref_slice %arg3[%add3A_115] : memref<327680xi32, #tpu.memory_space<hbm>> -> memref<128xi32, #tpu.memory_space<hbm>>
        tpu.enqueue_dma source(%dma_start3A_120 : memref<128xi32, #tpu.memory_space<hbm>>) target(%arg8 : memref<128xi32, #tpu.memory_space<vmem>>) target_semaphore(%run_scoped3A : memref<!tpu.dma_semaphore, #tpu.memory_space<semaphore_mem>>)
        %dma_wait3A_121 = tpu.memref_slice %arg3[%add3A_115] : memref<327680xi32, #tpu.memory_space<hbm>> -> memref<128xi32, #tpu.memory_space<hbm>>
        %dma_wait3A_122 = tpu.memref_slice %arg3[%add3A_115] : memref<327680xi32, #tpu.memory_space<hbm>> -> memref<128xi32, #tpu.memory_space<hbm>>
        tpu.wait_dma2 semaphore(%run_scoped3A : memref<!tpu.dma_semaphore, #tpu.memory_space<semaphore_mem>>) src(%dma_wait3A_122 : memref<128xi32, #tpu.memory_space<hbm>>) dst(%arg8 : memref<128xi32, #tpu.memory_space<vmem>>)
        tpu.yield
      }) : () -> ()
      "tpu.region"() ({
        %run_scoped3A = tpu.sem_alloc : memref<!tpu.dma_semaphore, #tpu.memory_space<semaphore_mem>>
        %dma_start3A_119 = tpu.memref_slice %arg4[%add3A_115] : memref<327680xi32, #tpu.memory_space<hbm>> -> memref<128xi32, #tpu.memory_space<hbm>>
        %dma_start3A_120 = tpu.memref_slice %arg4[%add3A_115] : memref<327680xi32, #tpu.memory_space<hbm>> -> memref<128xi32, #tpu.memory_space<hbm>>
        tpu.enqueue_dma source(%dma_start3A_120 : memref<128xi32, #tpu.memory_space<hbm>>) target(%arg10 : memref<128xi32, #tpu.memory_space<vmem>>) target_semaphore(%run_scoped3A : memref<!tpu.dma_semaphore, #tpu.memory_space<semaphore_mem>>)
        %dma_wait3A_121 = tpu.memref_slice %arg4[%add3A_115] : memref<327680xi32, #tpu.memory_space<hbm>> -> memref<128xi32, #tpu.memory_space<hbm>>
        %dma_wait3A_122 = tpu.memref_slice %arg4[%add3A_115] : memref<327680xi32, #tpu.memory_space<hbm>> -> memref<128xi32, #tpu.memory_space<hbm>>
        tpu.wait_dma2 semaphore(%run_scoped3A : memref<!tpu.dma_semaphore, #tpu.memory_space<semaphore_mem>>) src(%dma_wait3A_122 : memref<128xi32, #tpu.memory_space<hbm>>) dst(%arg10 : memref<128xi32, #tpu.memory_space<vmem>>)
        tpu.yield
      }) : () -> ()
      %dma_wait3A_116 = arith.constant 0 : i32
      %dma_wait3A_117 = arith.constant 0 : i32
      %dma_wait3A_118 = tpu.memref_slice %arg2[%dma_wait3A_116, %dma_wait3A_117] : memref<10240x128xf32, #tpu.memory_space<hbm>> -> memref<10240x128xf32, #tpu.memory_space<hbm>>
      tpu.wait_indirect_dma semaphore(%arg18 : memref<!tpu.dma_semaphore, #tpu.memory_space<semaphore_mem>>) src(%dma_wait3A_118 : memref<10240x128xf32, #tpu.memory_space<hbm>>) dst(%arg11 : memref<128x128xf32, #tpu.memory_space<vmem>>)
    }
    %scan3A_72 = arith.constant 39 : i32
    %dma_start3A_73 = arith.constant 0 : i32
    %dma_start3A_74 = arith.constant 0 : i32
    %dma_start3A_75 = tpu.memref_slice %arg2[%dma_start3A_73, %dma_start3A_74] : memref<10240x128xf32, #tpu.memory_space<hbm>> -> memref<10240x128xf32, #tpu.memory_space<hbm>>
    tpu.enqueue_indirect_dma source(%dma_start3A_75 : memref<10240x128xf32, #tpu.memory_space<hbm>>) target(%arg12 : memref<128x128xf32, #tpu.memory_space<vmem>>) offsets(%arg8 : memref<128xi32, #tpu.memory_space<vmem>>) semaphore(%arg18 : memref<!tpu.dma_semaphore, #tpu.memory_space<semaphore_mem>>)
    "tpu.region"() ({
      %run_scoped3A = tpu.sem_alloc : memref<!tpu.dma_semaphore, #tpu.memory_space<semaphore_mem>>
      %dma_start3A_80 = arith.constant 0 : i32
      %dma_start3A_81 = arith.constant 0 : i32
      %dma_start3A_82 = tpu.memref_slice %arg16[%dma_start3A_80, %dma_start3A_81] : memref<10240x128xf32, #tpu.memory_space<vmem_shared>> -> memref<10240x128xf32, #tpu.memory_space<vmem_shared>>
      tpu.enqueue_indirect_dma source(%arg11 : memref<128x128xf32, #tpu.memory_space<vmem>>) target(%dma_start3A_82 : memref<10240x128xf32, #tpu.memory_space<vmem_shared>>) offsets(%arg9 : memref<128xi32, #tpu.memory_space<vmem>>) semaphore(%run_scoped3A : memref<!tpu.dma_semaphore, #tpu.memory_space<semaphore_mem>>) {add = true}
      %dma_wait3A_83 = arith.constant 0 : i32
      %dma_wait3A_84 = arith.constant 0 : i32
      %dma_wait3A_85 = tpu.memref_slice %arg16[%dma_wait3A_83, %dma_wait3A_84] : memref<10240x128xf32, #tpu.memory_space<vmem_shared>> -> memref<10240x128xf32, #tpu.memory_space<vmem_shared>>
      tpu.wait_indirect_dma semaphore(%run_scoped3A : memref<!tpu.dma_semaphore, #tpu.memory_space<semaphore_mem>>) src(%arg11 : memref<128x128xf32, #tpu.memory_space<vmem>>) dst(%dma_wait3A_85 : memref<10240x128xf32, #tpu.memory_space<vmem_shared>>)
      tpu.yield
    }) : () -> ()
    "tpu.region"() ({
      %run_scoped3A = tpu.sem_alloc : memref<!tpu.dma_semaphore, #tpu.memory_space<semaphore_mem>>
      %dma_start3A_80 = arith.constant 0 : i32
      %dma_start3A_81 = tpu.memref_slice %arg17[%dma_start3A_80] : memref<10240xf32, #tpu.memory_space<vmem_shared>> -> memref<10240xf32, #tpu.memory_space<vmem_shared>>
      tpu.enqueue_indirect_dma source(%arg13 : memref<128xf32, #tpu.memory_space<vmem>>) target(%dma_start3A_81 : memref<10240xf32, #tpu.memory_space<vmem_shared>>) offsets(%arg9 : memref<128xi32, #tpu.memory_space<vmem>>) semaphore(%run_scoped3A : memref<!tpu.dma_semaphore, #tpu.memory_space<semaphore_mem>>) {add = true}
      %dma_wait3A_82 = arith.constant 0 : i32
      %dma_wait3A_83 = tpu.memref_slice %arg17[%dma_wait3A_82] : memref<10240xf32, #tpu.memory_space<vmem_shared>> -> memref<10240xf32, #tpu.memory_space<vmem_shared>>
      tpu.wait_indirect_dma semaphore(%run_scoped3A : memref<!tpu.dma_semaphore, #tpu.memory_space<semaphore_mem>>) src(%arg13 : memref<128xf32, #tpu.memory_space<vmem>>) dst(%dma_wait3A_83 : memref<10240xf32, #tpu.memory_space<vmem_shared>>)
      tpu.yield
    }) : () -> ()
    %dma_wait3A_76 = arith.constant 0 : i32
    %dma_wait3A_77 = arith.constant 0 : i32
    %dma_wait3A_78 = tpu.memref_slice %arg2[%dma_wait3A_76, %dma_wait3A_77] : memref<10240x128xf32, #tpu.memory_space<hbm>> -> memref<10240x128xf32, #tpu.memory_space<hbm>>
    tpu.wait_indirect_dma semaphore(%arg18 : memref<!tpu.dma_semaphore, #tpu.memory_space<semaphore_mem>>) src(%dma_wait3A_78 : memref<10240x128xf32, #tpu.memory_space<hbm>>) dst(%arg12 : memref<128x128xf32, #tpu.memory_space<vmem>>)
    "tpu.region"() ({
      %run_scoped3A = tpu.sem_alloc : memref<!tpu.dma_semaphore, #tpu.memory_space<semaphore_mem>>
      %dma_start3A_80 = arith.constant 0 : i32
      %dma_start3A_81 = arith.constant 0 : i32
      %dma_start3A_82 = tpu.memref_slice %arg16[%dma_start3A_80, %dma_start3A_81] : memref<10240x128xf32, #tpu.memory_space<vmem_shared>> -> memref<10240x128xf32, #tpu.memory_space<vmem_shared>>
      tpu.enqueue_indirect_dma source(%arg12 : memref<128x128xf32, #tpu.memory_space<vmem>>) target(%dma_start3A_82 : memref<10240x128xf32, #tpu.memory_space<vmem_shared>>) offsets(%arg10 : memref<128xi32, #tpu.memory_space<vmem>>) semaphore(%run_scoped3A : memref<!tpu.dma_semaphore, #tpu.memory_space<semaphore_mem>>) {add = true}
      %dma_wait3A_83 = arith.constant 0 : i32
      %dma_wait3A_84 = arith.constant 0 : i32
      %dma_wait3A_85 = tpu.memref_slice %arg16[%dma_wait3A_83, %dma_wait3A_84] : memref<10240x128xf32, #tpu.memory_space<vmem_shared>> -> memref<10240x128xf32, #tpu.memory_space<vmem_shared>>
      tpu.wait_indirect_dma semaphore(%run_scoped3A : memref<!tpu.dma_semaphore, #tpu.memory_space<semaphore_mem>>) src(%arg12 : memref<128x128xf32, #tpu.memory_space<vmem>>) dst(%dma_wait3A_85 : memref<10240x128xf32, #tpu.memory_space<vmem_shared>>)
      tpu.yield
    }) : () -> ()
    "tpu.region"() ({
      %run_scoped3A = tpu.sem_alloc : memref<!tpu.dma_semaphore, #tpu.memory_space<semaphore_mem>>
      %dma_start3A_80 = arith.constant 0 : i32
      %dma_start3A_81 = tpu.memref_slice %arg17[%dma_start3A_80] : memref<10240xf32, #tpu.memory_space<vmem_shared>> -> memref<10240xf32, #tpu.memory_space<vmem_shared>>
      tpu.enqueue_indirect_dma source(%arg13 : memref<128xf32, #tpu.memory_space<vmem>>) target(%dma_start3A_81 : memref<10240xf32, #tpu.memory_space<vmem_shared>>) offsets(%arg10 : memref<128xi32, #tpu.memory_space<vmem>>) semaphore(%run_scoped3A : memref<!tpu.dma_semaphore, #tpu.memory_space<semaphore_mem>>) {add = true}
      %dma_wait3A_82 = arith.constant 0 : i32
      %dma_wait3A_83 = tpu.memref_slice %arg17[%dma_wait3A_82] : memref<10240xf32, #tpu.memory_space<vmem_shared>> -> memref<10240xf32, #tpu.memory_space<vmem_shared>>
      tpu.wait_indirect_dma semaphore(%run_scoped3A : memref<!tpu.dma_semaphore, #tpu.memory_space<semaphore_mem>>) src(%arg13 : memref<128xf32, #tpu.memory_space<vmem>>) dst(%dma_wait3A_83 : memref<10240xf32, #tpu.memory_space<vmem_shared>>)
      tpu.yield
    }) : () -> ()
    %barrier3A_79 = arith.constant 0 : index
    tpu.barrier barrier_id(%barrier3A_79)
    "tpu.region"() ({
      %run_scoped3A = tpu.sem_alloc : memref<!tpu.dma_semaphore, #tpu.memory_space<semaphore_mem>>
      %dma_start3A_80 = arith.constant 0 : i32
      %dma_start3A_81 = tpu.memref_slice %arg5[%arg0, %mul3A_19, %dma_start3A_80] : memref<2x10240x128xf32, #tpu.memory_space<hbm>> -> memref<1x640x128xf32, #tpu.memory_space<hbm>>
      %dma_start3A_82 = tpu.memref_squeeze %dma_start3A_81 : memref<1x640x128xf32, #tpu.memory_space<hbm>> -> memref<640x128xf32, #tpu.memory_space<hbm>>
      %dma_start3A_83 = arith.constant 0 : i32
      %dma_start3A_84 = tpu.memref_slice %arg16[%mul3A_19, %dma_start3A_83] : memref<10240x128xf32, #tpu.memory_space<vmem_shared>> -> memref<640x128xf32, #tpu.memory_space<vmem_shared>>
      tpu.enqueue_dma source(%dma_start3A_84 : memref<640x128xf32, #tpu.memory_space<vmem_shared>>) target(%dma_start3A_82 : memref<640x128xf32, #tpu.memory_space<hbm>>) target_semaphore(%run_scoped3A : memref<!tpu.dma_semaphore, #tpu.memory_space<semaphore_mem>>)
      %dma_wait3A_85 = arith.constant 0 : i32
      %dma_wait3A_86 = tpu.memref_slice %arg5[%arg0, %mul3A_19, %dma_wait3A_85] : memref<2x10240x128xf32, #tpu.memory_space<hbm>> -> memref<1x640x128xf32, #tpu.memory_space<hbm>>
      %dma_wait3A_87 = tpu.memref_squeeze %dma_wait3A_86 : memref<1x640x128xf32, #tpu.memory_space<hbm>> -> memref<640x128xf32, #tpu.memory_space<hbm>>
      %dma_wait3A_88 = arith.constant 0 : i32
      %dma_wait3A_89 = tpu.memref_slice %arg16[%mul3A_19, %dma_wait3A_88] : memref<10240x128xf32, #tpu.memory_space<vmem_shared>> -> memref<640x128xf32, #tpu.memory_space<vmem_shared>>
      tpu.wait_dma2 semaphore(%run_scoped3A : memref<!tpu.dma_semaphore, #tpu.memory_space<semaphore_mem>>) src(%dma_wait3A_89 : memref<640x128xf32, #tpu.memory_space<vmem_shared>>) dst(%dma_wait3A_87 : memref<640x128xf32, #tpu.memory_space<hbm>>)
      tpu.yield
    }) : () -> ()
    "tpu.region"() ({
      %run_scoped3A = tpu.sem_alloc : memref<!tpu.dma_semaphore, #tpu.memory_space<semaphore_mem>>
      %dma_start3A_80 = tpu.memref_slice %arg6[%arg0, %mul3A_19] : memref<2x10240xf32, #tpu.memory_space<hbm>> -> memref<1x640xf32, #tpu.memory_space<hbm>>
      %dma_start3A_81 = tpu.memref_squeeze %dma_start3A_80 : memref<1x640xf32, #tpu.memory_space<hbm>> -> memref<640xf32, #tpu.memory_space<hbm>>
      %dma_start3A_82 = tpu.memref_slice %arg17[%mul3A_19] : memref<10240xf32, #tpu.memory_space<vmem_shared>> -> memref<640xf32, #tpu.memory_space<vmem_shared>>
      tpu.enqueue_dma source(%dma_start3A_82 : memref<640xf32, #tpu.memory_space<vmem_shared>>) target(%dma_start3A_81 : memref<640xf32, #tpu.memory_space<hbm>>) target_semaphore(%run_scoped3A : memref<!tpu.dma_semaphore, #tpu.memory_space<semaphore_mem>>)
      %dma_wait3A_83 = tpu.memref_slice %arg6[%arg0, %mul3A_19] : memref<2x10240xf32, #tpu.memory_space<hbm>> -> memref<1x640xf32, #tpu.memory_space<hbm>>
      %dma_wait3A_84 = tpu.memref_squeeze %dma_wait3A_83 : memref<1x640xf32, #tpu.memory_space<hbm>> -> memref<640xf32, #tpu.memory_space<hbm>>
      %dma_wait3A_85 = tpu.memref_slice %arg17[%mul3A_19] : memref<10240xf32, #tpu.memory_space<vmem_shared>> -> memref<640xf32, #tpu.memory_space<vmem_shared>>
      tpu.wait_dma2 semaphore(%run_scoped3A : memref<!tpu.dma_semaphore, #tpu.memory_space<semaphore_mem>>) src(%dma_wait3A_85 : memref<640xf32, #tpu.memory_space<vmem_shared>>) dst(%dma_wait3A_84 : memref<640xf32, #tpu.memory_space<hbm>>)
      tpu.yield
    }) : () -> ()
    return
  }
}

#map = affine_map<(d0, d1) -> (0, 0)>
#map1 = affine_map<(d0, d1) -> (0)>
#map2 = affine_map<(d0, d1) -> (0, 0, 0)>
module attributes {stable_mosaic.version = 14 : i64} {
  func.func @_sc_phase(%arg0: i32, %arg1: i32, %arg2: memref<10000x128xf32, #tpu.memory_space<hbm>>, %arg3: memref<327680xi32, #tpu.memory_space<hbm>>, %arg4: memref<327680xi32, #tpu.memory_space<hbm>>, %arg5: memref<2x10240x128xf32, #tpu.memory_space<hbm>>, %arg6: memref<2x10240xf32, #tpu.memory_space<hbm>>, %arg7: memref<128xi32, #tpu.memory_space<vmem>>, %arg8: memref<128xi32, #tpu.memory_space<vmem>>, %arg9: memref<128xi32, #tpu.memory_space<vmem>>, %arg10: memref<128xi32, #tpu.memory_space<vmem>>, %arg11: memref<128x128xf32, #tpu.memory_space<vmem>>, %arg12: memref<128x128xf32, #tpu.memory_space<vmem>>, %arg13: memref<128xf32, #tpu.memory_space<vmem>>, %arg14: memref<32x128xf32, #tpu.memory_space<vmem>>, %arg15: memref<640xf32, #tpu.memory_space<vmem>>, %arg16: memref<10240x128xf32, #tpu.memory_space<vmem_shared>>, %arg17: memref<10240xf32, #tpu.memory_space<vmem_shared>>, %arg18: memref<!tpu.dma_semaphore, #tpu.memory_space<semaphore_mem>>) attributes {dimension_semantics = [#tpu.dimension_semantics<core_parallel>, #tpu.dimension_semantics<subcore_parallel>], iteration_bounds = array<i64: 2, 16>, scalar_prefetch = 0 : i64, scratch_operands = 12 : i64, tpu.core_type = #tpu.core_type<sc_vector_subcore>, window_params = [{transform_indices = #map}, {transform_indices = #map1}, {transform_indices = #map1}, {transform_indices = #map2}, {transform_indices = #map}]} {
    %mul3A = arith.constant 16 : i32
    %mul3A_0 = arith.muli %arg0, %mul3A : i32
    %add3A = arith.addi %mul3A_0, %arg1 : i32
    %mul3A_1 = arith.constant 10240 : i32
    %mul3A_2 = arith.muli %add3A, %mul3A_1 : i32
    %broadcast_in_dim3A = arith.constant 0.000000e+00 : f32
    %broadcast_in_dim3A_3 = vector.broadcast %broadcast_in_dim3A : f32 to vector<16xf32>
    %scan3A = arith.constant 0 : i32
    %scan3A_4 = arith.constant 8 : i32
    %scan3A_5 = arith.addi %scan3A, %scan3A_4 : i32
    %scan3A_6 = arith.constant 1 : i32
    scf.for %scan3A_80 = %scan3A to %scan3A_5 step %scan3A_6  : i32 {
      %mul3A_81 = arith.constant 1 : i32
      %mul3A_82 = arith.muli %scan3A_80, %mul3A_81 : i32
      %add3A_83 = arith.constant 0 : i32
      %add3A_84 = arith.addi %add3A_83, %mul3A_82 : i32
      %broadcast_in_dim3A_85 = arith.constant 1.000000e+00 : f32
      %broadcast_in_dim3A_86 = vector.broadcast %broadcast_in_dim3A_85 : f32 to vector<16xf32>
      %mul3A_87 = arith.constant 16 : i32
      %mul3A_88 = arith.muli %add3A_84, %mul3A_87 : i32
      %swap3A = arith.index_cast %mul3A_88 : i32 to index
      %swap3A_89 = tpu.vector_load %arg13[%swap3A] {strides = array<i32>} : memref<128xf32, #tpu.memory_space<vmem>>, vector<16xf32>,
      %swap3A_90 = vector.shape_cast %swap3A_89 : vector<16xf32> to vector<16xf32>
      %swap3A_91 = vector.shape_cast %broadcast_in_dim3A_86 : vector<16xf32> to vector<16xf32>
      tpu.vector_store %arg13[%swap3A], %swap3A_91 {strides = array<i32>} : memref<128xf32, #tpu.memory_space<vmem>>, vector<16xf32>,
    }
    %scan3A_7 = arith.constant 8 : i32
    %scan3A_8 = arith.constant 0 : i32
    %scan3A_9 = arith.constant 32 : i32
    %scan3A_10 = arith.addi %scan3A_8, %scan3A_9 : i32
    %scan3A_11 = arith.constant 1 : i32
    scf.for %scan3A_80 = %scan3A_8 to %scan3A_10 step %scan3A_11  : i32 {
      %mul3A_81 = arith.constant 1 : i32
      %mul3A_82 = arith.muli %scan3A_80, %mul3A_81 : i32
      %add3A_83 = arith.constant 0 : i32
      %add3A_84 = arith.addi %add3A_83, %mul3A_82 : i32
      %swap3A = arith.index_cast %add3A_84 : i32 to index
      %swap3A_85 = arith.constant 0 : index
      %swap3A_86 = tpu.vector_load %arg14[%swap3A, %swap3A_85] {strides = array<i32>} : memref<32x128xf32, #tpu.memory_space<vmem>>, vector<1x16xf32>,
      %swap3A_87 = vector.shape_cast %swap3A_86 : vector<1x16xf32> to vector<16xf32>
      %swap3A_88 = vector.shape_cast %broadcast_in_dim3A_3 : vector<16xf32> to vector<1x16xf32>
      tpu.vector_store %arg14[%swap3A, %swap3A_85], %swap3A_88 {strides = array<i32>} : memref<32x128xf32, #tpu.memory_space<vmem>>, vector<1x16xf32>,
      %swap3A_89 = arith.index_cast %add3A_84 : i32 to index
      %swap3A_90 = arith.constant 16 : index
      %swap3A_91 = tpu.vector_load %arg14[%swap3A_89, %swap3A_90] {strides = array<i32>} : memref<32x128xf32, #tpu.memory_space<vmem>>, vector<1x16xf32>,
      %swap3A_92 = vector.shape_cast %swap3A_91 : vector<1x16xf32> to vector<16xf32>
      %swap3A_93 = vector.shape_cast %broadcast_in_dim3A_3 : vector<16xf32> to vector<1x16xf32>
      tpu.vector_store %arg14[%swap3A_89, %swap3A_90], %swap3A_93 {strides = array<i32>} : memref<32x128xf32, #tpu.memory_space<vmem>>, vector<1x16xf32>,
      %swap3A_94 = arith.index_cast %add3A_84 : i32 to index
      %swap3A_95 = arith.constant 32 : index
      %swap3A_96 = tpu.vector_load %arg14[%swap3A_94, %swap3A_95] {strides = array<i32>} : memref<32x128xf32, #tpu.memory_space<vmem>>, vector<1x16xf32>,
      %swap3A_97 = vector.shape_cast %swap3A_96 : vector<1x16xf32> to vector<16xf32>
      %swap3A_98 = vector.shape_cast %broadcast_in_dim3A_3 : vector<16xf32> to vector<1x16xf32>
      tpu.vector_store %arg14[%swap3A_94, %swap3A_95], %swap3A_98 {strides = array<i32>} : memref<32x128xf32, #tpu.memory_space<vmem>>, vector<1x16xf32>,
      %swap3A_99 = arith.index_cast %add3A_84 : i32 to index
      %swap3A_100 = arith.constant 48 : index
      %swap3A_101 = tpu.vector_load %arg14[%swap3A_99, %swap3A_100] {strides = array<i32>} : memref<32x128xf32, #tpu.memory_space<vmem>>, vector<1x16xf32>,
      %swap3A_102 = vector.shape_cast %swap3A_101 : vector<1x16xf32> to vector<16xf32>
      %swap3A_103 = vector.shape_cast %broadcast_in_dim3A_3 : vector<16xf32> to vector<1x16xf32>
      tpu.vector_store %arg14[%swap3A_99, %swap3A_100], %swap3A_103 {strides = array<i32>} : memref<32x128xf32, #tpu.memory_space<vmem>>, vector<1x16xf32>,
      %swap3A_104 = arith.index_cast %add3A_84 : i32 to index
      %swap3A_105 = arith.constant 64 : index
      %swap3A_106 = tpu.vector_load %arg14[%swap3A_104, %swap3A_105] {strides = array<i32>} : memref<32x128xf32, #tpu.memory_space<vmem>>, vector<1x16xf32>,
      %swap3A_107 = vector.shape_cast %swap3A_106 : vector<1x16xf32> to vector<16xf32>
      %swap3A_108 = vector.shape_cast %broadcast_in_dim3A_3 : vector<16xf32> to vector<1x16xf32>
      tpu.vector_store %arg14[%swap3A_104, %swap3A_105], %swap3A_108 {strides = array<i32>} : memref<32x128xf32, #tpu.memory_space<vmem>>, vector<1x16xf32>,
      %swap3A_109 = arith.index_cast %add3A_84 : i32 to index
      %swap3A_110 = arith.constant 80 : index
      %swap3A_111 = tpu.vector_load %arg14[%swap3A_109, %swap3A_110] {strides = array<i32>} : memref<32x128xf32, #tpu.memory_space<vmem>>, vector<1x16xf32>,
      %swap3A_112 = vector.shape_cast %swap3A_111 : vector<1x16xf32> to vector<16xf32>
      %swap3A_113 = vector.shape_cast %broadcast_in_dim3A_3 : vector<16xf32> to vector<1x16xf32>
      tpu.vector_store %arg14[%swap3A_109, %swap3A_110], %swap3A_113 {strides = array<i32>} : memref<32x128xf32, #tpu.memory_space<vmem>>, vector<1x16xf32>,
      %swap3A_114 = arith.index_cast %add3A_84 : i32 to index
      %swap3A_115 = arith.constant 96 : index
      %swap3A_116 = tpu.vector_load %arg14[%swap3A_114, %swap3A_115] {strides = array<i32>} : memref<32x128xf32, #tpu.memory_space<vmem>>, vector<1x16xf32>,
      %swap3A_117 = vector.shape_cast %swap3A_116 : vector<1x16xf32> to vector<16xf32>
      %swap3A_118 = vector.shape_cast %broadcast_in_dim3A_3 : vector<16xf32> to vector<1x16xf32>
      tpu.vector_store %arg14[%swap3A_114, %swap3A_115], %swap3A_118 {strides = array<i32>} : memref<32x128xf32, #tpu.memory_space<vmem>>, vector<1x16xf32>,
      %swap3A_119 = arith.index_cast %add3A_84 : i32 to index
      %swap3A_120 = arith.constant 112 : index
      %swap3A_121 = tpu.vector_load %arg14[%swap3A_119, %swap3A_120] {strides = array<i32>} : memref<32x128xf32, #tpu.memory_space<vmem>>, vector<1x16xf32>,
      %swap3A_122 = vector.shape_cast %swap3A_121 : vector<1x16xf32> to vector<16xf32>
      %swap3A_123 = vector.shape_cast %broadcast_in_dim3A_3 : vector<16xf32> to vector<1x16xf32>
      tpu.vector_store %arg14[%swap3A_119, %swap3A_120], %swap3A_123 {strides = array<i32>} : memref<32x128xf32, #tpu.memory_space<vmem>>, vector<1x16xf32>,
    }
    %scan3A_12 = arith.constant 32 : i32
    %scan3A_13 = arith.constant 0 : i32
    %scan3A_14 = arith.constant 40 : i32
    %scan3A_15 = arith.addi %scan3A_13, %scan3A_14 : i32
    %scan3A_16 = arith.constant 1 : i32
    scf.for %scan3A_80 = %scan3A_13 to %scan3A_15 step %scan3A_16  : i32 {
      %mul3A_81 = arith.constant 1 : i32
      %mul3A_82 = arith.muli %scan3A_80, %mul3A_81 : i32
      %add3A_83 = arith.constant 0 : i32
      %add3A_84 = arith.addi %add3A_83, %mul3A_82 : i32
      %mul3A_85 = arith.constant 16 : i32
      %mul3A_86 = arith.muli %add3A_84, %mul3A_85 : i32
      %swap3A = arith.index_cast %mul3A_86 : i32 to index
      %swap3A_87 = tpu.vector_load %arg15[%swap3A] {strides = array<i32>} : memref<640xf32, #tpu.memory_space<vmem>>, vector<16xf32>,
      %swap3A_88 = vector.shape_cast %swap3A_87 : vector<16xf32> to vector<16xf32>
      %swap3A_89 = vector.shape_cast %broadcast_in_dim3A_3 : vector<16xf32> to vector<16xf32>
      tpu.vector_store %arg15[%swap3A], %swap3A_89 {strides = array<i32>} : memref<640xf32, #tpu.memory_space<vmem>>, vector<16xf32>,
    }
    %scan3A_17 = arith.constant 40 : i32
    %mul3A_18 = arith.constant 640 : i32
    %mul3A_19 = arith.muli %arg1, %mul3A_18 : i32
    %add3A_20 = arith.constant 0 : i32
    %add3A_21 = arith.addi %mul3A_19, %add3A_20 : i32
    "tpu.region"() ({
      %run_scoped3A = tpu.sem_alloc : memref<!tpu.dma_semaphore, #tpu.memory_space<semaphore_mem>>
      %dma_start3A_80 = arith.constant 0 : i32
      %dma_start3A_81 = tpu.memref_slice %arg16[%add3A_21, %dma_start3A_80] : memref<10240x128xf32, #tpu.memory_space<vmem_shared>> -> memref<32x128xf32, #tpu.memory_space<vmem_shared>>
      %dma_start3A_82 = arith.constant 0 : i32
      %dma_start3A_83 = tpu.memref_slice %arg16[%add3A_21, %dma_start3A_82] : memref<10240x128xf32, #tpu.memory_space<vmem_shared>> -> memref<32x128xf32, #tpu.memory_space<vmem_shared>>
      tpu.enqueue_dma source(%arg14 : memref<32x128xf32, #tpu.memory_space<vmem>>) target(%dma_start3A_83 : memref<32x128xf32, #tpu.memory_space<vmem_shared>>) target_semaphore(%run_scoped3A : memref<!tpu.dma_semaphore, #tpu.memory_space<semaphore_mem>>)
      %dma_wait3A_84 = arith.constant 0 : i32
      %dma_wait3A_85 = tpu.memref_slice %arg16[%add3A_21, %dma_wait3A_84] : memref<10240x128xf32, #tpu.memory_space<vmem_shared>> -> memref<32x128xf32, #tpu.memory_space<vmem_shared>>
      %dma_wait3A_86 = arith.constant 0 : i32
      %dma_wait3A_87 = tpu.memref_slice %arg16[%add3A_21, %dma_wait3A_86] : memref<10240x128xf32, #tpu.memory_space<vmem_shared>> -> memref<32x128xf32, #tpu.memory_space<vmem_shared>>
      tpu.wait_dma2 semaphore(%run_scoped3A : memref<!tpu.dma_semaphore, #tpu.memory_space<semaphore_mem>>) src(%arg14 : memref<32x128xf32, #tpu.memory_space<vmem>>) dst(%dma_wait3A_87 : memref<32x128xf32, #tpu.memory_space<vmem_shared>>)
      tpu.yield
    }) : () -> ()
    %add3A_22 = arith.constant 32 : i32
    %add3A_23 = arith.addi %mul3A_19, %add3A_22 : i32
    "tpu.region"() ({
      %run_scoped3A = tpu.sem_alloc : memref<!tpu.dma_semaphore, #tpu.memory_space<semaphore_mem>>
      %dma_start3A_80 = arith.constant 0 : i32
      %dma_start3A_81 = tpu.memref_slice %arg16[%add3A_23, %dma_start3A_80] : memref<10240x128xf32, #tpu.memory_space<vmem_shared>> -> memref<32x128xf32, #tpu.memory_space<vmem_shared>>
      %dma_start3A_82 = arith.constant 0 : i32
      %dma_start3A_83 = tpu.memref_slice %arg16[%add3A_23, %dma_start3A_82] : memref<10240x128xf32, #tpu.memory_space<vmem_shared>> -> memref<32x128xf32, #tpu.memory_space<vmem_shared>>
      tpu.enqueue_dma source(%arg14 : memref<32x128xf32, #tpu.memory_space<vmem>>) target(%dma_start3A_83 : memref<32x128xf32, #tpu.memory_space<vmem_shared>>) target_semaphore(%run_scoped3A : memref<!tpu.dma_semaphore, #tpu.memory_space<semaphore_mem>>)
      %dma_wait3A_84 = arith.constant 0 : i32
      %dma_wait3A_85 = tpu.memref_slice %arg16[%add3A_23, %dma_wait3A_84] : memref<10240x128xf32, #tpu.memory_space<vmem_shared>> -> memref<32x128xf32, #tpu.memory_space<vmem_shared>>
      %dma_wait3A_86 = arith.constant 0 : i32
      %dma_wait3A_87 = tpu.memref_slice %arg16[%add3A_23, %dma_wait3A_86] : memref<10240x128xf32, #tpu.memory_space<vmem_shared>> -> memref<32x128xf32, #tpu.memory_space<vmem_shared>>
      tpu.wait_dma2 semaphore(%run_scoped3A : memref<!tpu.dma_semaphore, #tpu.memory_space<semaphore_mem>>) src(%arg14 : memref<32x128xf32, #tpu.memory_space<vmem>>) dst(%dma_wait3A_87 : memref<32x128xf32, #tpu.memory_space<vmem_shared>>)
      tpu.yield
    }) : () -> ()
    %add3A_24 = arith.constant 64 : i32
    %add3A_25 = arith.addi %mul3A_19, %add3A_24 : i32
    "tpu.region"() ({
      %run_scoped3A = tpu.sem_alloc : memref<!tpu.dma_semaphore, #tpu.memory_space<semaphore_mem>>
      %dma_start3A_80 = arith.constant 0 : i32
      %dma_start3A_81 = tpu.memref_slice %arg16[%add3A_25, %dma_start3A_80] : memref<10240x128xf32, #tpu.memory_space<vmem_shared>> -> memref<32x128xf32, #tpu.memory_space<vmem_shared>>
      %dma_start3A_82 = arith.constant 0 : i32
      %dma_start3A_83 = tpu.memref_slice %arg16[%add3A_25, %dma_start3A_82] : memref<10240x128xf32, #tpu.memory_space<vmem_shared>> -> memref<32x128xf32, #tpu.memory_space<vmem_shared>>
      tpu.enqueue_dma source(%arg14 : memref<32x128xf32, #tpu.memory_space<vmem>>) target(%dma_start3A_83 : memref<32x128xf32, #tpu.memory_space<vmem_shared>>) target_semaphore(%run_scoped3A : memref<!tpu.dma_semaphore, #tpu.memory_space<semaphore_mem>>)
      %dma_wait3A_84 = arith.constant 0 : i32
      %dma_wait3A_85 = tpu.memref_slice %arg16[%add3A_25, %dma_wait3A_84] : memref<10240x128xf32, #tpu.memory_space<vmem_shared>> -> memref<32x128xf32, #tpu.memory_space<vmem_shared>>
      %dma_wait3A_86 = arith.constant 0 : i32
      %dma_wait3A_87 = tpu.memref_slice %arg16[%add3A_25, %dma_wait3A_86] : memref<10240x128xf32, #tpu.memory_space<vmem_shared>> -> memref<32x128xf32, #tpu.memory_space<vmem_shared>>
      tpu.wait_dma2 semaphore(%run_scoped3A : memref<!tpu.dma_semaphore, #tpu.memory_space<semaphore_mem>>) src(%arg14 : memref<32x128xf32, #tpu.memory_space<vmem>>) dst(%dma_wait3A_87 : memref<32x128xf32, #tpu.memory_space<vmem_shared>>)
      tpu.yield
    }) : () -> ()
    %add3A_26 = arith.constant 96 : i32
    %add3A_27 = arith.addi %mul3A_19, %add3A_26 : i32
    "tpu.region"() ({
      %run_scoped3A = tpu.sem_alloc : memref<!tpu.dma_semaphore, #tpu.memory_space<semaphore_mem>>
      %dma_start3A_80 = arith.constant 0 : i32
      %dma_start3A_81 = tpu.memref_slice %arg16[%add3A_27, %dma_start3A_80] : memref<10240x128xf32, #tpu.memory_space<vmem_shared>> -> memref<32x128xf32, #tpu.memory_space<vmem_shared>>
      %dma_start3A_82 = arith.constant 0 : i32
      %dma_start3A_83 = tpu.memref_slice %arg16[%add3A_27, %dma_start3A_82] : memref<10240x128xf32, #tpu.memory_space<vmem_shared>> -> memref<32x128xf32, #tpu.memory_space<vmem_shared>>
      tpu.enqueue_dma source(%arg14 : memref<32x128xf32, #tpu.memory_space<vmem>>) target(%dma_start3A_83 : memref<32x128xf32, #tpu.memory_space<vmem_shared>>) target_semaphore(%run_scoped3A : memref<!tpu.dma_semaphore, #tpu.memory_space<semaphore_mem>>)
      %dma_wait3A_84 = arith.constant 0 : i32
      %dma_wait3A_85 = tpu.memref_slice %arg16[%add3A_27, %dma_wait3A_84] : memref<10240x128xf32, #tpu.memory_space<vmem_shared>> -> memref<32x128xf32, #tpu.memory_space<vmem_shared>>
      %dma_wait3A_86 = arith.constant 0 : i32
      %dma_wait3A_87 = tpu.memref_slice %arg16[%add3A_27, %dma_wait3A_86] : memref<10240x128xf32, #tpu.memory_space<vmem_shared>> -> memref<32x128xf32, #tpu.memory_space<vmem_shared>>
      tpu.wait_dma2 semaphore(%run_scoped3A : memref<!tpu.dma_semaphore, #tpu.memory_space<semaphore_mem>>) src(%arg14 : memref<32x128xf32, #tpu.memory_space<vmem>>) dst(%dma_wait3A_87 : memref<32x128xf32, #tpu.memory_space<vmem_shared>>)
      tpu.yield
    }) : () -> ()
    %add3A_28 = arith.constant 128 : i32
    %add3A_29 = arith.addi %mul3A_19, %add3A_28 : i32
    "tpu.region"() ({
      %run_scoped3A = tpu.sem_alloc : memref<!tpu.dma_semaphore, #tpu.memory_space<semaphore_mem>>
      %dma_start3A_80 = arith.constant 0 : i32
      %dma_start3A_81 = tpu.memref_slice %arg16[%add3A_29, %dma_start3A_80] : memref<10240x128xf32, #tpu.memory_space<vmem_shared>> -> memref<32x128xf32, #tpu.memory_space<vmem_shared>>
      %dma_start3A_82 = arith.constant 0 : i32
      %dma_start3A_83 = tpu.memref_slice %arg16[%add3A_29, %dma_start3A_82] : memref<10240x128xf32, #tpu.memory_space<vmem_shared>> -> memref<32x128xf32, #tpu.memory_space<vmem_shared>>
      tpu.enqueue_dma source(%arg14 : memref<32x128xf32, #tpu.memory_space<vmem>>) target(%dma_start3A_83 : memref<32x128xf32, #tpu.memory_space<vmem_shared>>) target_semaphore(%run_scoped3A : memref<!tpu.dma_semaphore, #tpu.memory_space<semaphore_mem>>)
      %dma_wait3A_84 = arith.constant 0 : i32
      %dma_wait3A_85 = tpu.memref_slice %arg16[%add3A_29, %dma_wait3A_84] : memref<10240x128xf32, #tpu.memory_space<vmem_shared>> -> memref<32x128xf32, #tpu.memory_space<vmem_shared>>
      %dma_wait3A_86 = arith.constant 0 : i32
      %dma_wait3A_87 = tpu.memref_slice %arg16[%add3A_29, %dma_wait3A_86] : memref<10240x128xf32, #tpu.memory_space<vmem_shared>> -> memref<32x128xf32, #tpu.memory_space<vmem_shared>>
      tpu.wait_dma2 semaphore(%run_scoped3A : memref<!tpu.dma_semaphore, #tpu.memory_space<semaphore_mem>>) src(%arg14 : memref<32x128xf32, #tpu.memory_space<vmem>>) dst(%dma_wait3A_87 : memref<32x128xf32, #tpu.memory_space<vmem_shared>>)
      tpu.yield
    }) : () -> ()
    %add3A_30 = arith.constant 160 : i32
    %add3A_31 = arith.addi %mul3A_19, %add3A_30 : i32
    "tpu.region"() ({
      %run_scoped3A = tpu.sem_alloc : memref<!tpu.dma_semaphore, #tpu.memory_space<semaphore_mem>>
      %dma_start3A_80 = arith.constant 0 : i32
      %dma_start3A_81 = tpu.memref_slice %arg16[%add3A_31, %dma_start3A_80] : memref<10240x128xf32, #tpu.memory_space<vmem_shared>> -> memref<32x128xf32, #tpu.memory_space<vmem_shared>>
      %dma_start3A_82 = arith.constant 0 : i32
      %dma_start3A_83 = tpu.memref_slice %arg16[%add3A_31, %dma_start3A_82] : memref<10240x128xf32, #tpu.memory_space<vmem_shared>> -> memref<32x128xf32, #tpu.memory_space<vmem_shared>>
      tpu.enqueue_dma source(%arg14 : memref<32x128xf32, #tpu.memory_space<vmem>>) target(%dma_start3A_83 : memref<32x128xf32, #tpu.memory_space<vmem_shared>>) target_semaphore(%run_scoped3A : memref<!tpu.dma_semaphore, #tpu.memory_space<semaphore_mem>>)
      %dma_wait3A_84 = arith.constant 0 : i32
      %dma_wait3A_85 = tpu.memref_slice %arg16[%add3A_31, %dma_wait3A_84] : memref<10240x128xf32, #tpu.memory_space<vmem_shared>> -> memref<32x128xf32, #tpu.memory_space<vmem_shared>>
      %dma_wait3A_86 = arith.constant 0 : i32
      %dma_wait3A_87 = tpu.memref_slice %arg16[%add3A_31, %dma_wait3A_86] : memref<10240x128xf32, #tpu.memory_space<vmem_shared>> -> memref<32x128xf32, #tpu.memory_space<vmem_shared>>
      tpu.wait_dma2 semaphore(%run_scoped3A : memref<!tpu.dma_semaphore, #tpu.memory_space<semaphore_mem>>) src(%arg14 : memref<32x128xf32, #tpu.memory_space<vmem>>) dst(%dma_wait3A_87 : memref<32x128xf32, #tpu.memory_space<vmem_shared>>)
      tpu.yield
    }) : () -> ()
    %add3A_32 = arith.constant 192 : i32
    %add3A_33 = arith.addi %mul3A_19, %add3A_32 : i32
    "tpu.region"() ({
      %run_scoped3A = tpu.sem_alloc : memref<!tpu.dma_semaphore, #tpu.memory_space<semaphore_mem>>
      %dma_start3A_80 = arith.constant 0 : i32
      %dma_start3A_81 = tpu.memref_slice %arg16[%add3A_33, %dma_start3A_80] : memref<10240x128xf32, #tpu.memory_space<vmem_shared>> -> memref<32x128xf32, #tpu.memory_space<vmem_shared>>
      %dma_start3A_82 = arith.constant 0 : i32
      %dma_start3A_83 = tpu.memref_slice %arg16[%add3A_33, %dma_start3A_82] : memref<10240x128xf32, #tpu.memory_space<vmem_shared>> -> memref<32x128xf32, #tpu.memory_space<vmem_shared>>
      tpu.enqueue_dma source(%arg14 : memref<32x128xf32, #tpu.memory_space<vmem>>) target(%dma_start3A_83 : memref<32x128xf32, #tpu.memory_space<vmem_shared>>) target_semaphore(%run_scoped3A : memref<!tpu.dma_semaphore, #tpu.memory_space<semaphore_mem>>)
      %dma_wait3A_84 = arith.constant 0 : i32
      %dma_wait3A_85 = tpu.memref_slice %arg16[%add3A_33, %dma_wait3A_84] : memref<10240x128xf32, #tpu.memory_space<vmem_shared>> -> memref<32x128xf32, #tpu.memory_space<vmem_shared>>
      %dma_wait3A_86 = arith.constant 0 : i32
      %dma_wait3A_87 = tpu.memref_slice %arg16[%add3A_33, %dma_wait3A_86] : memref<10240x128xf32, #tpu.memory_space<vmem_shared>> -> memref<32x128xf32, #tpu.memory_space<vmem_shared>>
      tpu.wait_dma2 semaphore(%run_scoped3A : memref<!tpu.dma_semaphore, #tpu.memory_space<semaphore_mem>>) src(%arg14 : memref<32x128xf32, #tpu.memory_space<vmem>>) dst(%dma_wait3A_87 : memref<32x128xf32, #tpu.memory_space<vmem_shared>>)
      tpu.yield
    }) : () -> ()
    %add3A_34 = arith.constant 224 : i32
    %add3A_35 = arith.addi %mul3A_19, %add3A_34 : i32
    "tpu.region"() ({
      %run_scoped3A = tpu.sem_alloc : memref<!tpu.dma_semaphore, #tpu.memory_space<semaphore_mem>>
      %dma_start3A_80 = arith.constant 0 : i32
      %dma_start3A_81 = tpu.memref_slice %arg16[%add3A_35, %dma_start3A_80] : memref<10240x128xf32, #tpu.memory_space<vmem_shared>> -> memref<32x128xf32, #tpu.memory_space<vmem_shared>>
      %dma_start3A_82 = arith.constant 0 : i32
      %dma_start3A_83 = tpu.memref_slice %arg16[%add3A_35, %dma_start3A_82] : memref<10240x128xf32, #tpu.memory_space<vmem_shared>> -> memref<32x128xf32, #tpu.memory_space<vmem_shared>>
      tpu.enqueue_dma source(%arg14 : memref<32x128xf32, #tpu.memory_space<vmem>>) target(%dma_start3A_83 : memref<32x128xf32, #tpu.memory_space<vmem_shared>>) target_semaphore(%run_scoped3A : memref<!tpu.dma_semaphore, #tpu.memory_space<semaphore_mem>>)
      %dma_wait3A_84 = arith.constant 0 : i32
      %dma_wait3A_85 = tpu.memref_slice %arg16[%add3A_35, %dma_wait3A_84] : memref<10240x128xf32, #tpu.memory_space<vmem_shared>> -> memref<32x128xf32, #tpu.memory_space<vmem_shared>>
      %dma_wait3A_86 = arith.constant 0 : i32
      %dma_wait3A_87 = tpu.memref_slice %arg16[%add3A_35, %dma_wait3A_86] : memref<10240x128xf32, #tpu.memory_space<vmem_shared>> -> memref<32x128xf32, #tpu.memory_space<vmem_shared>>
      tpu.wait_dma2 semaphore(%run_scoped3A : memref<!tpu.dma_semaphore, #tpu.memory_space<semaphore_mem>>) src(%arg14 : memref<32x128xf32, #tpu.memory_space<vmem>>) dst(%dma_wait3A_87 : memref<32x128xf32, #tpu.memory_space<vmem_shared>>)
      tpu.yield
    }) : () -> ()
    %add3A_36 = arith.constant 256 : i32
    %add3A_37 = arith.addi %mul3A_19, %add3A_36 : i32
    "tpu.region"() ({
      %run_scoped3A = tpu.sem_alloc : memref<!tpu.dma_semaphore, #tpu.memory_space<semaphore_mem>>
      %dma_start3A_80 = arith.constant 0 : i32
      %dma_start3A_81 = tpu.memref_slice %arg16[%add3A_37, %dma_start3A_80] : memref<10240x128xf32, #tpu.memory_space<vmem_shared>> -> memref<32x128xf32, #tpu.memory_space<vmem_shared>>
      %dma_start3A_82 = arith.constant 0 : i32
      %dma_start3A_83 = tpu.memref_slice %arg16[%add3A_37, %dma_start3A_82] : memref<10240x128xf32, #tpu.memory_space<vmem_shared>> -> memref<32x128xf32, #tpu.memory_space<vmem_shared>>
      tpu.enqueue_dma source(%arg14 : memref<32x128xf32, #tpu.memory_space<vmem>>) target(%dma_start3A_83 : memref<32x128xf32, #tpu.memory_space<vmem_shared>>) target_semaphore(%run_scoped3A : memref<!tpu.dma_semaphore, #tpu.memory_space<semaphore_mem>>)
      %dma_wait3A_84 = arith.constant 0 : i32
      %dma_wait3A_85 = tpu.memref_slice %arg16[%add3A_37, %dma_wait3A_84] : memref<10240x128xf32, #tpu.memory_space<vmem_shared>> -> memref<32x128xf32, #tpu.memory_space<vmem_shared>>
      %dma_wait3A_86 = arith.constant 0 : i32
      %dma_wait3A_87 = tpu.memref_slice %arg16[%add3A_37, %dma_wait3A_86] : memref<10240x128xf32, #tpu.memory_space<vmem_shared>> -> memref<32x128xf32, #tpu.memory_space<vmem_shared>>
      tpu.wait_dma2 semaphore(%run_scoped3A : memref<!tpu.dma_semaphore, #tpu.memory_space<semaphore_mem>>) src(%arg14 : memref<32x128xf32, #tpu.memory_space<vmem>>) dst(%dma_wait3A_87 : memref<32x128xf32, #tpu.memory_space<vmem_shared>>)
      tpu.yield
    }) : () -> ()
    %add3A_38 = arith.constant 288 : i32
    %add3A_39 = arith.addi %mul3A_19, %add3A_38 : i32
    "tpu.region"() ({
      %run_scoped3A = tpu.sem_alloc : memref<!tpu.dma_semaphore, #tpu.memory_space<semaphore_mem>>
      %dma_start3A_80 = arith.constant 0 : i32
      %dma_start3A_81 = tpu.memref_slice %arg16[%add3A_39, %dma_start3A_80] : memref<10240x128xf32, #tpu.memory_space<vmem_shared>> -> memref<32x128xf32, #tpu.memory_space<vmem_shared>>
      %dma_start3A_82 = arith.constant 0 : i32
      %dma_start3A_83 = tpu.memref_slice %arg16[%add3A_39, %dma_start3A_82] : memref<10240x128xf32, #tpu.memory_space<vmem_shared>> -> memref<32x128xf32, #tpu.memory_space<vmem_shared>>
      tpu.enqueue_dma source(%arg14 : memref<32x128xf32, #tpu.memory_space<vmem>>) target(%dma_start3A_83 : memref<32x128xf32, #tpu.memory_space<vmem_shared>>) target_semaphore(%run_scoped3A : memref<!tpu.dma_semaphore, #tpu.memory_space<semaphore_mem>>)
      %dma_wait3A_84 = arith.constant 0 : i32
      %dma_wait3A_85 = tpu.memref_slice %arg16[%add3A_39, %dma_wait3A_84] : memref<10240x128xf32, #tpu.memory_space<vmem_shared>> -> memref<32x128xf32, #tpu.memory_space<vmem_shared>>
      %dma_wait3A_86 = arith.constant 0 : i32
      %dma_wait3A_87 = tpu.memref_slice %arg16[%add3A_39, %dma_wait3A_86] : memref<10240x128xf32, #tpu.memory_space<vmem_shared>> -> memref<32x128xf32, #tpu.memory_space<vmem_shared>>
      tpu.wait_dma2 semaphore(%run_scoped3A : memref<!tpu.dma_semaphore, #tpu.memory_space<semaphore_mem>>) src(%arg14 : memref<32x128xf32, #tpu.memory_space<vmem>>) dst(%dma_wait3A_87 : memref<32x128xf32, #tpu.memory_space<vmem_shared>>)
      tpu.yield
    }) : () -> ()
    %add3A_40 = arith.constant 320 : i32
    %add3A_41 = arith.addi %mul3A_19, %add3A_40 : i32
    "tpu.region"() ({
      %run_scoped3A = tpu.sem_alloc : memref<!tpu.dma_semaphore, #tpu.memory_space<semaphore_mem>>
      %dma_start3A_80 = arith.constant 0 : i32
      %dma_start3A_81 = tpu.memref_slice %arg16[%add3A_41, %dma_start3A_80] : memref<10240x128xf32, #tpu.memory_space<vmem_shared>> -> memref<32x128xf32, #tpu.memory_space<vmem_shared>>
      %dma_start3A_82 = arith.constant 0 : i32
      %dma_start3A_83 = tpu.memref_slice %arg16[%add3A_41, %dma_start3A_82] : memref<10240x128xf32, #tpu.memory_space<vmem_shared>> -> memref<32x128xf32, #tpu.memory_space<vmem_shared>>
      tpu.enqueue_dma source(%arg14 : memref<32x128xf32, #tpu.memory_space<vmem>>) target(%dma_start3A_83 : memref<32x128xf32, #tpu.memory_space<vmem_shared>>) target_semaphore(%run_scoped3A : memref<!tpu.dma_semaphore, #tpu.memory_space<semaphore_mem>>)
      %dma_wait3A_84 = arith.constant 0 : i32
      %dma_wait3A_85 = tpu.memref_slice %arg16[%add3A_41, %dma_wait3A_84] : memref<10240x128xf32, #tpu.memory_space<vmem_shared>> -> memref<32x128xf32, #tpu.memory_space<vmem_shared>>
      %dma_wait3A_86 = arith.constant 0 : i32
      %dma_wait3A_87 = tpu.memref_slice %arg16[%add3A_41, %dma_wait3A_86] : memref<10240x128xf32, #tpu.memory_space<vmem_shared>> -> memref<32x128xf32, #tpu.memory_space<vmem_shared>>
      tpu.wait_dma2 semaphore(%run_scoped3A : memref<!tpu.dma_semaphore, #tpu.memory_space<semaphore_mem>>) src(%arg14 : memref<32x128xf32, #tpu.memory_space<vmem>>) dst(%dma_wait3A_87 : memref<32x128xf32, #tpu.memory_space<vmem_shared>>)
      tpu.yield
    }) : () -> ()
    %add3A_42 = arith.constant 352 : i32
    %add3A_43 = arith.addi %mul3A_19, %add3A_42 : i32
    "tpu.region"() ({
      %run_scoped3A = tpu.sem_alloc : memref<!tpu.dma_semaphore, #tpu.memory_space<semaphore_mem>>
      %dma_start3A_80 = arith.constant 0 : i32
      %dma_start3A_81 = tpu.memref_slice %arg16[%add3A_43, %dma_start3A_80] : memref<10240x128xf32, #tpu.memory_space<vmem_shared>> -> memref<32x128xf32, #tpu.memory_space<vmem_shared>>
      %dma_start3A_82 = arith.constant 0 : i32
      %dma_start3A_83 = tpu.memref_slice %arg16[%add3A_43, %dma_start3A_82] : memref<10240x128xf32, #tpu.memory_space<vmem_shared>> -> memref<32x128xf32, #tpu.memory_space<vmem_shared>>
      tpu.enqueue_dma source(%arg14 : memref<32x128xf32, #tpu.memory_space<vmem>>) target(%dma_start3A_83 : memref<32x128xf32, #tpu.memory_space<vmem_shared>>) target_semaphore(%run_scoped3A : memref<!tpu.dma_semaphore, #tpu.memory_space<semaphore_mem>>)
      %dma_wait3A_84 = arith.constant 0 : i32
      %dma_wait3A_85 = tpu.memref_slice %arg16[%add3A_43, %dma_wait3A_84] : memref<10240x128xf32, #tpu.memory_space<vmem_shared>> -> memref<32x128xf32, #tpu.memory_space<vmem_shared>>
      %dma_wait3A_86 = arith.constant 0 : i32
      %dma_wait3A_87 = tpu.memref_slice %arg16[%add3A_43, %dma_wait3A_86] : memref<10240x128xf32, #tpu.memory_space<vmem_shared>> -> memref<32x128xf32, #tpu.memory_space<vmem_shared>>
      tpu.wait_dma2 semaphore(%run_scoped3A : memref<!tpu.dma_semaphore, #tpu.memory_space<semaphore_mem>>) src(%arg14 : memref<32x128xf32, #tpu.memory_space<vmem>>) dst(%dma_wait3A_87 : memref<32x128xf32, #tpu.memory_space<vmem_shared>>)
      tpu.yield
    }) : () -> ()
    %add3A_44 = arith.constant 384 : i32
    %add3A_45 = arith.addi %mul3A_19, %add3A_44 : i32
    "tpu.region"() ({
      %run_scoped3A = tpu.sem_alloc : memref<!tpu.dma_semaphore, #tpu.memory_space<semaphore_mem>>
      %dma_start3A_80 = arith.constant 0 : i32
      %dma_start3A_81 = tpu.memref_slice %arg16[%add3A_45, %dma_start3A_80] : memref<10240x128xf32, #tpu.memory_space<vmem_shared>> -> memref<32x128xf32, #tpu.memory_space<vmem_shared>>
      %dma_start3A_82 = arith.constant 0 : i32
      %dma_start3A_83 = tpu.memref_slice %arg16[%add3A_45, %dma_start3A_82] : memref<10240x128xf32, #tpu.memory_space<vmem_shared>> -> memref<32x128xf32, #tpu.memory_space<vmem_shared>>
      tpu.enqueue_dma source(%arg14 : memref<32x128xf32, #tpu.memory_space<vmem>>) target(%dma_start3A_83 : memref<32x128xf32, #tpu.memory_space<vmem_shared>>) target_semaphore(%run_scoped3A : memref<!tpu.dma_semaphore, #tpu.memory_space<semaphore_mem>>)
      %dma_wait3A_84 = arith.constant 0 : i32
      %dma_wait3A_85 = tpu.memref_slice %arg16[%add3A_45, %dma_wait3A_84] : memref<10240x128xf32, #tpu.memory_space<vmem_shared>> -> memref<32x128xf32, #tpu.memory_space<vmem_shared>>
      %dma_wait3A_86 = arith.constant 0 : i32
      %dma_wait3A_87 = tpu.memref_slice %arg16[%add3A_45, %dma_wait3A_86] : memref<10240x128xf32, #tpu.memory_space<vmem_shared>> -> memref<32x128xf32, #tpu.memory_space<vmem_shared>>
      tpu.wait_dma2 semaphore(%run_scoped3A : memref<!tpu.dma_semaphore, #tpu.memory_space<semaphore_mem>>) src(%arg14 : memref<32x128xf32, #tpu.memory_space<vmem>>) dst(%dma_wait3A_87 : memref<32x128xf32, #tpu.memory_space<vmem_shared>>)
      tpu.yield
    }) : () -> ()
    %add3A_46 = arith.constant 416 : i32
    %add3A_47 = arith.addi %mul3A_19, %add3A_46 : i32
    "tpu.region"() ({
      %run_scoped3A = tpu.sem_alloc : memref<!tpu.dma_semaphore, #tpu.memory_space<semaphore_mem>>
      %dma_start3A_80 = arith.constant 0 : i32
      %dma_start3A_81 = tpu.memref_slice %arg16[%add3A_47, %dma_start3A_80] : memref<10240x128xf32, #tpu.memory_space<vmem_shared>> -> memref<32x128xf32, #tpu.memory_space<vmem_shared>>
      %dma_start3A_82 = arith.constant 0 : i32
      %dma_start3A_83 = tpu.memref_slice %arg16[%add3A_47, %dma_start3A_82] : memref<10240x128xf32, #tpu.memory_space<vmem_shared>> -> memref<32x128xf32, #tpu.memory_space<vmem_shared>>
      tpu.enqueue_dma source(%arg14 : memref<32x128xf32, #tpu.memory_space<vmem>>) target(%dma_start3A_83 : memref<32x128xf32, #tpu.memory_space<vmem_shared>>) target_semaphore(%run_scoped3A : memref<!tpu.dma_semaphore, #tpu.memory_space<semaphore_mem>>)
      %dma_wait3A_84 = arith.constant 0 : i32
      %dma_wait3A_85 = tpu.memref_slice %arg16[%add3A_47, %dma_wait3A_84] : memref<10240x128xf32, #tpu.memory_space<vmem_shared>> -> memref<32x128xf32, #tpu.memory_space<vmem_shared>>
      %dma_wait3A_86 = arith.constant 0 : i32
      %dma_wait3A_87 = tpu.memref_slice %arg16[%add3A_47, %dma_wait3A_86] : memref<10240x128xf32, #tpu.memory_space<vmem_shared>> -> memref<32x128xf32, #tpu.memory_space<vmem_shared>>
      tpu.wait_dma2 semaphore(%run_scoped3A : memref<!tpu.dma_semaphore, #tpu.memory_space<semaphore_mem>>) src(%arg14 : memref<32x128xf32, #tpu.memory_space<vmem>>) dst(%dma_wait3A_87 : memref<32x128xf32, #tpu.memory_space<vmem_shared>>)
      tpu.yield
    }) : () -> ()
    %add3A_48 = arith.constant 448 : i32
    %add3A_49 = arith.addi %mul3A_19, %add3A_48 : i32
    "tpu.region"() ({
      %run_scoped3A = tpu.sem_alloc : memref<!tpu.dma_semaphore, #tpu.memory_space<semaphore_mem>>
      %dma_start3A_80 = arith.constant 0 : i32
      %dma_start3A_81 = tpu.memref_slice %arg16[%add3A_49, %dma_start3A_80] : memref<10240x128xf32, #tpu.memory_space<vmem_shared>> -> memref<32x128xf32, #tpu.memory_space<vmem_shared>>
      %dma_start3A_82 = arith.constant 0 : i32
      %dma_start3A_83 = tpu.memref_slice %arg16[%add3A_49, %dma_start3A_82] : memref<10240x128xf32, #tpu.memory_space<vmem_shared>> -> memref<32x128xf32, #tpu.memory_space<vmem_shared>>
      tpu.enqueue_dma source(%arg14 : memref<32x128xf32, #tpu.memory_space<vmem>>) target(%dma_start3A_83 : memref<32x128xf32, #tpu.memory_space<vmem_shared>>) target_semaphore(%run_scoped3A : memref<!tpu.dma_semaphore, #tpu.memory_space<semaphore_mem>>)
      %dma_wait3A_84 = arith.constant 0 : i32
      %dma_wait3A_85 = tpu.memref_slice %arg16[%add3A_49, %dma_wait3A_84] : memref<10240x128xf32, #tpu.memory_space<vmem_shared>> -> memref<32x128xf32, #tpu.memory_space<vmem_shared>>
      %dma_wait3A_86 = arith.constant 0 : i32
      %dma_wait3A_87 = tpu.memref_slice %arg16[%add3A_49, %dma_wait3A_86] : memref<10240x128xf32, #tpu.memory_space<vmem_shared>> -> memref<32x128xf32, #tpu.memory_space<vmem_shared>>
      tpu.wait_dma2 semaphore(%run_scoped3A : memref<!tpu.dma_semaphore, #tpu.memory_space<semaphore_mem>>) src(%arg14 : memref<32x128xf32, #tpu.memory_space<vmem>>) dst(%dma_wait3A_87 : memref<32x128xf32, #tpu.memory_space<vmem_shared>>)
      tpu.yield
    }) : () -> ()
    %add3A_50 = arith.constant 480 : i32
    %add3A_51 = arith.addi %mul3A_19, %add3A_50 : i32
    "tpu.region"() ({
      %run_scoped3A = tpu.sem_alloc : memref<!tpu.dma_semaphore, #tpu.memory_space<semaphore_mem>>
      %dma_start3A_80 = arith.constant 0 : i32
      %dma_start3A_81 = tpu.memref_slice %arg16[%add3A_51, %dma_start3A_80] : memref<10240x128xf32, #tpu.memory_space<vmem_shared>> -> memref<32x128xf32, #tpu.memory_space<vmem_shared>>
      %dma_start3A_82 = arith.constant 0 : i32
      %dma_start3A_83 = tpu.memref_slice %arg16[%add3A_51, %dma_start3A_82] : memref<10240x128xf32, #tpu.memory_space<vmem_shared>> -> memref<32x128xf32, #tpu.memory_space<vmem_shared>>
      tpu.enqueue_dma source(%arg14 : memref<32x128xf32, #tpu.memory_space<vmem>>) target(%dma_start3A_83 : memref<32x128xf32, #tpu.memory_space<vmem_shared>>) target_semaphore(%run_scoped3A : memref<!tpu.dma_semaphore, #tpu.memory_space<semaphore_mem>>)
      %dma_wait3A_84 = arith.constant 0 : i32
      %dma_wait3A_85 = tpu.memref_slice %arg16[%add3A_51, %dma_wait3A_84] : memref<10240x128xf32, #tpu.memory_space<vmem_shared>> -> memref<32x128xf32, #tpu.memory_space<vmem_shared>>
      %dma_wait3A_86 = arith.constant 0 : i32
      %dma_wait3A_87 = tpu.memref_slice %arg16[%add3A_51, %dma_wait3A_86] : memref<10240x128xf32, #tpu.memory_space<vmem_shared>> -> memref<32x128xf32, #tpu.memory_space<vmem_shared>>
      tpu.wait_dma2 semaphore(%run_scoped3A : memref<!tpu.dma_semaphore, #tpu.memory_space<semaphore_mem>>) src(%arg14 : memref<32x128xf32, #tpu.memory_space<vmem>>) dst(%dma_wait3A_87 : memref<32x128xf32, #tpu.memory_space<vmem_shared>>)
      tpu.yield
    }) : () -> ()
    %add3A_52 = arith.constant 512 : i32
    %add3A_53 = arith.addi %mul3A_19, %add3A_52 : i32
    "tpu.region"() ({
      %run_scoped3A = tpu.sem_alloc : memref<!tpu.dma_semaphore, #tpu.memory_space<semaphore_mem>>
      %dma_start3A_80 = arith.constant 0 : i32
      %dma_start3A_81 = tpu.memref_slice %arg16[%add3A_53, %dma_start3A_80] : memref<10240x128xf32, #tpu.memory_space<vmem_shared>> -> memref<32x128xf32, #tpu.memory_space<vmem_shared>>
      %dma_start3A_82 = arith.constant 0 : i32
      %dma_start3A_83 = tpu.memref_slice %arg16[%add3A_53, %dma_start3A_82] : memref<10240x128xf32, #tpu.memory_space<vmem_shared>> -> memref<32x128xf32, #tpu.memory_space<vmem_shared>>
      tpu.enqueue_dma source(%arg14 : memref<32x128xf32, #tpu.memory_space<vmem>>) target(%dma_start3A_83 : memref<32x128xf32, #tpu.memory_space<vmem_shared>>) target_semaphore(%run_scoped3A : memref<!tpu.dma_semaphore, #tpu.memory_space<semaphore_mem>>)
      %dma_wait3A_84 = arith.constant 0 : i32
      %dma_wait3A_85 = tpu.memref_slice %arg16[%add3A_53, %dma_wait3A_84] : memref<10240x128xf32, #tpu.memory_space<vmem_shared>> -> memref<32x128xf32, #tpu.memory_space<vmem_shared>>
      %dma_wait3A_86 = arith.constant 0 : i32
      %dma_wait3A_87 = tpu.memref_slice %arg16[%add3A_53, %dma_wait3A_86] : memref<10240x128xf32, #tpu.memory_space<vmem_shared>> -> memref<32x128xf32, #tpu.memory_space<vmem_shared>>
      tpu.wait_dma2 semaphore(%run_scoped3A : memref<!tpu.dma_semaphore, #tpu.memory_space<semaphore_mem>>) src(%arg14 : memref<32x128xf32, #tpu.memory_space<vmem>>) dst(%dma_wait3A_87 : memref<32x128xf32, #tpu.memory_space<vmem_shared>>)
      tpu.yield
    }) : () -> ()
    %add3A_54 = arith.constant 544 : i32
    %add3A_55 = arith.addi %mul3A_19, %add3A_54 : i32
    "tpu.region"() ({
      %run_scoped3A = tpu.sem_alloc : memref<!tpu.dma_semaphore, #tpu.memory_space<semaphore_mem>>
      %dma_start3A_80 = arith.constant 0 : i32
      %dma_start3A_81 = tpu.memref_slice %arg16[%add3A_55, %dma_start3A_80] : memref<10240x128xf32, #tpu.memory_space<vmem_shared>> -> memref<32x128xf32, #tpu.memory_space<vmem_shared>>
      %dma_start3A_82 = arith.constant 0 : i32
      %dma_start3A_83 = tpu.memref_slice %arg16[%add3A_55, %dma_start3A_82] : memref<10240x128xf32, #tpu.memory_space<vmem_shared>> -> memref<32x128xf32, #tpu.memory_space<vmem_shared>>
      tpu.enqueue_dma source(%arg14 : memref<32x128xf32, #tpu.memory_space<vmem>>) target(%dma_start3A_83 : memref<32x128xf32, #tpu.memory_space<vmem_shared>>) target_semaphore(%run_scoped3A : memref<!tpu.dma_semaphore, #tpu.memory_space<semaphore_mem>>)
      %dma_wait3A_84 = arith.constant 0 : i32
      %dma_wait3A_85 = tpu.memref_slice %arg16[%add3A_55, %dma_wait3A_84] : memref<10240x128xf32, #tpu.memory_space<vmem_shared>> -> memref<32x128xf32, #tpu.memory_space<vmem_shared>>
      %dma_wait3A_86 = arith.constant 0 : i32
      %dma_wait3A_87 = tpu.memref_slice %arg16[%add3A_55, %dma_wait3A_86] : memref<10240x128xf32, #tpu.memory_space<vmem_shared>> -> memref<32x128xf32, #tpu.memory_space<vmem_shared>>
      tpu.wait_dma2 semaphore(%run_scoped3A : memref<!tpu.dma_semaphore, #tpu.memory_space<semaphore_mem>>) src(%arg14 : memref<32x128xf32, #tpu.memory_space<vmem>>) dst(%dma_wait3A_87 : memref<32x128xf32, #tpu.memory_space<vmem_shared>>)
      tpu.yield
    }) : () -> ()
    %add3A_56 = arith.constant 576 : i32
    %add3A_57 = arith.addi %mul3A_19, %add3A_56 : i32
    "tpu.region"() ({
      %run_scoped3A = tpu.sem_alloc : memref<!tpu.dma_semaphore, #tpu.memory_space<semaphore_mem>>
      %dma_start3A_80 = arith.constant 0 : i32
      %dma_start3A_81 = tpu.memref_slice %arg16[%add3A_57, %dma_start3A_80] : memref<10240x128xf32, #tpu.memory_space<vmem_shared>> -> memref<32x128xf32, #tpu.memory_space<vmem_shared>>
      %dma_start3A_82 = arith.constant 0 : i32
      %dma_start3A_83 = tpu.memref_slice %arg16[%add3A_57, %dma_start3A_82] : memref<10240x128xf32, #tpu.memory_space<vmem_shared>> -> memref<32x128xf32, #tpu.memory_space<vmem_shared>>
      tpu.enqueue_dma source(%arg14 : memref<32x128xf32, #tpu.memory_space<vmem>>) target(%dma_start3A_83 : memref<32x128xf32, #tpu.memory_space<vmem_shared>>) target_semaphore(%run_scoped3A : memref<!tpu.dma_semaphore, #tpu.memory_space<semaphore_mem>>)
      %dma_wait3A_84 = arith.constant 0 : i32
      %dma_wait3A_85 = tpu.memref_slice %arg16[%add3A_57, %dma_wait3A_84] : memref<10240x128xf32, #tpu.memory_space<vmem_shared>> -> memref<32x128xf32, #tpu.memory_space<vmem_shared>>
      %dma_wait3A_86 = arith.constant 0 : i32
      %dma_wait3A_87 = tpu.memref_slice %arg16[%add3A_57, %dma_wait3A_86] : memref<10240x128xf32, #tpu.memory_space<vmem_shared>> -> memref<32x128xf32, #tpu.memory_space<vmem_shared>>
      tpu.wait_dma2 semaphore(%run_scoped3A : memref<!tpu.dma_semaphore, #tpu.memory_space<semaphore_mem>>) src(%arg14 : memref<32x128xf32, #tpu.memory_space<vmem>>) dst(%dma_wait3A_87 : memref<32x128xf32, #tpu.memory_space<vmem_shared>>)
      tpu.yield
    }) : () -> ()
    %add3A_58 = arith.constant 608 : i32
    %add3A_59 = arith.addi %mul3A_19, %add3A_58 : i32
    "tpu.region"() ({
      %run_scoped3A = tpu.sem_alloc : memref<!tpu.dma_semaphore, #tpu.memory_space<semaphore_mem>>
      %dma_start3A_80 = arith.constant 0 : i32
      %dma_start3A_81 = tpu.memref_slice %arg16[%add3A_59, %dma_start3A_80] : memref<10240x128xf32, #tpu.memory_space<vmem_shared>> -> memref<32x128xf32, #tpu.memory_space<vmem_shared>>
      %dma_start3A_82 = arith.constant 0 : i32
      %dma_start3A_83 = tpu.memref_slice %arg16[%add3A_59, %dma_start3A_82] : memref<10240x128xf32, #tpu.memory_space<vmem_shared>> -> memref<32x128xf32, #tpu.memory_space<vmem_shared>>
      tpu.enqueue_dma source(%arg14 : memref<32x128xf32, #tpu.memory_space<vmem>>) target(%dma_start3A_83 : memref<32x128xf32, #tpu.memory_space<vmem_shared>>) target_semaphore(%run_scoped3A : memref<!tpu.dma_semaphore, #tpu.memory_space<semaphore_mem>>)
      %dma_wait3A_84 = arith.constant 0 : i32
      %dma_wait3A_85 = tpu.memref_slice %arg16[%add3A_59, %dma_wait3A_84] : memref<10240x128xf32, #tpu.memory_space<vmem_shared>> -> memref<32x128xf32, #tpu.memory_space<vmem_shared>>
      %dma_wait3A_86 = arith.constant 0 : i32
      %dma_wait3A_87 = tpu.memref_slice %arg16[%add3A_59, %dma_wait3A_86] : memref<10240x128xf32, #tpu.memory_space<vmem_shared>> -> memref<32x128xf32, #tpu.memory_space<vmem_shared>>
      tpu.wait_dma2 semaphore(%run_scoped3A : memref<!tpu.dma_semaphore, #tpu.memory_space<semaphore_mem>>) src(%arg14 : memref<32x128xf32, #tpu.memory_space<vmem>>) dst(%dma_wait3A_87 : memref<32x128xf32, #tpu.memory_space<vmem_shared>>)
      tpu.yield
    }) : () -> ()
    "tpu.region"() ({
      %run_scoped3A = tpu.sem_alloc : memref<!tpu.dma_semaphore, #tpu.memory_space<semaphore_mem>>
      %dma_start3A_80 = tpu.memref_slice %arg17[%mul3A_19] : memref<10240xf32, #tpu.memory_space<vmem_shared>> -> memref<640xf32, #tpu.memory_space<vmem_shared>>
      %dma_start3A_81 = tpu.memref_slice %arg17[%mul3A_19] : memref<10240xf32, #tpu.memory_space<vmem_shared>> -> memref<640xf32, #tpu.memory_space<vmem_shared>>
      tpu.enqueue_dma source(%arg15 : memref<640xf32, #tpu.memory_space<vmem>>) target(%dma_start3A_81 : memref<640xf32, #tpu.memory_space<vmem_shared>>) target_semaphore(%run_scoped3A : memref<!tpu.dma_semaphore, #tpu.memory_space<semaphore_mem>>)
      %dma_wait3A_82 = tpu.memref_slice %arg17[%mul3A_19] : memref<10240xf32, #tpu.memory_space<vmem_shared>> -> memref<640xf32, #tpu.memory_space<vmem_shared>>
      %dma_wait3A_83 = tpu.memref_slice %arg17[%mul3A_19] : memref<10240xf32, #tpu.memory_space<vmem_shared>> -> memref<640xf32, #tpu.memory_space<vmem_shared>>
      tpu.wait_dma2 semaphore(%run_scoped3A : memref<!tpu.dma_semaphore, #tpu.memory_space<semaphore_mem>>) src(%arg15 : memref<640xf32, #tpu.memory_space<vmem>>) dst(%dma_wait3A_83 : memref<640xf32, #tpu.memory_space<vmem_shared>>)
      tpu.yield
    }) : () -> ()
    %barrier3A = arith.constant 0 : index
    tpu.barrier barrier_id(%barrier3A)
    %add3A_60 = arith.constant 0 : i32
    %add3A_61 = arith.addi %mul3A_2, %add3A_60 : i32
    "tpu.region"() ({
      %run_scoped3A = tpu.sem_alloc : memref<!tpu.dma_semaphore, #tpu.memory_space<semaphore_mem>>
      %dma_start3A_80 = tpu.memref_slice %arg3[%add3A_61] : memref<327680xi32, #tpu.memory_space<hbm>> -> memref<128xi32, #tpu.memory_space<hbm>>
      %dma_start3A_81 = tpu.memref_slice %arg3[%add3A_61] : memref<327680xi32, #tpu.memory_space<hbm>> -> memref<128xi32, #tpu.memory_space<hbm>>
      tpu.enqueue_dma source(%dma_start3A_81 : memref<128xi32, #tpu.memory_space<hbm>>) target(%arg7 : memref<128xi32, #tpu.memory_space<vmem>>) target_semaphore(%run_scoped3A : memref<!tpu.dma_semaphore, #tpu.memory_space<semaphore_mem>>)
      %dma_wait3A_82 = tpu.memref_slice %arg3[%add3A_61] : memref<327680xi32, #tpu.memory_space<hbm>> -> memref<128xi32, #tpu.memory_space<hbm>>
      %dma_wait3A_83 = tpu.memref_slice %arg3[%add3A_61] : memref<327680xi32, #tpu.memory_space<hbm>> -> memref<128xi32, #tpu.memory_space<hbm>>
      tpu.wait_dma2 semaphore(%run_scoped3A : memref<!tpu.dma_semaphore, #tpu.memory_space<semaphore_mem>>) src(%dma_wait3A_83 : memref<128xi32, #tpu.memory_space<hbm>>) dst(%arg7 : memref<128xi32, #tpu.memory_space<vmem>>)
      tpu.yield
    }) : () -> ()
    "tpu.region"() ({
      %run_scoped3A = tpu.sem_alloc : memref<!tpu.dma_semaphore, #tpu.memory_space<semaphore_mem>>
      %dma_start3A_80 = tpu.memref_slice %arg4[%add3A_61] : memref<327680xi32, #tpu.memory_space<hbm>> -> memref<128xi32, #tpu.memory_space<hbm>>
      %dma_start3A_81 = tpu.memref_slice %arg4[%add3A_61] : memref<327680xi32, #tpu.memory_space<hbm>> -> memref<128xi32, #tpu.memory_space<hbm>>
      tpu.enqueue_dma source(%dma_start3A_81 : memref<128xi32, #tpu.memory_space<hbm>>) target(%arg9 : memref<128xi32, #tpu.memory_space<vmem>>) target_semaphore(%run_scoped3A : memref<!tpu.dma_semaphore, #tpu.memory_space<semaphore_mem>>)
      %dma_wait3A_82 = tpu.memref_slice %arg4[%add3A_61] : memref<327680xi32, #tpu.memory_space<hbm>> -> memref<128xi32, #tpu.memory_space<hbm>>
      %dma_wait3A_83 = tpu.memref_slice %arg4[%add3A_61] : memref<327680xi32, #tpu.memory_space<hbm>> -> memref<128xi32, #tpu.memory_space<hbm>>
      tpu.wait_dma2 semaphore(%run_scoped3A : memref<!tpu.dma_semaphore, #tpu.memory_space<semaphore_mem>>) src(%dma_wait3A_83 : memref<128xi32, #tpu.memory_space<hbm>>) dst(%arg9 : memref<128xi32, #tpu.memory_space<vmem>>)
      tpu.yield
    }) : () -> ()
    %dma_start3A = arith.constant 0 : i32
    %dma_start3A_62 = arith.constant 0 : i32
    %dma_start3A_63 = tpu.memref_slice %arg2[%dma_start3A, %dma_start3A_62] : memref<10000x128xf32, #tpu.memory_space<hbm>> -> memref<10000x128xf32, #tpu.memory_space<hbm>>
    tpu.enqueue_indirect_dma source(%dma_start3A_63 : memref<10000x128xf32, #tpu.memory_space<hbm>>) target(%arg11 : memref<128x128xf32, #tpu.memory_space<vmem>>) offsets(%arg7 : memref<128xi32, #tpu.memory_space<vmem>>) semaphore(%arg18 : memref<!tpu.dma_semaphore, #tpu.memory_space<semaphore_mem>>)
    %add3A_64 = arith.constant 128 : i32
    %add3A_65 = arith.addi %mul3A_2, %add3A_64 : i32
    "tpu.region"() ({
      %run_scoped3A = tpu.sem_alloc : memref<!tpu.dma_semaphore, #tpu.memory_space<semaphore_mem>>
      %dma_start3A_80 = tpu.memref_slice %arg3[%add3A_65] : memref<327680xi32, #tpu.memory_space<hbm>> -> memref<128xi32, #tpu.memory_space<hbm>>
      %dma_start3A_81 = tpu.memref_slice %arg3[%add3A_65] : memref<327680xi32, #tpu.memory_space<hbm>> -> memref<128xi32, #tpu.memory_space<hbm>>
      tpu.enqueue_dma source(%dma_start3A_81 : memref<128xi32, #tpu.memory_space<hbm>>) target(%arg8 : memref<128xi32, #tpu.memory_space<vmem>>) target_semaphore(%run_scoped3A : memref<!tpu.dma_semaphore, #tpu.memory_space<semaphore_mem>>)
      %dma_wait3A_82 = tpu.memref_slice %arg3[%add3A_65] : memref<327680xi32, #tpu.memory_space<hbm>> -> memref<128xi32, #tpu.memory_space<hbm>>
      %dma_wait3A_83 = tpu.memref_slice %arg3[%add3A_65] : memref<327680xi32, #tpu.memory_space<hbm>> -> memref<128xi32, #tpu.memory_space<hbm>>
      tpu.wait_dma2 semaphore(%run_scoped3A : memref<!tpu.dma_semaphore, #tpu.memory_space<semaphore_mem>>) src(%dma_wait3A_83 : memref<128xi32, #tpu.memory_space<hbm>>) dst(%arg8 : memref<128xi32, #tpu.memory_space<vmem>>)
      tpu.yield
    }) : () -> ()
    "tpu.region"() ({
      %run_scoped3A = tpu.sem_alloc : memref<!tpu.dma_semaphore, #tpu.memory_space<semaphore_mem>>
      %dma_start3A_80 = tpu.memref_slice %arg4[%add3A_65] : memref<327680xi32, #tpu.memory_space<hbm>> -> memref<128xi32, #tpu.memory_space<hbm>>
      %dma_start3A_81 = tpu.memref_slice %arg4[%add3A_65] : memref<327680xi32, #tpu.memory_space<hbm>> -> memref<128xi32, #tpu.memory_space<hbm>>
      tpu.enqueue_dma source(%dma_start3A_81 : memref<128xi32, #tpu.memory_space<hbm>>) target(%arg10 : memref<128xi32, #tpu.memory_space<vmem>>) target_semaphore(%run_scoped3A : memref<!tpu.dma_semaphore, #tpu.memory_space<semaphore_mem>>)
      %dma_wait3A_82 = tpu.memref_slice %arg4[%add3A_65] : memref<327680xi32, #tpu.memory_space<hbm>> -> memref<128xi32, #tpu.memory_space<hbm>>
      %dma_wait3A_83 = tpu.memref_slice %arg4[%add3A_65] : memref<327680xi32, #tpu.memory_space<hbm>> -> memref<128xi32, #tpu.memory_space<hbm>>
      tpu.wait_dma2 semaphore(%run_scoped3A : memref<!tpu.dma_semaphore, #tpu.memory_space<semaphore_mem>>) src(%dma_wait3A_83 : memref<128xi32, #tpu.memory_space<hbm>>) dst(%arg10 : memref<128xi32, #tpu.memory_space<vmem>>)
      tpu.yield
    }) : () -> ()
    %dma_wait3A = arith.constant 0 : i32
    %dma_wait3A_66 = arith.constant 0 : i32
    %dma_wait3A_67 = tpu.memref_slice %arg2[%dma_wait3A, %dma_wait3A_66] : memref<10000x128xf32, #tpu.memory_space<hbm>> -> memref<10000x128xf32, #tpu.memory_space<hbm>>
    tpu.wait_indirect_dma semaphore(%arg18 : memref<!tpu.dma_semaphore, #tpu.memory_space<semaphore_mem>>) src(%dma_wait3A_67 : memref<10000x128xf32, #tpu.memory_space<hbm>>) dst(%arg11 : memref<128x128xf32, #tpu.memory_space<vmem>>)
    %scan3A_68 = arith.constant 0 : i32
    %scan3A_69 = arith.constant 39 : i32
    %scan3A_70 = arith.addi %scan3A_68, %scan3A_69 : i32
    %scan3A_71 = arith.constant 1 : i32
    scf.for %scan3A_80 = %scan3A_68 to %scan3A_70 step %scan3A_71  : i32 {
      %mul3A_81 = arith.constant 1 : i32
      %mul3A_82 = arith.muli %scan3A_80, %mul3A_81 : i32
      %add3A_83 = arith.constant 0 : i32
      %add3A_84 = arith.addi %add3A_83, %mul3A_82 : i32
      %mul3A_85 = arith.constant 2 : i32
      %mul3A_86 = arith.muli %add3A_84, %mul3A_85 : i32
      %add3A_87 = arith.constant 0 : i32
      %add3A_88 = arith.addi %mul3A_86, %add3A_87 : i32
      %add3A_89 = arith.constant 1 : i32
      %add3A_90 = arith.addi %add3A_88, %add3A_89 : i32
      %dma_start3A_91 = arith.constant 0 : i32
      %dma_start3A_92 = arith.constant 0 : i32
      %dma_start3A_93 = tpu.memref_slice %arg2[%dma_start3A_91, %dma_start3A_92] : memref<10000x128xf32, #tpu.memory_space<hbm>> -> memref<10000x128xf32, #tpu.memory_space<hbm>>
      tpu.enqueue_indirect_dma source(%dma_start3A_93 : memref<10000x128xf32, #tpu.memory_space<hbm>>) target(%arg12 : memref<128x128xf32, #tpu.memory_space<vmem>>) offsets(%arg8 : memref<128xi32, #tpu.memory_space<vmem>>) semaphore(%arg18 : memref<!tpu.dma_semaphore, #tpu.memory_space<semaphore_mem>>)
      "tpu.region"() ({
        %run_scoped3A = tpu.sem_alloc : memref<!tpu.dma_semaphore, #tpu.memory_space<semaphore_mem>>
        %dma_start3A_119 = arith.constant 0 : i32
        %dma_start3A_120 = arith.constant 0 : i32
        %dma_start3A_121 = tpu.memref_slice %arg16[%dma_start3A_119, %dma_start3A_120] : memref<10240x128xf32, #tpu.memory_space<vmem_shared>> -> memref<10240x128xf32, #tpu.memory_space<vmem_shared>>
        tpu.enqueue_indirect_dma source(%arg11 : memref<128x128xf32, #tpu.memory_space<vmem>>) target(%dma_start3A_121 : memref<10240x128xf32, #tpu.memory_space<vmem_shared>>) offsets(%arg9 : memref<128xi32, #tpu.memory_space<vmem>>) semaphore(%run_scoped3A : memref<!tpu.dma_semaphore, #tpu.memory_space<semaphore_mem>>) {add = true}
        %dma_wait3A_122 = arith.constant 0 : i32
        %dma_wait3A_123 = arith.constant 0 : i32
        %dma_wait3A_124 = tpu.memref_slice %arg16[%dma_wait3A_122, %dma_wait3A_123] : memref<10240x128xf32, #tpu.memory_space<vmem_shared>> -> memref<10240x128xf32, #tpu.memory_space<vmem_shared>>
        tpu.wait_indirect_dma semaphore(%run_scoped3A : memref<!tpu.dma_semaphore, #tpu.memory_space<semaphore_mem>>) src(%arg11 : memref<128x128xf32, #tpu.memory_space<vmem>>) dst(%dma_wait3A_124 : memref<10240x128xf32, #tpu.memory_space<vmem_shared>>)
        tpu.yield
      }) : () -> ()
      "tpu.region"() ({
        %run_scoped3A = tpu.sem_alloc : memref<!tpu.dma_semaphore, #tpu.memory_space<semaphore_mem>>
        %dma_start3A_119 = arith.constant 0 : i32
        %dma_start3A_120 = tpu.memref_slice %arg17[%dma_start3A_119] : memref<10240xf32, #tpu.memory_space<vmem_shared>> -> memref<10240xf32, #tpu.memory_space<vmem_shared>>
        tpu.enqueue_indirect_dma source(%arg13 : memref<128xf32, #tpu.memory_space<vmem>>) target(%dma_start3A_120 : memref<10240xf32, #tpu.memory_space<vmem_shared>>) offsets(%arg9 : memref<128xi32, #tpu.memory_space<vmem>>) semaphore(%run_scoped3A : memref<!tpu.dma_semaphore, #tpu.memory_space<semaphore_mem>>) {add = true}
        %dma_wait3A_121 = arith.constant 0 : i32
        %dma_wait3A_122 = tpu.memref_slice %arg17[%dma_wait3A_121] : memref<10240xf32, #tpu.memory_space<vmem_shared>> -> memref<10240xf32, #tpu.memory_space<vmem_shared>>
        tpu.wait_indirect_dma semaphore(%run_scoped3A : memref<!tpu.dma_semaphore, #tpu.memory_space<semaphore_mem>>) src(%arg13 : memref<128xf32, #tpu.memory_space<vmem>>) dst(%dma_wait3A_122 : memref<10240xf32, #tpu.memory_space<vmem_shared>>)
        tpu.yield
      }) : () -> ()
      %add3A_94 = arith.constant 1 : i32
      %add3A_95 = arith.addi %add3A_90, %add3A_94 : i32
      %mul3A_96 = arith.constant 128 : i32
      %mul3A_97 = arith.muli %add3A_95, %mul3A_96 : i32
      %add3A_98 = arith.addi %mul3A_2, %mul3A_97 : i32
      "tpu.region"() ({
        %run_scoped3A = tpu.sem_alloc : memref<!tpu.dma_semaphore, #tpu.memory_space<semaphore_mem>>
        %dma_start3A_119 = tpu.memref_slice %arg3[%add3A_98] : memref<327680xi32, #tpu.memory_space<hbm>> -> memref<128xi32, #tpu.memory_space<hbm>>
        %dma_start3A_120 = tpu.memref_slice %arg3[%add3A_98] : memref<327680xi32, #tpu.memory_space<hbm>> -> memref<128xi32, #tpu.memory_space<hbm>>
        tpu.enqueue_dma source(%dma_start3A_120 : memref<128xi32, #tpu.memory_space<hbm>>) target(%arg7 : memref<128xi32, #tpu.memory_space<vmem>>) target_semaphore(%run_scoped3A : memref<!tpu.dma_semaphore, #tpu.memory_space<semaphore_mem>>)
        %dma_wait3A_121 = tpu.memref_slice %arg3[%add3A_98] : memref<327680xi32, #tpu.memory_space<hbm>> -> memref<128xi32, #tpu.memory_space<hbm>>
        %dma_wait3A_122 = tpu.memref_slice %arg3[%add3A_98] : memref<327680xi32, #tpu.memory_space<hbm>> -> memref<128xi32, #tpu.memory_space<hbm>>
        tpu.wait_dma2 semaphore(%run_scoped3A : memref<!tpu.dma_semaphore, #tpu.memory_space<semaphore_mem>>) src(%dma_wait3A_122 : memref<128xi32, #tpu.memory_space<hbm>>) dst(%arg7 : memref<128xi32, #tpu.memory_space<vmem>>)
        tpu.yield
      }) : () -> ()
      "tpu.region"() ({
        %run_scoped3A = tpu.sem_alloc : memref<!tpu.dma_semaphore, #tpu.memory_space<semaphore_mem>>
        %dma_start3A_119 = tpu.memref_slice %arg4[%add3A_98] : memref<327680xi32, #tpu.memory_space<hbm>> -> memref<128xi32, #tpu.memory_space<hbm>>
        %dma_start3A_120 = tpu.memref_slice %arg4[%add3A_98] : memref<327680xi32, #tpu.memory_space<hbm>> -> memref<128xi32, #tpu.memory_space<hbm>>
        tpu.enqueue_dma source(%dma_start3A_120 : memref<128xi32, #tpu.memory_space<hbm>>) target(%arg9 : memref<128xi32, #tpu.memory_space<vmem>>) target_semaphore(%run_scoped3A : memref<!tpu.dma_semaphore, #tpu.memory_space<semaphore_mem>>)
        %dma_wait3A_121 = tpu.memref_slice %arg4[%add3A_98] : memref<327680xi32, #tpu.memory_space<hbm>> -> memref<128xi32, #tpu.memory_space<hbm>>
        %dma_wait3A_122 = tpu.memref_slice %arg4[%add3A_98] : memref<327680xi32, #tpu.memory_space<hbm>> -> memref<128xi32, #tpu.memory_space<hbm>>
        tpu.wait_dma2 semaphore(%run_scoped3A : memref<!tpu.dma_semaphore, #tpu.memory_space<semaphore_mem>>) src(%dma_wait3A_122 : memref<128xi32, #tpu.memory_space<hbm>>) dst(%arg9 : memref<128xi32, #tpu.memory_space<vmem>>)
        tpu.yield
      }) : () -> ()
      %dma_wait3A_99 = arith.constant 0 : i32
      %dma_wait3A_100 = arith.constant 0 : i32
      %dma_wait3A_101 = tpu.memref_slice %arg2[%dma_wait3A_99, %dma_wait3A_100] : memref<10000x128xf32, #tpu.memory_space<hbm>> -> memref<10000x128xf32, #tpu.memory_space<hbm>>
      tpu.wait_indirect_dma semaphore(%arg18 : memref<!tpu.dma_semaphore, #tpu.memory_space<semaphore_mem>>) src(%dma_wait3A_101 : memref<10000x128xf32, #tpu.memory_space<hbm>>) dst(%arg12 : memref<128x128xf32, #tpu.memory_space<vmem>>)
      %mul3A_102 = arith.constant 2 : i32
      %mul3A_103 = arith.muli %add3A_84, %mul3A_102 : i32
      %add3A_104 = arith.constant 1 : i32
      %add3A_105 = arith.addi %mul3A_103, %add3A_104 : i32
      %add3A_106 = arith.constant 1 : i32
      %add3A_107 = arith.addi %add3A_105, %add3A_106 : i32
      %dma_start3A_108 = arith.constant 0 : i32
      %dma_start3A_109 = arith.constant 0 : i32
      %dma_start3A_110 = tpu.memref_slice %arg2[%dma_start3A_108, %dma_start3A_109] : memref<10000x128xf32, #tpu.memory_space<hbm>> -> memref<10000x128xf32, #tpu.memory_space<hbm>>
      tpu.enqueue_indirect_dma source(%dma_start3A_110 : memref<10000x128xf32, #tpu.memory_space<hbm>>) target(%arg11 : memref<128x128xf32, #tpu.memory_space<vmem>>) offsets(%arg7 : memref<128xi32, #tpu.memory_space<vmem>>) semaphore(%arg18 : memref<!tpu.dma_semaphore, #tpu.memory_space<semaphore_mem>>)
      "tpu.region"() ({
        %run_scoped3A = tpu.sem_alloc : memref<!tpu.dma_semaphore, #tpu.memory_space<semaphore_mem>>
        %dma_start3A_119 = arith.constant 0 : i32
        %dma_start3A_120 = arith.constant 0 : i32
        %dma_start3A_121 = tpu.memref_slice %arg16[%dma_start3A_119, %dma_start3A_120] : memref<10240x128xf32, #tpu.memory_space<vmem_shared>> -> memref<10240x128xf32, #tpu.memory_space<vmem_shared>>
        tpu.enqueue_indirect_dma source(%arg12 : memref<128x128xf32, #tpu.memory_space<vmem>>) target(%dma_start3A_121 : memref<10240x128xf32, #tpu.memory_space<vmem_shared>>) offsets(%arg10 : memref<128xi32, #tpu.memory_space<vmem>>) semaphore(%run_scoped3A : memref<!tpu.dma_semaphore, #tpu.memory_space<semaphore_mem>>) {add = true}
        %dma_wait3A_122 = arith.constant 0 : i32
        %dma_wait3A_123 = arith.constant 0 : i32
        %dma_wait3A_124 = tpu.memref_slice %arg16[%dma_wait3A_122, %dma_wait3A_123] : memref<10240x128xf32, #tpu.memory_space<vmem_shared>> -> memref<10240x128xf32, #tpu.memory_space<vmem_shared>>
        tpu.wait_indirect_dma semaphore(%run_scoped3A : memref<!tpu.dma_semaphore, #tpu.memory_space<semaphore_mem>>) src(%arg12 : memref<128x128xf32, #tpu.memory_space<vmem>>) dst(%dma_wait3A_124 : memref<10240x128xf32, #tpu.memory_space<vmem_shared>>)
        tpu.yield
      }) : () -> ()
      "tpu.region"() ({
        %run_scoped3A = tpu.sem_alloc : memref<!tpu.dma_semaphore, #tpu.memory_space<semaphore_mem>>
        %dma_start3A_119 = arith.constant 0 : i32
        %dma_start3A_120 = tpu.memref_slice %arg17[%dma_start3A_119] : memref<10240xf32, #tpu.memory_space<vmem_shared>> -> memref<10240xf32, #tpu.memory_space<vmem_shared>>
        tpu.enqueue_indirect_dma source(%arg13 : memref<128xf32, #tpu.memory_space<vmem>>) target(%dma_start3A_120 : memref<10240xf32, #tpu.memory_space<vmem_shared>>) offsets(%arg10 : memref<128xi32, #tpu.memory_space<vmem>>) semaphore(%run_scoped3A : memref<!tpu.dma_semaphore, #tpu.memory_space<semaphore_mem>>) {add = true}
        %dma_wait3A_121 = arith.constant 0 : i32
        %dma_wait3A_122 = tpu.memref_slice %arg17[%dma_wait3A_121] : memref<10240xf32, #tpu.memory_space<vmem_shared>> -> memref<10240xf32, #tpu.memory_space<vmem_shared>>
        tpu.wait_indirect_dma semaphore(%run_scoped3A : memref<!tpu.dma_semaphore, #tpu.memory_space<semaphore_mem>>) src(%arg13 : memref<128xf32, #tpu.memory_space<vmem>>) dst(%dma_wait3A_122 : memref<10240xf32, #tpu.memory_space<vmem_shared>>)
        tpu.yield
      }) : () -> ()
      %add3A_111 = arith.constant 1 : i32
      %add3A_112 = arith.addi %add3A_107, %add3A_111 : i32
      %mul3A_113 = arith.constant 128 : i32
      %mul3A_114 = arith.muli %add3A_112, %mul3A_113 : i32
      %add3A_115 = arith.addi %mul3A_2, %mul3A_114 : i32
      "tpu.region"() ({
        %run_scoped3A = tpu.sem_alloc : memref<!tpu.dma_semaphore, #tpu.memory_space<semaphore_mem>>
        %dma_start3A_119 = tpu.memref_slice %arg3[%add3A_115] : memref<327680xi32, #tpu.memory_space<hbm>> -> memref<128xi32, #tpu.memory_space<hbm>>
        %dma_start3A_120 = tpu.memref_slice %arg3[%add3A_115] : memref<327680xi32, #tpu.memory_space<hbm>> -> memref<128xi32, #tpu.memory_space<hbm>>
        tpu.enqueue_dma source(%dma_start3A_120 : memref<128xi32, #tpu.memory_space<hbm>>) target(%arg8 : memref<128xi32, #tpu.memory_space<vmem>>) target_semaphore(%run_scoped3A : memref<!tpu.dma_semaphore, #tpu.memory_space<semaphore_mem>>)
        %dma_wait3A_121 = tpu.memref_slice %arg3[%add3A_115] : memref<327680xi32, #tpu.memory_space<hbm>> -> memref<128xi32, #tpu.memory_space<hbm>>
        %dma_wait3A_122 = tpu.memref_slice %arg3[%add3A_115] : memref<327680xi32, #tpu.memory_space<hbm>> -> memref<128xi32, #tpu.memory_space<hbm>>
        tpu.wait_dma2 semaphore(%run_scoped3A : memref<!tpu.dma_semaphore, #tpu.memory_space<semaphore_mem>>) src(%dma_wait3A_122 : memref<128xi32, #tpu.memory_space<hbm>>) dst(%arg8 : memref<128xi32, #tpu.memory_space<vmem>>)
        tpu.yield
      }) : () -> ()
      "tpu.region"() ({
        %run_scoped3A = tpu.sem_alloc : memref<!tpu.dma_semaphore, #tpu.memory_space<semaphore_mem>>
        %dma_start3A_119 = tpu.memref_slice %arg4[%add3A_115] : memref<327680xi32, #tpu.memory_space<hbm>> -> memref<128xi32, #tpu.memory_space<hbm>>
        %dma_start3A_120 = tpu.memref_slice %arg4[%add3A_115] : memref<327680xi32, #tpu.memory_space<hbm>> -> memref<128xi32, #tpu.memory_space<hbm>>
        tpu.enqueue_dma source(%dma_start3A_120 : memref<128xi32, #tpu.memory_space<hbm>>) target(%arg10 : memref<128xi32, #tpu.memory_space<vmem>>) target_semaphore(%run_scoped3A : memref<!tpu.dma_semaphore, #tpu.memory_space<semaphore_mem>>)
        %dma_wait3A_121 = tpu.memref_slice %arg4[%add3A_115] : memref<327680xi32, #tpu.memory_space<hbm>> -> memref<128xi32, #tpu.memory_space<hbm>>
        %dma_wait3A_122 = tpu.memref_slice %arg4[%add3A_115] : memref<327680xi32, #tpu.memory_space<hbm>> -> memref<128xi32, #tpu.memory_space<hbm>>
        tpu.wait_dma2 semaphore(%run_scoped3A : memref<!tpu.dma_semaphore, #tpu.memory_space<semaphore_mem>>) src(%dma_wait3A_122 : memref<128xi32, #tpu.memory_space<hbm>>) dst(%arg10 : memref<128xi32, #tpu.memory_space<vmem>>)
        tpu.yield
      }) : () -> ()
      %dma_wait3A_116 = arith.constant 0 : i32
      %dma_wait3A_117 = arith.constant 0 : i32
      %dma_wait3A_118 = tpu.memref_slice %arg2[%dma_wait3A_116, %dma_wait3A_117] : memref<10000x128xf32, #tpu.memory_space<hbm>> -> memref<10000x128xf32, #tpu.memory_space<hbm>>
      tpu.wait_indirect_dma semaphore(%arg18 : memref<!tpu.dma_semaphore, #tpu.memory_space<semaphore_mem>>) src(%dma_wait3A_118 : memref<10000x128xf32, #tpu.memory_space<hbm>>) dst(%arg11 : memref<128x128xf32, #tpu.memory_space<vmem>>)
    }
    %scan3A_72 = arith.constant 39 : i32
    %dma_start3A_73 = arith.constant 0 : i32
    %dma_start3A_74 = arith.constant 0 : i32
    %dma_start3A_75 = tpu.memref_slice %arg2[%dma_start3A_73, %dma_start3A_74] : memref<10000x128xf32, #tpu.memory_space<hbm>> -> memref<10000x128xf32, #tpu.memory_space<hbm>>
    tpu.enqueue_indirect_dma source(%dma_start3A_75 : memref<10000x128xf32, #tpu.memory_space<hbm>>) target(%arg12 : memref<128x128xf32, #tpu.memory_space<vmem>>) offsets(%arg8 : memref<128xi32, #tpu.memory_space<vmem>>) semaphore(%arg18 : memref<!tpu.dma_semaphore, #tpu.memory_space<semaphore_mem>>)
    "tpu.region"() ({
      %run_scoped3A = tpu.sem_alloc : memref<!tpu.dma_semaphore, #tpu.memory_space<semaphore_mem>>
      %dma_start3A_80 = arith.constant 0 : i32
      %dma_start3A_81 = arith.constant 0 : i32
      %dma_start3A_82 = tpu.memref_slice %arg16[%dma_start3A_80, %dma_start3A_81] : memref<10240x128xf32, #tpu.memory_space<vmem_shared>> -> memref<10240x128xf32, #tpu.memory_space<vmem_shared>>
      tpu.enqueue_indirect_dma source(%arg11 : memref<128x128xf32, #tpu.memory_space<vmem>>) target(%dma_start3A_82 : memref<10240x128xf32, #tpu.memory_space<vmem_shared>>) offsets(%arg9 : memref<128xi32, #tpu.memory_space<vmem>>) semaphore(%run_scoped3A : memref<!tpu.dma_semaphore, #tpu.memory_space<semaphore_mem>>) {add = true}
      %dma_wait3A_83 = arith.constant 0 : i32
      %dma_wait3A_84 = arith.constant 0 : i32
      %dma_wait3A_85 = tpu.memref_slice %arg16[%dma_wait3A_83, %dma_wait3A_84] : memref<10240x128xf32, #tpu.memory_space<vmem_shared>> -> memref<10240x128xf32, #tpu.memory_space<vmem_shared>>
      tpu.wait_indirect_dma semaphore(%run_scoped3A : memref<!tpu.dma_semaphore, #tpu.memory_space<semaphore_mem>>) src(%arg11 : memref<128x128xf32, #tpu.memory_space<vmem>>) dst(%dma_wait3A_85 : memref<10240x128xf32, #tpu.memory_space<vmem_shared>>)
      tpu.yield
    }) : () -> ()
    "tpu.region"() ({
      %run_scoped3A = tpu.sem_alloc : memref<!tpu.dma_semaphore, #tpu.memory_space<semaphore_mem>>
      %dma_start3A_80 = arith.constant 0 : i32
      %dma_start3A_81 = tpu.memref_slice %arg17[%dma_start3A_80] : memref<10240xf32, #tpu.memory_space<vmem_shared>> -> memref<10240xf32, #tpu.memory_space<vmem_shared>>
      tpu.enqueue_indirect_dma source(%arg13 : memref<128xf32, #tpu.memory_space<vmem>>) target(%dma_start3A_81 : memref<10240xf32, #tpu.memory_space<vmem_shared>>) offsets(%arg9 : memref<128xi32, #tpu.memory_space<vmem>>) semaphore(%run_scoped3A : memref<!tpu.dma_semaphore, #tpu.memory_space<semaphore_mem>>) {add = true}
      %dma_wait3A_82 = arith.constant 0 : i32
      %dma_wait3A_83 = tpu.memref_slice %arg17[%dma_wait3A_82] : memref<10240xf32, #tpu.memory_space<vmem_shared>> -> memref<10240xf32, #tpu.memory_space<vmem_shared>>
      tpu.wait_indirect_dma semaphore(%run_scoped3A : memref<!tpu.dma_semaphore, #tpu.memory_space<semaphore_mem>>) src(%arg13 : memref<128xf32, #tpu.memory_space<vmem>>) dst(%dma_wait3A_83 : memref<10240xf32, #tpu.memory_space<vmem_shared>>)
      tpu.yield
    }) : () -> ()
    %dma_wait3A_76 = arith.constant 0 : i32
    %dma_wait3A_77 = arith.constant 0 : i32
    %dma_wait3A_78 = tpu.memref_slice %arg2[%dma_wait3A_76, %dma_wait3A_77] : memref<10000x128xf32, #tpu.memory_space<hbm>> -> memref<10000x128xf32, #tpu.memory_space<hbm>>
    tpu.wait_indirect_dma semaphore(%arg18 : memref<!tpu.dma_semaphore, #tpu.memory_space<semaphore_mem>>) src(%dma_wait3A_78 : memref<10000x128xf32, #tpu.memory_space<hbm>>) dst(%arg12 : memref<128x128xf32, #tpu.memory_space<vmem>>)
    "tpu.region"() ({
      %run_scoped3A = tpu.sem_alloc : memref<!tpu.dma_semaphore, #tpu.memory_space<semaphore_mem>>
      %dma_start3A_80 = arith.constant 0 : i32
      %dma_start3A_81 = arith.constant 0 : i32
      %dma_start3A_82 = tpu.memref_slice %arg16[%dma_start3A_80, %dma_start3A_81] : memref<10240x128xf32, #tpu.memory_space<vmem_shared>> -> memref<10240x128xf32, #tpu.memory_space<vmem_shared>>
      tpu.enqueue_indirect_dma source(%arg12 : memref<128x128xf32, #tpu.memory_space<vmem>>) target(%dma_start3A_82 : memref<10240x128xf32, #tpu.memory_space<vmem_shared>>) offsets(%arg10 : memref<128xi32, #tpu.memory_space<vmem>>) semaphore(%run_scoped3A : memref<!tpu.dma_semaphore, #tpu.memory_space<semaphore_mem>>) {add = true}
      %dma_wait3A_83 = arith.constant 0 : i32
      %dma_wait3A_84 = arith.constant 0 : i32
      %dma_wait3A_85 = tpu.memref_slice %arg16[%dma_wait3A_83, %dma_wait3A_84] : memref<10240x128xf32, #tpu.memory_space<vmem_shared>> -> memref<10240x128xf32, #tpu.memory_space<vmem_shared>>
      tpu.wait_indirect_dma semaphore(%run_scoped3A : memref<!tpu.dma_semaphore, #tpu.memory_space<semaphore_mem>>) src(%arg12 : memref<128x128xf32, #tpu.memory_space<vmem>>) dst(%dma_wait3A_85 : memref<10240x128xf32, #tpu.memory_space<vmem_shared>>)
      tpu.yield
    }) : () -> ()
    "tpu.region"() ({
      %run_scoped3A = tpu.sem_alloc : memref<!tpu.dma_semaphore, #tpu.memory_space<semaphore_mem>>
      %dma_start3A_80 = arith.constant 0 : i32
      %dma_start3A_81 = tpu.memref_slice %arg17[%dma_start3A_80] : memref<10240xf32, #tpu.memory_space<vmem_shared>> -> memref<10240xf32, #tpu.memory_space<vmem_shared>>
      tpu.enqueue_indirect_dma source(%arg13 : memref<128xf32, #tpu.memory_space<vmem>>) target(%dma_start3A_81 : memref<10240xf32, #tpu.memory_space<vmem_shared>>) offsets(%arg10 : memref<128xi32, #tpu.memory_space<vmem>>) semaphore(%run_scoped3A : memref<!tpu.dma_semaphore, #tpu.memory_space<semaphore_mem>>) {add = true}
      %dma_wait3A_82 = arith.constant 0 : i32
      %dma_wait3A_83 = tpu.memref_slice %arg17[%dma_wait3A_82] : memref<10240xf32, #tpu.memory_space<vmem_shared>> -> memref<10240xf32, #tpu.memory_space<vmem_shared>>
      tpu.wait_indirect_dma semaphore(%run_scoped3A : memref<!tpu.dma_semaphore, #tpu.memory_space<semaphore_mem>>) src(%arg13 : memref<128xf32, #tpu.memory_space<vmem>>) dst(%dma_wait3A_83 : memref<10240xf32, #tpu.memory_space<vmem_shared>>)
      tpu.yield
    }) : () -> ()
    %barrier3A_79 = arith.constant 0 : index
    tpu.barrier barrier_id(%barrier3A_79)
    "tpu.region"() ({
      %run_scoped3A = tpu.sem_alloc : memref<!tpu.dma_semaphore, #tpu.memory_space<semaphore_mem>>
      %dma_start3A_80 = arith.constant 0 : i32
      %dma_start3A_81 = tpu.memref_slice %arg5[%arg0, %mul3A_19, %dma_start3A_80] : memref<2x10240x128xf32, #tpu.memory_space<hbm>> -> memref<1x640x128xf32, #tpu.memory_space<hbm>>
      %dma_start3A_82 = tpu.memref_squeeze %dma_start3A_81 : memref<1x640x128xf32, #tpu.memory_space<hbm>> -> memref<640x128xf32, #tpu.memory_space<hbm>>
      %dma_start3A_83 = arith.constant 0 : i32
      %dma_start3A_84 = tpu.memref_slice %arg16[%mul3A_19, %dma_start3A_83] : memref<10240x128xf32, #tpu.memory_space<vmem_shared>> -> memref<640x128xf32, #tpu.memory_space<vmem_shared>>
      tpu.enqueue_dma source(%dma_start3A_84 : memref<640x128xf32, #tpu.memory_space<vmem_shared>>) target(%dma_start3A_82 : memref<640x128xf32, #tpu.memory_space<hbm>>) target_semaphore(%run_scoped3A : memref<!tpu.dma_semaphore, #tpu.memory_space<semaphore_mem>>)
      %dma_wait3A_85 = arith.constant 0 : i32
      %dma_wait3A_86 = tpu.memref_slice %arg5[%arg0, %mul3A_19, %dma_wait3A_85] : memref<2x10240x128xf32, #tpu.memory_space<hbm>> -> memref<1x640x128xf32, #tpu.memory_space<hbm>>
      %dma_wait3A_87 = tpu.memref_squeeze %dma_wait3A_86 : memref<1x640x128xf32, #tpu.memory_space<hbm>> -> memref<640x128xf32, #tpu.memory_space<hbm>>
      %dma_wait3A_88 = arith.constant 0 : i32
      %dma_wait3A_89 = tpu.memref_slice %arg16[%mul3A_19, %dma_wait3A_88] : memref<10240x128xf32, #tpu.memory_space<vmem_shared>> -> memref<640x128xf32, #tpu.memory_space<vmem_shared>>
      tpu.wait_dma2 semaphore(%run_scoped3A : memref<!tpu.dma_semaphore, #tpu.memory_space<semaphore_mem>>) src(%dma_wait3A_89 : memref<640x128xf32, #tpu.memory_space<vmem_shared>>) dst(%dma_wait3A_87 : memref<640x128xf32, #tpu.memory_space<hbm>>)
      tpu.yield
    }) : () -> ()
    "tpu.region"() ({
      %run_scoped3A = tpu.sem_alloc : memref<!tpu.dma_semaphore, #tpu.memory_space<semaphore_mem>>
      %dma_start3A_80 = tpu.memref_slice %arg6[%arg0, %mul3A_19] : memref<2x10240xf32, #tpu.memory_space<hbm>> -> memref<1x640xf32, #tpu.memory_space<hbm>>
      %dma_start3A_81 = tpu.memref_squeeze %dma_start3A_80 : memref<1x640xf32, #tpu.memory_space<hbm>> -> memref<640xf32, #tpu.memory_space<hbm>>
      %dma_start3A_82 = tpu.memref_slice %arg17[%mul3A_19] : memref<10240xf32, #tpu.memory_space<vmem_shared>> -> memref<640xf32, #tpu.memory_space<vmem_shared>>
      tpu.enqueue_dma source(%dma_start3A_82 : memref<640xf32, #tpu.memory_space<vmem_shared>>) target(%dma_start3A_81 : memref<640xf32, #tpu.memory_space<hbm>>) target_semaphore(%run_scoped3A : memref<!tpu.dma_semaphore, #tpu.memory_space<semaphore_mem>>)
      %dma_wait3A_83 = tpu.memref_slice %arg6[%arg0, %mul3A_19] : memref<2x10240xf32, #tpu.memory_space<hbm>> -> memref<1x640xf32, #tpu.memory_space<hbm>>
      %dma_wait3A_84 = tpu.memref_squeeze %dma_wait3A_83 : memref<1x640xf32, #tpu.memory_space<hbm>> -> memref<640xf32, #tpu.memory_space<hbm>>
      %dma_wait3A_85 = tpu.memref_slice %arg17[%mul3A_19] : memref<10240xf32, #tpu.memory_space<vmem_shared>> -> memref<640xf32, #tpu.memory_space<vmem_shared>>
      tpu.wait_dma2 semaphore(%run_scoped3A : memref<!tpu.dma_semaphore, #tpu.memory_space<semaphore_mem>>) src(%dma_wait3A_85 : memref<640xf32, #tpu.memory_space<vmem_shared>>) dst(%dma_wait3A_84 : memref<640xf32, #tpu.memory_space<hbm>>)
      tpu.yield
    }) : () -> ()
    return
  }
}

module attributes {stable_mosaic.version = 14 : i64} {
  func.func @_combine1_body(%arg0: i32, %arg1: memref<2x1024x128xf32, #tpu.memory_space<vmem>>, %arg2: memref<2x1024xf32, #tpu.memory_space<vmem>>, %arg3: memref<128x128xf32, #tpu.memory_space<vmem>>, %arg4: memref<1024x128xf32, #tpu.memory_space<vmem>>) attributes {dimension_semantics = [#tpu.dimension_semantics<arbitrary>], iteration_bounds = array<i64: 10>, scalar_prefetch = 0 : i64, scratch_operands = 0 : i64, tpu.core_type = #tpu.core_type<tc>, window_params = [{transform_indices = @transform_0, window_bounds = array<i64: 2, 1024, 128>}, {transform_indices = @transform_1, window_bounds = array<i64: 2, 1024>}, {pipeline_mode = #tpu.pipeline_mode<synchronous>, transform_indices = @transform_2, window_bounds = array<i64: 128, 128>}, {transform_indices = @transform_3, window_bounds = array<i64: 1024, 128>}]} {
    %get3A = arith.constant 0 : index
    %get3A_0 = arith.constant 0 : index
    %get3A_1 = arith.constant 0 : index
    %get3A_2 = vector.load %arg1[%get3A, %get3A_0, %get3A_1] : memref<2x1024x128xf32, #tpu.memory_space<vmem>>, vector<1x1024x128xf32>
    %get3A_3 = vector.shape_cast %get3A_2 : vector<1x1024x128xf32> to vector<1024x128xf32>
    %get3A_4 = arith.constant 1 : index
    %get3A_5 = arith.constant 0 : index
    %get3A_6 = arith.constant 0 : index
    %get3A_7 = vector.load %arg1[%get3A_4, %get3A_5, %get3A_6] : memref<2x1024x128xf32, #tpu.memory_space<vmem>>, vector<1x1024x128xf32>
    %get3A_8 = vector.shape_cast %get3A_7 : vector<1x1024x128xf32> to vector<1024x128xf32>
    %add3A = arith.addf %get3A_3, %get3A_8 : vector<1024x128xf32>
    %get3A_9 = arith.constant 0 : index
    %get3A_10 = arith.constant 0 : index
    %get3A_11 = vector.load %arg2[%get3A_9, %get3A_10] : memref<2x1024xf32, #tpu.memory_space<vmem>>, vector<1x1024xf32>
    %get3A_12 = vector.shape_cast %get3A_11 : vector<1x1024xf32> to vector<1024xf32>
    %get3A_13 = arith.constant 1 : index
    %get3A_14 = arith.constant 0 : index
    %get3A_15 = vector.load %arg2[%get3A_13, %get3A_14] : memref<2x1024xf32, #tpu.memory_space<vmem>>, vector<1x1024xf32>
    %get3A_16 = vector.shape_cast %get3A_15 : vector<1x1024xf32> to vector<1024xf32>
    %add3A_17 = arith.addf %get3A_12, %get3A_16 : vector<1024xf32>
    %broadcast_in_dim3A = vector.shape_cast %add3A_17 : vector<1024xf32> to vector<1024x1xf32>
    %get3A_18 = arith.constant 0 : index
    %get3A_19 = arith.constant 0 : index
    %get3A_20 = vector.load %arg3[%get3A_18, %get3A_19] : memref<128x128xf32, #tpu.memory_space<vmem>>, vector<128x128xf32>
    %dot_general3A = arith.constant dense<0.000000e+00> : vector<1024x128xf32>
    %dot_general3A_21 = tpu.matmul %add3A, %get3A_20, %dot_general3A {dimension_numbers = #tpu.dot_dimension_numbers<[1], [1], [0], [0], [0, 0, 1, 0], [], []>, transpose_lhs_hint = false} : vector<1024x128xf32>, vector<128x128xf32>, vector<1024x128xf32> -> vector<1024x128xf32>
    %gt3A = arith.constant 0.000000e+00 : f32
    %gt3A_22 = vector.broadcast %gt3A : f32 to vector<1024x1xf32>
    %gt3A_23 = arith.cmpf ogt, %broadcast_in_dim3A, %gt3A_22 : vector<1024x1xf32>
    %gt3A_24 = arith.constant 0.000000e+00 : f32
    %gt3A_25 = vector.broadcast %gt3A_24 : f32 to vector<1024x1xf32>
    %gt3A_26 = arith.cmpf ogt, %broadcast_in_dim3A, %gt3A_25 : vector<1024x1xf32>
    %jit3A = arith.constant 1.000000e+00 : f32
    %broadcast_in_dim3A_27 = vector.broadcast %jit3A : f32 to vector<1024x1xf32>
    %select_n3A = arith.select %gt3A_26, %broadcast_in_dim3A, %broadcast_in_dim3A_27 : vector<1024x1xi1>, vector<1024x1xf32>
    %div3A = vector.broadcast %select_n3A : vector<1024x1xf32> to vector<1024x128xf32>
    %div3A_28 = arith.divf %dot_general3A_21, %div3A : vector<1024x128xf32>
    %jit3A_29 = arith.constant 0.000000e+00 : f32
    %broadcast_in_dim3A_30 = vector.shape_cast %gt3A_23 : vector<1024x1xi1> to vector<1024x1xi1>
    %broadcast_in_dim3A_31 = vector.broadcast %broadcast_in_dim3A_30 : vector<1024x1xi1> to vector<1024x128xi1>
    %broadcast_in_dim3A_32 = vector.broadcast %jit3A_29 : f32 to vector<1024x128xf32>
    %select_n3A_33 = arith.select %broadcast_in_dim3A_31, %div3A_28, %broadcast_in_dim3A_32 : vector<1024x128xi1>, vector<1024x128xf32>
    %swap3A = arith.constant 0 : index
    %swap3A_34 = arith.constant 0 : index
    %swap3A_35 = vector.load %arg4[%swap3A, %swap3A_34] : memref<1024x128xf32, #tpu.memory_space<vmem>>, vector<1024x128xf32>
    tpu.vector_store %arg4[%swap3A, %swap3A_34], %select_n3A_33 {strides = array<i32>} : memref<1024x128xf32, #tpu.memory_space<vmem>>, vector<1024x128xf32>,
    return
  }
  func.func @transform_0(%arg0: i32) -> (i32, i32, i32) {
    %c0_i32 = arith.constant 0 : i32
    %c0_i32_0 = arith.constant 0 : i32
    %c0_i32_1 = arith.constant 0 : i32
    return %c0_i32, %arg0, %c0_i32_0 : i32, i32, i32
  }
  func.func @transform_1(%arg0: i32) -> (i32, i32) {
    %c0_i32 = arith.constant 0 : i32
    %c0_i32_0 = arith.constant 0 : i32
    return %c0_i32, %arg0 : i32, i32
  }
  func.func @transform_2(%arg0: i32) -> (i32, i32) {
    %c0_i32 = arith.constant 0 : i32
    %c0_i32_0 = arith.constant 0 : i32
    %c0_i32_1 = arith.constant 0 : i32
    return %c0_i32, %c0_i32_0 : i32, i32
  }
  func.func @transform_3(%arg0: i32) -> (i32, i32) {
    %c0_i32 = arith.constant 0 : i32
    %c0_i32_0 = arith.constant 0 : i32
    return %arg0, %c0_i32 : i32, i32
  }
}

module attributes {stable_mosaic.version = 14 : i64} {
  func.func @_combine2_body(%arg0: i32, %arg1: memref<2x1024x128xf32, #tpu.memory_space<vmem>>, %arg2: memref<2x1024xf32, #tpu.memory_space<vmem>>, %arg3: memref<1x128xf32, #tpu.memory_space<vmem>>, %arg4: memref<1024x128xf32, #tpu.memory_space<vmem>>) attributes {dimension_semantics = [#tpu.dimension_semantics<arbitrary>], iteration_bounds = array<i64: 10>, scalar_prefetch = 0 : i64, scratch_operands = 0 : i64, tpu.core_type = #tpu.core_type<tc>, window_params = [{transform_indices = @transform_0, window_bounds = array<i64: 2, 1024, 128>}, {transform_indices = @transform_1, window_bounds = array<i64: 2, 1024>}, {pipeline_mode = #tpu.pipeline_mode<synchronous>, transform_indices = @transform_2, window_bounds = array<i64: 1, 128>}, {transform_indices = @transform_3, window_bounds = array<i64: 1024, 128>}]} {
    %get3A = arith.constant 0 : index
    %get3A_0 = arith.constant 0 : index
    %get3A_1 = arith.constant 0 : index
    %get3A_2 = vector.load %arg1[%get3A, %get3A_0, %get3A_1] : memref<2x1024x128xf32, #tpu.memory_space<vmem>>, vector<1x1024x128xf32>
    %get3A_3 = vector.shape_cast %get3A_2 : vector<1x1024x128xf32> to vector<1024x128xf32>
    %get3A_4 = arith.constant 1 : index
    %get3A_5 = arith.constant 0 : index
    %get3A_6 = arith.constant 0 : index
    %get3A_7 = vector.load %arg1[%get3A_4, %get3A_5, %get3A_6] : memref<2x1024x128xf32, #tpu.memory_space<vmem>>, vector<1x1024x128xf32>
    %get3A_8 = vector.shape_cast %get3A_7 : vector<1x1024x128xf32> to vector<1024x128xf32>
    %add3A = arith.addf %get3A_3, %get3A_8 : vector<1024x128xf32>
    %get3A_9 = arith.constant 0 : index
    %get3A_10 = arith.constant 0 : index
    %get3A_11 = vector.load %arg2[%get3A_9, %get3A_10] : memref<2x1024xf32, #tpu.memory_space<vmem>>, vector<1x1024xf32>
    %get3A_12 = vector.shape_cast %get3A_11 : vector<1x1024xf32> to vector<1024xf32>
    %get3A_13 = arith.constant 1 : index
    %get3A_14 = arith.constant 0 : index
    %get3A_15 = vector.load %arg2[%get3A_13, %get3A_14] : memref<2x1024xf32, #tpu.memory_space<vmem>>, vector<1x1024xf32>
    %get3A_16 = vector.shape_cast %get3A_15 : vector<1x1024xf32> to vector<1024xf32>
    %add3A_17 = arith.addf %get3A_12, %get3A_16 : vector<1024xf32>
    %broadcast_in_dim3A = vector.shape_cast %add3A_17 : vector<1024xf32> to vector<1024x1xf32>
    %gt3A = arith.constant 0.000000e+00 : f32
    %gt3A_18 = vector.broadcast %gt3A : f32 to vector<1024x1xf32>
    %gt3A_19 = arith.cmpf ogt, %broadcast_in_dim3A, %gt3A_18 : vector<1024x1xf32>
    %gt3A_20 = arith.constant 0.000000e+00 : f32
    %gt3A_21 = vector.broadcast %gt3A_20 : f32 to vector<1024x1xf32>
    %gt3A_22 = arith.cmpf ogt, %broadcast_in_dim3A, %gt3A_21 : vector<1024x1xf32>
    %jit3A = arith.constant 1.000000e+00 : f32
    %broadcast_in_dim3A_23 = vector.broadcast %jit3A : f32 to vector<1024x1xf32>
    %select_n3A = arith.select %gt3A_22, %broadcast_in_dim3A, %broadcast_in_dim3A_23 : vector<1024x1xi1>, vector<1024x1xf32>
    %div3A = vector.broadcast %select_n3A : vector<1024x1xf32> to vector<1024x128xf32>
    %div3A_24 = arith.divf %add3A, %div3A : vector<1024x128xf32>
    %jit3A_25 = arith.constant 0.000000e+00 : f32
    %broadcast_in_dim3A_26 = vector.shape_cast %gt3A_19 : vector<1024x1xi1> to vector<1024x1xi1>
    %broadcast_in_dim3A_27 = vector.broadcast %broadcast_in_dim3A_26 : vector<1024x1xi1> to vector<1024x128xi1>
    %broadcast_in_dim3A_28 = vector.broadcast %jit3A_25 : f32 to vector<1024x128xf32>
    %select_n3A_29 = arith.select %broadcast_in_dim3A_27, %div3A_24, %broadcast_in_dim3A_28 : vector<1024x128xi1>, vector<1024x128xf32>
    %get3A_30 = arith.constant 0 : index
    %get3A_31 = arith.constant 0 : index
    %get3A_32 = vector.load %arg3[%get3A_30, %get3A_31] : memref<1x128xf32, #tpu.memory_space<vmem>>, vector<1x128xf32>
    %add3A_33 = vector.broadcast %get3A_32 : vector<1x128xf32> to vector<1024x128xf32>
    %add3A_34 = arith.addf %select_n3A_29, %add3A_33 : vector<1024x128xf32>
    %swap3A = arith.constant 0 : index
    %swap3A_35 = arith.constant 0 : index
    %swap3A_36 = vector.load %arg4[%swap3A, %swap3A_35] : memref<1024x128xf32, #tpu.memory_space<vmem>>, vector<1024x128xf32>
    tpu.vector_store %arg4[%swap3A, %swap3A_35], %add3A_34 {strides = array<i32>} : memref<1024x128xf32, #tpu.memory_space<vmem>>, vector<1024x128xf32>,
    return
  }
  func.func @transform_0(%arg0: i32) -> (i32, i32, i32) {
    %c0_i32 = arith.constant 0 : i32
    %c0_i32_0 = arith.constant 0 : i32
    %c0_i32_1 = arith.constant 0 : i32
    return %c0_i32, %arg0, %c0_i32_0 : i32, i32, i32
  }
  func.func @transform_1(%arg0: i32) -> (i32, i32) {
    %c0_i32 = arith.constant 0 : i32
    %c0_i32_0 = arith.constant 0 : i32
    return %c0_i32, %arg0 : i32, i32
  }
  func.func @transform_2(%arg0: i32) -> (i32, i32) {
    %c0_i32 = arith.constant 0 : i32
    %c0_i32_0 = arith.constant 0 : i32
    %c0_i32_1 = arith.constant 0 : i32
    return %c0_i32, %c0_i32_0 : i32, i32
  }
  func.func @transform_3(%arg0: i32) -> (i32, i32) {
    %c0_i32 = arith.constant 0 : i32
    %c0_i32_0 = arith.constant 0 : i32
    return %arg0, %c0_i32 : i32, i32
  }
}

</mosaic_0001>

<sc_bundles>
// kernel: kernel.6.cloned.1.call-start
scs
__scs_entry_jumppad:
0x0: {  	(pc) =	sbr.rel $0x88, $3  }
0x1: {  	(tag) =	ssettag $0x0;
	lr =	simm.s32 $0x1  }
0x2: {  	[smem:$0x3F9D] =	sst lr;
	_ =	strace $0xD0000000  }
0x3: {  	_ = 	snop  }
0x4: {  	_ = 	snop  }
0x5: {  	_ = 	snop  }
0x6: {  	_ = 	snop  }
0x7: {  	_ = 	snop  }
__scs_overlays_trampoline_lowered:
0x8: {  	[smem:$0x3FAC] =	sst s0  }
0x9: {  	[smem:$0x3FAD] =	sst s1  }
0xa: {  	[smem:$0x3FAE] =	sst s2  }
0xb: {  	[smem:$0x3FAF] =	sst s3  }
0xc: {  	[smem:$0x3FB0] =	sst s4  }
0xd: {  	[smem:$0x3FB1] =	sst s5  }
0xe: {  	[smem:$0x3FB2] =	sst s6  }
0xf: {  	[smem:$0x3FB3] =	sst s7  }
0x10: {  	[smem:$0x3FB4] =	sst s8  }
0x11: {  	[smem:$0x3FB5] =	sst s9;
	s0 =	simm.s32 @!p0 $0x0  }
0x12: {  	s1 =	sld [smem:$0x3F9B];
	s0 =	simm.s32 @p0 $0x1  }
0x13: {  	[smem:$0x3FB6] =	sst s0;
	s0 =	simm.s32 @!p1 $0x0  }
0x14: {  	s2 =	sld [smem:$0x3F9A];
	s0 =	simm.s32 @p1 $0x1  }
0x15: {  	[smem:$0x3FB7] =	sst s0;
	s0 =	simm.s32 @!p2 $0x0  }
0x16: {  	s3 =	sld [smem:$0x3FDB];
	s0 =	simm.s32 @p2 $0x1  }
0x17: {  	s4 =	simm.s32 $0x1BF5;
	[smem:$0x3FB9] =	sst s0  }
0x18: {  	s0 =	sld [smem:$0x3F9C];
	_ =	swait.ge [sflag:s4], $0x0  }
0x19: {  	s7 =	sld [smem:$0x3F9D]  }
0x1a: {  	s8 =	sadd.s32 $0xFFFFE003, lr  }
0x1b: {  	s9 =	sadd.s32 $0xFFFFFEF7, lr;
	s5 =	simm.s32 $0xFFFFFFFF;
	p2 =	slt.u32 s8, $0xFFFFF086  }
0x1c: {  	p1 =	slt.u32 s9, $0xF7A;
	s5 =	simm.s32 @!p2 $0x0  }
0x1d: {  	s5 =	simm.s32 @p1 $0x1;
	p0 =	seq.s32 s7, s2  }
0x1e: {  	s7 =	smul.u32 @!p0 $0xF7A, s2;
	p2 =	seq.s32 @!p0 s5, $0x0  }
0x1f: {  	s9 =	smul.u32 $0xF7A, s1;
	s8 =	simm.s32 @!p0 $0x1BF5;
	p2 =	por !p2, p0  }
0x20: {  	[sflag:s8] =	ssyncset.s32 @!p0 $0xFFFFF086;
	s6 =	sadd.s32 @!p0 s3, s7;
	s7 =	simm.s32 @!p0 $0x108  }
0x21: {  	s3 =	sadd.s32 s3, s9;
	s6 =	sadd.s32 @!p0 $0x88, s6;
	s7 =	simm.s32 @p2 $0x1082  }
0x22: {  	[simem:s7], [sflag:s8] =	dma.local @!p0 [hbm:s6], $0xF7A  }
0x23: {  	s9 =	sor.u32 $0xD0000000, s2;
	s6 =	simm.s32 $0x108;
	_ =	swait.ge @!p0 [sflag:s8], $0x0  }
0x24: {  	s3 =	sadd.s32 $0x88, s3;
	s6 =	simm.s32 @!p1 $0x1082;
	[sflag:s4] =	ssyncset.s32 $0xFFFFF086  }
0x25: {  	[simem:s6], [sflag:s4] =	dma.local [hbm:s3], $0xF7A  }
0x26: {  	[smem:$0x3F9D] =	sst s1;
	(tag) =	ssettag s2;
	_ =	strace s9  }
0x27: {  	s1 =	sld [smem:$0x3FAD]  }
0x28: {  	s2 =	sld [smem:$0x3FAE]  }
0x29: {  	s4 =	sld [smem:$0x3FB0]  }
0x2a: {  	p0 =	seq.s32 s5, $0x0;
	s5 =	sld [smem:$0x3FB1]  }
0x2b: {  	s6 =	sld [smem:$0x3FB2]  }
0x2c: {  	s7 =	sld [smem:$0x3FB3]  }
0x2d: {  	s3 =	simm.s32 $0x108;
	s8 =	sld [smem:$0x3FB4]  }
0x2e: {  	s3 =	simm.s32 @!p0 $0x1082;
	s9 =	sld [smem:$0x3FB5]  }
0x2f: {  	lr =	sadd.s32 s0, s3;
	s0 =	sld [smem:$0x3FAC]  }
0x30: {  	s3 =	sld [smem:$0x3FAF]  }
0x31: {  	[smem:$0x3FB8] =	sst s10  }
0x32: {  	s10 =	sld [smem:$0x3FB6];
	_ =	sdelay $0x3  }
0x33: {  	p0 =	seq.s32 s10, $0x1;
	s10 =	sld [smem:$0x3FB8];
	_ =	sdelay $0x3  }
0x34: {  	[smem:$0x3FB8] =	sst s10  }
0x35: {  	s10 =	sld [smem:$0x3FB7];
	_ =	sdelay $0x3  }
0x36: {  	p1 =	seq.s32 s10, $0x1;
	s10 =	sld [smem:$0x3FB8];
	_ =	sdelay $0x3  }
0x37: {  	[smem:$0x3FB8] =	sst s10  }
0x38: {  	s10 =	sld [smem:$0x3FB9]  }
0x39: {  	_ = 	snop;
	(pc) =	sbr.ind lr, $3  }
0x3a: {  	_ = 	snop  }
0x3b: {  	_ = 	snop  }
0x3c: {  	p2 =	seq.s32 s10, $0x1;
	s10 =	sld [smem:$0x3FB8]  }
0x3d: {  	_ =	shalt  }
0x3e: {  	_ =	shalt  }
0x3f: {  	_ =	shalt  }
0x40: {  	_ =	shalt  }
0x41: {  	_ =	shalt  }
0x42: {  	_ =	shalt  }
0x43: {  	_ =	shalt  }
0x44: {  	_ =	shalt  }
0x45: {  	_ =	shalt  }
0x46: {  	_ =	shalt  }
0x47: {  	_ =	shalt  }
0x48: {  	_ =	shalt  }
0x49: {  	_ =	shalt  }
0x4a: {  	_ =	shalt  }
0x4b: {  	_ =	shalt  }
0x4c: {  	_ =	shalt  }
0x4d: {  	_ =	shalt  }
0x4e: {  	_ =	shalt  }
0x4f: {  	_ =	shalt  }
0x50: {  	_ =	shalt  }
0x51: {  	_ =	shalt  }
0x52: {  	_ =	shalt  }
0x53: {  	_ =	shalt  }
0x54: {  	_ =	shalt  }
0x55: {  	_ =	shalt  }
0x56: {  	_ =	shalt  }
0x57: {  	_ =	shalt  }
0x58: {  	_ =	shalt  }
0x59: {  	_ =	shalt  }
0x5a: {  	_ =	shalt  }
0x5b: {  	_ =	shalt  }
0x5c: {  	_ =	shalt  }
0x5d: {  	_ =	shalt  }
0x5e: {  	_ =	shalt  }
0x5f: {  	_ =	shalt  }
0x60: {  	_ =	shalt  }
0x61: {  	_ =	shalt  }
0x62: {  	_ =	shalt  }
0x63: {  	_ =	shalt  }
0x64: {  	_ =	shalt  }
0x65: {  	_ =	shalt  }
0x66: {  	_ =	shalt  }
0x67: {  	_ =	shalt  }
0x68: {  	_ =	shalt  }
0x69: {  	_ =	shalt  }
0x6a: {  	_ =	shalt  }
0x6b: {  	_ =	shalt  }
0x6c: {  	_ =	shalt  }
0x6d: {  	_ =	shalt  }
0x6e: {  	_ =	shalt  }
0x6f: {  	_ =	shalt  }
0x70: {  	_ =	shalt  }
0x71: {  	_ =	shalt  }
0x72: {  	_ =	shalt  }
0x73: {  	_ =	shalt  }
0x74: {  	_ =	shalt  }
0x75: {  	_ =	shalt  }
0x76: {  	_ =	shalt  }
0x77: {  	_ =	shalt  }
0x78: {  	_ =	shalt  }
0x79: {  	_ =	shalt  }
0x7a: {  	_ =	shalt  }
0x7b: {  	_ =	shalt  }
0x7c: {  	_ =	shalt  }
0x7d: {  	_ =	shalt  }
0x7e: {  	_ =	shalt  }
0x7f: {  	_ =	shalt  }
0x80: {  	_ =	shalt  }
0x81: {  	_ =	shalt  }
0x82: {  	_ =	shalt  }
0x83: {  	_ =	shalt  }
0x84: {  	_ =	shalt  }
0x85: {  	_ =	shalt  }
0x86: {  	_ =	shalt  }
0x87: {  	_ =	shalt  }
.Lfunc_end0:
.L_simem_size_0:
called_computation_lowered:
.L_overlay_start_0:
0x88: {  	s2 =	sld [smem:$0x3FD9]  }
0x89: {  	s3 =	sld [smem:$0x3FFE];
	_ =	sdelay $0x1  }
0x8a: {  	s1 =	srdreg.scid  }
0x8b: {  	s0 =	sand.u32 $0x1, s1  }
0x8c: {  	s17 =	sshll.u32 s0, $0xA;
	s2 =	sadd.s32 s3, s2  }
0x8d: {  	s2 =	sadd.s32 s2, s17  }
0x8e: {  	[smem:$0x3FC4] =	sst s2  }
0x8f: {  	_ = 	snop  }
0x90: {  	s2 =	sld [smem:$0x3FC9];
	(tm) =	ssettm $0x1  }
0x91: {  	s18 =	sld [smem:$0x3FFB];
	_ =	sdelay $0x3  }
0x92: {  	_ =	strace s18  }
0x93: {  	s3 =	sld [smem:$0x3FFC];
	_ =	sdelay $0x3  }
0x94: {  	_ =	strace s3  }
0x95: {  	s3 =	sld [smem:$0x3FFD];
	_ =	sdelay $0x3  }
0x96: {  	_ =	strace s3  }
0x97: {  	_ =	strace $0x8FFFFFFF  }
0x98: {  	s19 =	sld [smem:$0x3FDB];
	_ =	sdelay $0x1  }
0x99: {  	s4 =	simm.s32 $_scs_section_size  }
0x9a: {  	s5 =	simm.s32 $_size__tile_overlayer_lowered;
	s6 =	simm.s32 $_tile_overlayer_lowered  }
0x9b: {  	s22 =	simm.s32 $0x1BFF;
	s21 =	sshll.u32 s6, $0x1;
	s3 =	sadd.s32 s4, s19  }
0x9c: {  	s7 =	simm.s32 $0x0;
	s20 =	sshll.u32 s5, $0x1;
	s5 =	sadd.s32 s21, s3  }
0x9d: {  	[timem:s7], [sflag:s22] =	dma.local [hbm:s5], s20  }
0x9e: {  	_ =	swait.ge [sflag:s22], s20  }
0x9f: {  	s4 =	ssub.s32 $0x0, s20;
	[sflag:s22] =	ssyncset.done $0x0  }
0xa0: {  	[sflag:s22] =	ssyncadd.s32 s4;
	_ =	sdelay $0x1  }
0xa1: {  	s23 =	simm.s32 $0x1B8B  }
0xa2: {  	_ =	swait.ge [sflag:s23], $0x1  }
0xa3: {  	[sflag:s23] =	ssyncset.done $0x0  }
0xa4: {  	s25 =	simm.s32 $0x1B8E;
	s24 =	sld [smem:$0x3FFE];
	[sflag:s23] =	ssyncadd.s32 $0xFFFFFFFF  }
0xa5: {  	s26 =	simm.s32 $execute0_lowered;
	[smem:$0x3FD2] =	sst s25  }
0xa6: {  	s5 =	sshll.u32 s26, $0x1;
	_ =	strace $0x80000046;
	[dreg:$0x1] =	wrdreg $0xFFFFFFFF  }
0xa7: {  	s28 =	simm.s32 $_size_execute0_lowered;
	s3 =	sadd.s32 s3, s5;
	[dreg:$0x0] =	wrdreg $0x0  }
0xa8: {  	s5 =	sshll.u32 s28, $0x1;
	[dreg:$0x2] =	wrdreg s3  }
0xa9: {  	[dreg:$0x3] =	wrdreg s5  }
0xaa: {  	[dreg:$0x4] =	wrdreg $0xC0  }
0xab: {  	_ =	task [dreg:s7], $0x5FFFF  }
0xac: {  	[dreg:$0x1] =	wrdreg $0xFFFFFFFF  }
0xad: {  	[dreg:$0x0] =	wrdreg $0x60  }
0xae: {  	[dreg:$0x2] =	wrdreg s2  }
0xaf: {  	[dreg:$0x3] =	wrdreg s24  }
0xb0: {  	[dreg:$0x4] =	wrdreg $0x95000  }
0xb1: {  	[dreg:$0x5] =	wrdreg $0x1D5000  }
0xb2: {  	[dreg:$0x6] =	wrdreg $0x9  }
0xb3: {  	_ =	task.clear_ibuf [dreg:s7], $0x7FFFF;
	_ =	strace $0x90000046  }
0xb4: {  	s29 =	simm.s32 $0x9;
	_ =	strace $0x80000048  }
0xb5: {  	_ =	swait.ge [sflag:s29], $0x1  }
0xb6: {  	[sflag:s29] =	ssyncadd.s32 $0xFFFFFFFF  }
0xb7: {  	_ =	strace $0x90000048  }
0xb8: {  	_ =	sfence  }
0xb9: {  	s30 =	sld [smem:$0x0];
	_ =	sdelay $0x2  }
0xba: {  	s31 =	sshll.u32 s1, $0xD;
	s1 =	sshrl.u32 s1, $0x2  }
0xbb: {  	s3 =	sand.u32 $0x4000, s31;
	s1 =	sadd.s32 s1, s30  }
0xbc: {  	s0 =	sor.u32 s3, s0;
	s1 =	sshll.u32 s1, $0x11  }
0xbd: {  	s0 =	sor.u32 s1, s0  }
0xbe: {  	s0 =	sadd.s32 $0x8F2B, s0  }
0xbf: {  	[sflag:s0] =	ssyncadd.remote.s32 $0x1  }
0xc0: {  	_ =	sfence.sel $0xFFFF  }
0xc1: {  	[dreg:$0x0] =	wrdreg $0xFFFFFFFF;
	(pc) =	sbr.abs _section_cstart, $3  }
0xc2: {  	[dreg:$0x1] =	wrdreg $0xFFFFFFFF  }
0xc3: {  	_ =	task.clear_ibuf [dreg:s7], $0x2FFFF;
	_ =	strace $0x9FFFFFFF  }
0xc4: {  	(tm) =	ssettm $0x7FFFFFFF  }
0xc5: {  	_ =	shalt  }
tec
execute0_lowered:
.L_overlay_start_1:
0x0: {  	(tag) =	ssettag $0x1  }
0x1: {  	s0 =	rddreg [dreg:$0x0]  }
0x2: {  	s1 =	rddreg [dreg:$0x1]  }
0x3: {  	s3 =	rddreg [dreg:$0x2];
	s13 =	stileid.u32  }
0x4: {  	s2 =	srdreg.scid;
	s7 =	smul.u32 $0x14000, s13  }
0x5: {  	s4 =	rddreg [dreg:$0x3];
	s16 =	smul.u32 $0x500, s13  }
0x6: {  	s5 =	simm.s32 $0x0;
	s31 =	simm.s32 $0x20;
	s19 =	smul.u32 $0x50000, s13  }
0x7: {  	s2 =	sand.u32 $0x1, s2;
	[smem:$0x7FF] =	sst s5;
	s21 =	smul.u32 $0xA00, s13  }
0x8: {  	s8 =	sadd.s32 $0xBA00, s1;
	s10 =	sadd.s32 $0x1A00, s1;
	s6 =	smul.u32 $0x140000, s2  }
0x9: {  	_ =	strace $0x80000047;
	s9 =	sshll.u32 s2, $0x7;
	s18 =	sshll.u32 s2, $0x4  }
0xa: {  	s20 =	ssub.s32 $0x2, s2;
	s2 =	smul.u32 $0x28000, s2;
	s17 =	sor.u32 s9, s16  }
0xb: {  	s12 =	sshrl.u32 s20, $0x1;
	s9 =	sshrl.u32 s19, $0x2;
	s6 =	sadd.s32 s7, s6  }
0xc: {  	s7 =	sor.u32 s13, s18;
	s13 =	smul.u32 $0x2800, s13;
	s6 =	sshrl.u32 s6, $0x3  }
0xd: {  	s12 =	ssub.s32 s20, s12;
	s11 =	sadd.s32 s6, s1;
	s6 =	sshrl.u32 s17, $0x3  }
0xe: {  	s7 =	smul.u32 $0x2800, s7;
	s2 =	sadd.s32 s13, s2;
	s1 =	sadd.s32 s6, s1  }
0xf: {  	s6 =	sadd.s32 s9, s3;
	s9 =	sshrl.u32 s21, $0x2;
	s21 =	sadd.s32 $0x1FA00, s11  }
0x10: {  	s7 =	sshrl.u32 s7, $0x3;
	s14 =	sadd.s32 $0x1000, s6;
	[dreg:$0x10] =	wrdreg s21  }
0x11: {  	s30 =	sor.u32 $0x180, s2;
	s22 =	sadd.s32 $0x2000, s6;
	[dreg:$0x5] =	wrdreg s14  }
0x12: {  	s2 =	sor.u32 $0x100, s2;
	s23 =	sadd.s32 $0x3000, s6;
	[dreg:$0x6] =	wrdreg s22  }
0x13: {  	s24 =	sadd.s32 $0x4000, s6;
	s25 =	sadd.s32 $0x5000, s6;
	[dreg:$0x7] =	wrdreg s23  }
0x14: {  	s26 =	sadd.s32 $0x6000, s6;
	s28 =	sadd.s32 s8, s7;
	[dreg:$0x8] =	wrdreg s24  }
0x15: {  	s29 =	sadd.s32 s10, s7;
	s7 =	sor.u32 $0x10, s7;
	[dreg:$0x9] =	wrdreg s25  }
0x16: {  	s13 =	sshrl.u32 s30, $0x3;
	s2 =	sshrl.u32 s2, $0x3;
	[dreg:$0xa] =	wrdreg s26  }
0x17: {  	s16 =	sadd.s32 $0x7000, s6;
	s1 =	sadd.s32 $0x6FA00, s1;
	[dreg:$0xb] =	wrdreg s28  }
0x18: {  	s30 =	sadd.s32 $0xD000, s6;
	s11 =	sadd.s32 $0x13000, s6;
	[dreg:$0xc] =	wrdreg s29  }
0x19: {  	s21 =	simm.s32 $0x180;
	s15 =	sadd.s32 s8, s7;
	[dreg:$0xf] =	wrdreg s16  }
0x1a: {  	s7 =	sadd.s32 s10, s7;
	s17 =	sadd.s32 s13, s10;
	[dreg:$0x11] =	wrdreg s1  }
0x1b: {  	s18 =	sadd.s32 s13, s8;
	s19 =	sadd.s32 s2, s10;
	[dreg:$0x18] =	wrdreg s30  }
0x1c: {  	s20 =	sadd.s32 s2, s8;
	s22 =	sadd.s32 s9, s4;
	[dreg:$0xd] =	wrdreg s15  }
0x1d: {  	s23 =	smax.u32 s12, $0x1;
	s24 =	sadd.s32 $0x8000, s6;
	[dreg:$0xe] =	wrdreg s7  }
0x1e: {  	s25 =	sadd.s32 $0x9000, s6;
	s26 =	sadd.s32 $0xA000, s6;
	[dreg:$0x12] =	wrdreg s23  }
0x1f: {  	s28 =	sadd.s32 $0xB000, s6;
	s29 =	sadd.s32 $0xC000, s6;
	[dreg:$0x13] =	wrdreg s24  }
0x20: {  	s2 =	sadd.s32 $0xE000, s6;
	s8 =	sadd.s32 $0x10000, s6;
	[dreg:$0x14] =	wrdreg s25  }
0x21: {  	s9 =	sadd.s32 $0x11000, s6;
	s10 =	sadd.s32 $0x12000, s6;
	[dreg:$0x15] =	wrdreg s26  }
0x22: {  	s12 =	simm.s32 $0x8280;
	s13 =	simm.s32 $0x2;
	[dreg:$0x16] =	wrdreg s28  }
0x23: {  	s14 =	simm.s32 $0x100;
	s16 =	simm.s32 $0x200;
	[dreg:$0x17] =	wrdreg s29  }
0x24: {  	s7 =	sadd.s32 $0xF000, s6;
	s15 =	simm.s32 $0x80;
	s23 =	simm.s32 $0x1  }
0x25: {  	v0 =	vimm.f32 $1.000000000e+00;
	v1 =	vimm.f32 $0.0e+00;
	s24 =	simm.s32 $0x4200;
	s25 =	simm.s32 $0x8200;
	s26 =	simm.s32 $0x0  }
.LBB2_1:
0x26: {  	[tilespmem:$0x8200] =	vst v0  }
0x27: {  	[tilespmem:$0x8210] =	vst v0  }
0x28: {  	[tilespmem:$0x8220] =	vst v0  }
0x29: {  	[tilespmem:$0x8230] =	vst v0  }
0x2a: {  	[tilespmem:$0x8240] =	vst v0  }
0x2b: {  	[tilespmem:$0x8250] =	vst v0  }
0x2c: {  	[tilespmem:$0x8260] =	vst v0  }
0x2d: {  	[tilespmem:$0x8270] =	vst v0;
	s28 =	simm.s32 $0x0;
	s29 =	simm.s32 $0x200  }
.LBB2_2:
0x2e: {  	p0 =	sne.s32 s29, $0x3E00;
	[tilespmem:s28+$0x82F0] =	vst v1  }
0x2f: {  	[tilespmem:s28+$0x8280] =	vst v1  }
0x30: {  	[tilespmem:s28+$0x8290] =	vst v1  }
.Ltmp0:
0x31: {  	[tilespmem:s28+$0x82A0] =	vst v1;
	(pc) =	sbr.rel @p0 .LBB2_2-.Ltmp0, $4  }
0x32: {  	[tilespmem:s28+$0x82B0] =	vst v1  }
0x33: {  	[tilespmem:s28+$0x82C0] =	vst v1  }
0x34: {  	[tilespmem:s28+$0x82D0] =	vst v1  }
0x35: {  	[tilespmem:s28+$0x82E0] =	vst v1;
	s28 =	sshra.s32 s29, $0x2;
	s29 =	sadd.s32 $0x200, s29  }
0x36: {  	[tilespmem:s28+$0x82F0] =	vst v1  }
0x37: {  	[tilespmem:s28+$0x8280] =	vst v1  }
0x38: {  	[tilespmem:s28+$0x8290] =	vst v1  }
0x39: {  	[tilespmem:s28+$0x82A0] =	vst v1  }
0x3a: {  	[tilespmem:s28+$0x82B0] =	vst v1  }
0x3b: {  	[tilespmem:s28+$0x82C0] =	vst v1  }
0x3c: {  	[tilespmem:s28+$0x82D0] =	vst v1  }
0x3d: {  	[tilespmem:s28+$0x82E0] =	vst v1  }
0x3e: {  	[tilespmem:$0x9280] =	vst v1  }
0x3f: {  	[tilespmem:$0x9290] =	vst v1  }
0x40: {  	[tilespmem:$0x92A0] =	vst v1  }
0x41: {  	[tilespmem:$0x92B0] =	vst v1  }
0x42: {  	[tilespmem:$0x92C0] =	vst v1  }
0x43: {  	[tilespmem:$0x92D0] =	vst v1  }
0x44: {  	[tilespmem:$0x92E0] =	vst v1  }
0x45: {  	[tilespmem:$0x92F0] =	vst v1  }
0x46: {  	[tilespmem:$0x9300] =	vst v1  }
0x47: {  	[tilespmem:$0x9310] =	vst v1  }
0x48: {  	[tilespmem:$0x9320] =	vst v1  }
0x49: {  	[tilespmem:$0x9330] =	vst v1  }
0x4a: {  	[tilespmem:$0x9340] =	vst v1  }
0x4b: {  	[tilespmem:$0x9350] =	vst v1  }
0x4c: {  	[tilespmem:$0x9360] =	vst v1  }
0x4d: {  	[tilespmem:$0x9370] =	vst v1  }
0x4e: {  	[tilespmem:$0x9380] =	vst v1  }
0x4f: {  	[tilespmem:$0x9390] =	vst v1  }
0x50: {  	[tilespmem:$0x93A0] =	vst v1  }
0x51: {  	[tilespmem:$0x93B0] =	vst v1  }
0x52: {  	[tilespmem:$0x93C0] =	vst v1  }
0x53: {  	[tilespmem:$0x93D0] =	vst v1  }
0x54: {  	[tilespmem:$0x93E0] =	vst v1  }
0x55: {  	[tilespmem:$0x93F0] =	vst v1  }
0x56: {  	[tilespmem:$0x9400] =	vst v1  }
0x57: {  	[tilespmem:$0x9410] =	vst v1  }
0x58: {  	[tilespmem:$0x9420] =	vst v1  }
0x59: {  	[tilespmem:$0x9430] =	vst v1  }
0x5a: {  	[tilespmem:$0x9440] =	vst v1  }
0x5b: {  	[tilespmem:$0x9450] =	vst v1  }
0x5c: {  	[tilespmem:$0x9460] =	vst v1  }
0x5d: {  	[tilespmem:$0x9470] =	vst v1  }
0x5e: {  	[tilespmem:$0x9480] =	vst v1  }
0x5f: {  	[tilespmem:$0x9490] =	vst v1  }
0x60: {  	[tilespmem:$0x94A0] =	vst v1  }
0x61: {  	[tilespmem:$0x94B0] =	vst v1  }
0x62: {  	[tilespmem:$0x94C0] =	vst v1  }
0x63: {  	[tilespmem:$0x94D0] =	vst v1  }
0x64: {  	[tilespmem:$0x94E0] =	vst v1  }
0x65: {  	[tilespmem:$0x94F0] =	vst v1  }
0x66: {  	[spmem:s6] =	stream.linear.scatter [tilespmem:s12], [sflag:$0x2], $0x1000, $0x38;
	[tilespmem:$0x1D780] =	vst v63  }
0x67: {  	_ =	swait.ge [sflag:s13], $0x1000  }
0x68: {  	[sflag:s13] =	ssyncset.done $0x0  }
0x69: {  	s28 =	rddreg [dreg:$0x5];
	[sflag:s13] =	ssyncadd.s32 $0xFFFFF000  }
0x6a: {  	[spmem:s28] =	stream.linear.scatter [tilespmem:s12], [sflag:$0x2], $0x1000, $0x38;
	[tilespmem:$0x1D780] =	vst v63  }
0x6b: {  	_ =	swait.ge [sflag:s13], $0x1000  }
0x6c: {  	[sflag:s13] =	ssyncset.done $0x0  }
0x6d: {  	s28 =	rddreg [dreg:$0x6];
	[sflag:s13] =	ssyncadd.s32 $0xFFFFF000  }
0x6e: {  	[spmem:s28] =	stream.linear.scatter [tilespmem:s12], [sflag:$0x2], $0x1000, $0x38;
	[tilespmem:$0x1D780] =	vst v63  }
0x6f: {  	_ =	swait.ge [sflag:s13], $0x1000  }
0x70: {  	[sflag:s13] =	ssyncset.done $0x0  }
0x71: {  	s28 =	rddreg [dreg:$0x7];
	[sflag:s13] =	ssyncadd.s32 $0xFFFFF000  }
0x72: {  	[spmem:s28] =	stream.linear.scatter [tilespmem:s12], [sflag:$0x2], $0x1000, $0x38;
	[tilespmem:$0x1D780] =	vst v63  }
0x73: {  	_ =	swait.ge [sflag:s13], $0x1000  }
0x74: {  	[sflag:s13] =	ssyncset.done $0x0  }
0x75: {  	s28 =	rddreg [dreg:$0x8];
	[sflag:s13] =	ssyncadd.s32 $0xFFFFF000  }
0x76: {  	[spmem:s28] =	stream.linear.scatter [tilespmem:s12], [sflag:$0x2], $0x1000, $0x38;
	[tilespmem:$0x1D780] =	vst v63  }
0x77: {  	_ =	swait.ge [sflag:s13], $0x1000  }
0x78: {  	[sflag:s13] =	ssyncset.done $0x0  }
0x79: {  	s28 =	rddreg [dreg:$0x9];
	[sflag:s13] =	ssyncadd.s32 $0xFFFFF000  }
0x7a: {  	[spmem:s28] =	stream.linear.scatter [tilespmem:s12], [sflag:$0x2], $0x1000, $0x38;
	[tilespmem:$0x1D780] =	vst v63  }
0x7b: {  	_ =	swait.ge [sflag:s13], $0x1000  }
0x7c: {  	[sflag:s13] =	ssyncset.done $0x0  }
0x7d: {  	s28 =	rddreg [dreg:$0xa];
	[sflag:s13] =	ssyncadd.s32 $0xFFFFF000  }
0x7e: {  	[spmem:s28] =	stream.linear.scatter [tilespmem:s12], [sflag:$0x2], $0x1000, $0x38;
	[tilespmem:$0x1D780] =	vst v63  }
0x7f: {  	_ =	swait.ge [sflag:s13], $0x1000  }
0x80: {  	[sflag:s13] =	ssyncset.done $0x0  }
0x81: {  	s28 =	rddreg [dreg:$0xf];
	[sflag:s13] =	ssyncadd.s32 $0xFFFFF000  }
0x82: {  	[spmem:s28] =	stream.linear.scatter [tilespmem:s12], [sflag:$0x2], $0x1000, $0x38;
	[tilespmem:$0x1D780] =	vst v63  }
0x83: {  	_ =	swait.ge [sflag:s13], $0x1000  }
0x84: {  	[sflag:s13] =	ssyncset.done $0x0  }
0x85: {  	s28 =	rddreg [dreg:$0x13];
	[sflag:s13] =	ssyncadd.s32 $0xFFFFF000  }
0x86: {  	[spmem:s28] =	stream.linear.scatter [tilespmem:s12], [sflag:$0x2], $0x1000, $0x38;
	[tilespmem:$0x1D780] =	vst v63  }
0x87: {  	_ =	swait.ge [sflag:s13], $0x1000  }
0x88: {  	[sflag:s13] =	ssyncset.done $0x0  }
0x89: {  	s28 =	rddreg [dreg:$0x14];
	[sflag:s13] =	ssyncadd.s32 $0xFFFFF000  }
0x8a: {  	[spmem:s28] =	stream.linear.scatter [tilespmem:s12], [sflag:$0x2], $0x1000, $0x38;
	[tilespmem:$0x1D780] =	vst v63  }
0x8b: {  	_ =	swait.ge [sflag:s13], $0x1000  }
0x8c: {  	[sflag:s13] =	ssyncset.done $0x0  }
0x8d: {  	s28 =	rddreg [dreg:$0x15];
	[sflag:s13] =	ssyncadd.s32 $0xFFFFF000  }
0x8e: {  	[spmem:s28] =	stream.linear.scatter [tilespmem:s12], [sflag:$0x2], $0x1000, $0x38;
	[tilespmem:$0x1D780] =	vst v63  }
0x8f: {  	_ =	swait.ge [sflag:s13], $0x1000  }
0x90: {  	[sflag:s13] =	ssyncset.done $0x0  }
0x91: {  	s28 =	rddreg [dreg:$0x16];
	[sflag:s13] =	ssyncadd.s32 $0xFFFFF000  }
0x92: {  	[spmem:s28] =	stream.linear.scatter [tilespmem:s12], [sflag:$0x2], $0x1000, $0x38;
	[tilespmem:$0x1D780] =	vst v63  }
0x93: {  	_ =	swait.ge [sflag:s13], $0x1000  }
0x94: {  	[sflag:s13] =	ssyncset.done $0x0  }
0x95: {  	s28 =	rddreg [dreg:$0x17];
	[sflag:s13] =	ssyncadd.s32 $0xFFFFF000  }
0x96: {  	[spmem:s28] =	stream.linear.scatter [tilespmem:s12], [sflag:$0x2], $0x1000, $0x38;
	[tilespmem:$0x1D780] =	vst v63  }
0x97: {  	_ =	swait.ge [sflag:s13], $0x1000  }
0x98: {  	[sflag:s13] =	ssyncset.done $0x0  }
0x99: {  	s1 =	rddreg [dreg:$0x18];
	[sflag:s13] =	ssyncadd.s32 $0xFFFFF000  }
0x9a: {  	[spmem:s1] =	stream.linear.scatter [tilespmem:s12], [sflag:$0x2], $0x1000, $0x38;
	[tilespmem:$0x1D780] =	vst v63  }
0x9b: {  	_ =	swait.ge [sflag:s13], $0x1000  }
0x9c: {  	[sflag:s13] =	ssyncset.done $0x0  }
0x9d: {  	[sflag:s13] =	ssyncadd.s32 $0xFFFFF000  }
0x9e: {  	[spmem:s2] =	stream.linear.scatter [tilespmem:s12], [sflag:$0x2], $0x1000, $0x38;
	[tilespmem:$0x1D780] =	vst v63  }
0x9f: {  	_ =	swait.ge [sflag:s13], $0x1000  }
0xa0: {  	[sflag:s13] =	ssyncset.done $0x0  }
0xa1: {  	[sflag:s13] =	ssyncadd.s32 $0xFFFFF000  }
0xa2: {  	[spmem:s7] =	stream.linear.scatter [tilespmem:s12], [sflag:$0x2], $0x1000, $0x38;
	[tilespmem:$0x1D780] =	vst v63  }
0xa3: {  	_ =	swait.ge [sflag:s13], $0x1000  }
0xa4: {  	[sflag:s13] =	ssyncset.done $0x0  }
0xa5: {  	[sflag:s13] =	ssyncadd.s32 $0xFFFFF000  }
0xa6: {  	[spmem:s8] =	stream.linear.scatter [tilespmem:s12], [sflag:$0x2], $0x1000, $0x38;
	[tilespmem:$0x1D780] =	vst v63  }
0xa7: {  	_ =	swait.ge [sflag:s13], $0x1000  }
0xa8: {  	[sflag:s13] =	ssyncset.done $0x0  }
0xa9: {  	[sflag:s13] =	ssyncadd.s32 $0xFFFFF000  }
0xaa: {  	[spmem:s9] =	stream.linear.scatter [tilespmem:s12], [sflag:$0x2], $0x1000, $0x38;
	[tilespmem:$0x1D780] =	vst v63  }
0xab: {  	_ =	swait.ge [sflag:s13], $0x1000  }
0xac: {  	[sflag:s13] =	ssyncset.done $0x0  }
0xad: {  	[sflag:s13] =	ssyncadd.s32 $0xFFFFF000  }
0xae: {  	[spmem:s10] =	stream.linear.scatter [tilespmem:s12], [sflag:$0x2], $0x1000, $0x38;
	[tilespmem:$0x1D780] =	vst v63  }
0xaf: {  	_ =	swait.ge [sflag:s13], $0x1000  }
0xb0: {  	[sflag:s13] =	ssyncset.done $0x0  }
0xb1: {  	[sflag:s13] =	ssyncadd.s32 $0xFFFFF000  }
0xb2: {  	[spmem:s11] =	stream.linear.scatter [tilespmem:s12], [sflag:$0x2], $0x1000, $0x38;
	[tilespmem:$0x1D780] =	vst v63  }
0xb3: {  	_ =	swait.ge [sflag:s13], $0x1000  }
0xb4: {  	[sflag:s13] =	ssyncset.done $0x0  }
0xb5: {  	s28 =	simm.s32 $0x9280;
	[sflag:s13] =	ssyncadd.s32 $0xFFFFF000  }
0xb6: {  	[spmem:s22] =	stream.linear.scatter [tilespmem:s28], [sflag:$0x2], $0x280, $0x38;
	[tilespmem:$0x1D780] =	vst v63  }
0xb7: {  	_ =	swait.ge [sflag:s13], $0x280  }
0xb8: {  	[sflag:s13] =	ssyncset.done $0x0  }
0xb9: {  	[sflag:s13] =	ssyncadd.s32 $0xFFFFFD80  }
0xba: {  	[bflag:$0x0] =	sbarrier.arrive $0xFFFF  }
0xbb: {  	s28 =	simm.s32 $0x0;
	s29 =	rddreg [dreg:$0xb]  }
0xbc: {  	[tilespmem:s28], [sflag:$0x2] =	stream.linear.gather [hbm4b:s29+s28], $0x80, $0x38;
	[tilespmem:$0x1D780] =	vst v63  }
0xbd: {  	_ =	swait.ge [sflag:s13], $0x80  }
0xbe: {  	[sflag:s13] =	ssyncset.done $0x0  }
0xbf: {  	s30 =	rddreg [dreg:$0xc];
	[sflag:s13] =	ssyncadd.s32 $0xFFFFFF80  }
0xc0: {  	[tilespmem:s14], [sflag:$0x2] =	stream.linear.gather [hbm4b:s30+s28], $0x80, $0x38;
	[tilespmem:$0x1D780] =	vst v63  }
0xc1: {  	_ =	swait.ge [sflag:s13], $0x80  }
0xc2: {  	[sflag:s13] =	ssyncset.done $0x0  }
0xc3: {  	[sflag:s13] =	ssyncadd.s32 $0xFFFFFF80  }
0xc4: {  	[tilespmem:s16], [sflag:$0x1] =	stream.indirect.gather [hbm4b:s0+s15], $0x80, s28, s15, $0xb8;
	[tilespmem:$0x1D780] =	vst v63  }
0xc5: {  	s1 =	rddreg [dreg:$0xd]  }
0xc6: {  	[tilespmem:s15], [sflag:$0x2] =	stream.linear.gather [hbm4b:s1+s28], $0x80, $0x38;
	[tilespmem:$0x1D780] =	vst v63  }
0xc7: {  	_ =	swait.ge [sflag:s13], $0x80  }
0xc8: {  	[sflag:s13] =	ssyncset.done $0x0  }
0xc9: {  	s30 =	rddreg [dreg:$0xe];
	[sflag:s13] =	ssyncadd.s32 $0xFFFFFF80  }
0xca: {  	[tilespmem:s21], [sflag:$0x2] =	stream.linear.gather [hbm4b:s30+s28], $0x80, $0x38;
	[tilespmem:$0x1D780] =	vst v63  }
0xcb: {  	_ =	swait.ge [sflag:s13], $0x80  }
0xcc: {  	[sflag:s13] =	ssyncset.done $0x0  }
0xcd: {  	[sflag:s13] =	ssyncadd.s32 $0xFFFFFF80  }
0xce: {  	_ =	swait.ge [sflag:s23], $0x4000  }
0xcf: {  	[sflag:s23] =	ssyncset.done $0x0  }
0xd0: {  	[sflag:s23] =	ssyncadd.s32 $0xFFFFC000  }
0xd1: {  	[tilespmem:s24], [sflag:$0x1] =	stream.indirect.gather [hbm4b:s0+s15], $0x80, s15, s15, $0xb8;
	[tilespmem:$0x1D780] =	vst v63  }
0xd2: {  	_ = 	snop  }
0xd3: {  	[spmem:s3] =	stream.indirect.scatter.add.f32 [tilespmem:s16], [sflag:$0x2], $0x80, s14, s15, $0xb8;
	[tilespmem:$0x1D780] =	vst v63  }
0xd4: {  	_ =	swait.ge [sflag:s13], $0x4000  }
0xd5: {  	[sflag:s13] =	ssyncset.done $0x0  }
0xd6: {  	[sflag:s13] =	ssyncadd.s32 $0xFFFFC000  }
0xd7: {  	[spmem:s4] =	stream.indirect.scatter.add.f32 [tilespmem:s25], [sflag:$0x2], $0x1, s14, s15, $0xb8;
	[tilespmem:$0x1D780] =	vst v63  }
0xd8: {  	_ =	swait.ge [sflag:s13], $0x80  }
0xd9: {  	[sflag:s13] =	ssyncset.done $0x0  }
0xda: {  	s28 =	sadd.s32 $0x0, s20;
	[sflag:s13] =	ssyncadd.s32 $0xFFFFFF80  }
0xdb: {  	[tilespmem:s5], [sflag:$0x2] =	stream.linear.gather [hbm4b:s28+s5], $0x80, $0x38;
	[tilespmem:$0x1D780] =	vst v63  }
0xdc: {  	_ =	swait.ge [sflag:s13], $0x80  }
0xdd: {  	[sflag:s13] =	ssyncset.done $0x0  }
0xde: {  	s28 =	sadd.s32 $0x0, s19;
	[sflag:s13] =	ssyncadd.s32 $0xFFFFFF80  }
0xdf: {  	[tilespmem:s14], [sflag:$0x2] =	stream.linear.gather [hbm4b:s28+s5], $0x80, $0x38;
	[tilespmem:$0x1D780] =	vst v63  }
0xe0: {  	_ =	swait.ge [sflag:s13], $0x80  }
0xe1: {  	[sflag:s13] =	ssyncset.done $0x0  }
0xe2: {  	[sflag:s13] =	ssyncadd.s32 $0xFFFFFF80  }
0xe3: {  	_ =	swait.ge [sflag:s23], $0x4000  }
0xe4: {  	[sflag:s23] =	ssyncset.done $0x0  }
0xe5: {  	[sflag:s23] =	ssyncadd.s32 $0xFFFFC000  }
0xe6: {  	[tilespmem:s16], [sflag:$0x1] =	stream.indirect.gather [hbm4b:s0+s15], $0x80, s5, s15, $0xb8;
	[tilespmem:$0x1D780] =	vst v63  }
0xe7: {  	_ = 	snop  }
0xe8: {  	[spmem:s3] =	stream.indirect.scatter.add.f32 [tilespmem:s24], [sflag:$0x2], $0x80, s21, s15, $0xb8;
	[tilespmem:$0x1D780] =	vst v63  }
0xe9: {  	_ =	swait.ge [sflag:s13], $0x4000  }
0xea: {  	[sflag:s13] =	ssyncset.done $0x0  }
0xeb: {  	[sflag:s13] =	ssyncadd.s32 $0xFFFFC000  }
0xec: {  	[spmem:s4] =	stream.indirect.scatter.add.f32 [tilespmem:s25], [sflag:$0x2], $0x1, s21, s15, $0xb8;
	[tilespmem:$0x1D780] =	vst v63  }
0xed: {  	_ =	swait.ge [sflag:s13], $0x80  }
0xee: {  	[sflag:s13] =	ssyncset.done $0x0  }
0xef: {  	s28 =	sadd.s32 $0x0, s18;
	[sflag:s13] =	ssyncadd.s32 $0xFFFFFF80  }
0xf0: {  	[tilespmem:s15], [sflag:$0x2] =	stream.linear.gather [hbm4b:s28+s5], $0x80, $0x38;
	[tilespmem:$0x1D780] =	vst v63  }
0xf1: {  	_ =	swait.ge [sflag:s13], $0x80  }
0xf2: {  	[sflag:s13] =	ssyncset.done $0x0  }
0xf3: {  	s28 =	sadd.s32 $0x0, s17;
	[sflag:s13] =	ssyncadd.s32 $0xFFFFFF80  }
0xf4: {  	[tilespmem:s21], [sflag:$0x2] =	stream.linear.gather [hbm4b:s28+s5], $0x80, $0x38;
	[tilespmem:$0x1D780] =	vst v63  }
0xf5: {  	_ =	swait.ge [sflag:s13], $0x80  }
0xf6: {  	[sflag:s13] =	ssyncset.done $0x0  }
0xf7: {  	[sflag:s13] =	ssyncadd.s32 $0xFFFFFF80  }
0xf8: {  	_ =	swait.ge [sflag:s23], $0x4000  }
0xf9: {  	s28 =	simm.s32 $0x20;
	[sflag:s23] =	ssyncset.done $0x0  }
.LBB2_4:
0xfa: {  	p0 =	sne.s32 s28, $0x4C0  }
0xfb: {  	[sflag:s23] =	ssyncadd.s32 $0xFFFFC000;
	s29 =	smov.u32 s28;
	s28 =	sadd.s32 $0x20, s28  }
0xfc: {  	[tilespmem:s24], [sflag:$0x1] =	stream.indirect.gather [hbm4b:s0+s15], $0x80, s15, s15, $0xb8;
	[tilespmem:$0x1D780] =	vst v63  }
0xfd: {  	_ = 	snop  }
0xfe: {  	[spmem:s3] =	stream.indirect.scatter.add.f32 [tilespmem:s16], [sflag:$0x2], $0x80, s14, s15, $0xb8;
	[tilespmem:$0x1D780] =	vst v63  }
0xff: {  	_ =	swait.ge [sflag:s13], $0x4000  }
0x100: {  	[sflag:s13] =	ssyncset.done $0x0  }
0x101: {  	[sflag:s13] =	ssyncadd.s32 $0xFFFFC000  }
0x102: {  	[spmem:s4] =	stream.indirect.scatter.add.f32 [tilespmem:s25], [sflag:$0x2], $0x1, s14, s15, $0xb8;
	[tilespmem:$0x1D780] =	vst v63  }
0x103: {  	_ =	swait.ge [sflag:s13], $0x80  }
0x104: {  	[sflag:s13] =	ssyncset.done $0x0  }
0x105: {  	s30 =	sadd.s32 s29, s20;
	[sflag:s13] =	ssyncadd.s32 $0xFFFFFF80  }
0x106: {  	[tilespmem:s5], [sflag:$0x2] =	stream.linear.gather [hbm4b:s30+s5], $0x80, $0x38;
	[tilespmem:$0x1D780] =	vst v63  }
0x107: {  	_ =	swait.ge [sflag:s13], $0x80  }
0x108: {  	[sflag:s13] =	ssyncset.done $0x0  }
0x109: {  	s30 =	sadd.s32 s29, s19;
	[sflag:s13] =	ssyncadd.s32 $0xFFFFFF80  }
0x10a: {  	[tilespmem:s14], [sflag:$0x2] =	stream.linear.gather [hbm4b:s30+s5], $0x80, $0x38;
	[tilespmem:$0x1D780] =	vst v63  }
0x10b: {  	_ =	swait.ge [sflag:s13], $0x80  }
0x10c: {  	[sflag:s13] =	ssyncset.done $0x0  }
0x10d: {  	[sflag:s13] =	ssyncadd.s32 $0xFFFFFF80  }
0x10e: {  	_ =	swait.ge [sflag:s23], $0x4000  }
0x10f: {  	[sflag:s23] =	ssyncset.done $0x0  }
0x110: {  	[sflag:s23] =	ssyncadd.s32 $0xFFFFC000  }
0x111: {  	[tilespmem:s16], [sflag:$0x1] =	stream.indirect.gather [hbm4b:s0+s15], $0x80, s5, s15, $0xb8;
	[tilespmem:$0x1D780] =	vst v63  }
0x112: {  	_ = 	snop  }
0x113: {  	[spmem:s3] =	stream.indirect.scatter.add.f32 [tilespmem:s24], [sflag:$0x2], $0x80, s21, s15, $0xb8;
	[tilespmem:$0x1D780] =	vst v63  }
0x114: {  	_ =	swait.ge [sflag:s13], $0x4000  }
0x115: {  	[sflag:s13] =	ssyncset.done $0x0  }
0x116: {  	[sflag:s13] =	ssyncadd.s32 $0xFFFFC000  }
0x117: {  	[spmem:s4] =	stream.indirect.scatter.add.f32 [tilespmem:s25], [sflag:$0x2], $0x1, s21, s15, $0xb8;
	[tilespmem:$0x1D780] =	vst v63  }
0x118: {  	_ =	swait.ge [sflag:s13], $0x80  }
0x119: {  	[sflag:s13] =	ssyncset.done $0x0  }
0x11a: {  	s30 =	sadd.s32 s29, s18;
	[sflag:s13] =	ssyncadd.s32 $0xFFFFFF80  }
0x11b: {  	[tilespmem:s15], [sflag:$0x2] =	stream.linear.gather [hbm4b:s30+s5], $0x80, $0x38;
	[tilespmem:$0x1D780] =	vst v63  }
0x11c: {  	_ =	swait.ge [sflag:s13], $0x80  }
0x11d: {  	[sflag:s13] =	ssyncset.done $0x0  }
0x11e: {  	s29 =	sadd.s32 s29, s17;
	[sflag:s13] =	ssyncadd.s32 $0xFFFFFF80  }
0x11f: {  	[tilespmem:s21], [sflag:$0x2] =	stream.linear.gather [hbm4b:s29+s5], $0x80, $0x38;
	[tilespmem:$0x1D780] =	vst v63  }
.Ltmp1:
0x120: {  	_ =	swait.ge [sflag:s13], $0x80;
	(pc) =	sbr.rel @p0 .LBB2_4-.Ltmp1, $4  }
0x121: {  	[sflag:s13] =	ssyncset.done $0x0  }
0x122: {  	[sflag:s13] =	ssyncadd.s32 $0xFFFFFF80  }
0x123: {  	_ =	swait.ge [sflag:s23], $0x4000  }
0x124: {  	[sflag:s23] =	ssyncset.done $0x0  }
0x125: {  	[sflag:s23] =	ssyncadd.s32 $0xFFFFC000  }
0x126: {  	[tilespmem:s24], [sflag:$0x1] =	stream.indirect.gather [hbm4b:s0+s15], $0x80, s15, s15, $0xb8;
	[tilespmem:$0x1D780] =	vst v63  }
0x127: {  	_ = 	snop  }
0x128: {  	[spmem:s3] =	stream.indirect.scatter.add.f32 [tilespmem:s16], [sflag:$0x2], $0x80, s14, s15, $0xb8;
	[tilespmem:$0x1D780] =	vst v63  }
0x129: {  	_ =	swait.ge [sflag:s13], $0x4000  }
0x12a: {  	[sflag:s13] =	ssyncset.done $0x0  }
0x12b: {  	[sflag:s13] =	ssyncadd.s32 $0xFFFFC000  }
0x12c: {  	[spmem:s4] =	stream.indirect.scatter.add.f32 [tilespmem:s25], [sflag:$0x2], $0x1, s14, s15, $0xb8;
	[tilespmem:$0x1D780] =	vst v63  }
0x12d: {  	_ =	swait.ge [sflag:s13], $0x80  }
0x12e: {  	[sflag:s13] =	ssyncset.done $0x0  }
0x12f: {  	[sflag:s13] =	ssyncadd.s32 $0xFFFFFF80  }
0x130: {  	_ =	swait.ge [sflag:s23], $0x4000  }
0x131: {  	[sflag:s23] =	ssyncset.done $0x0  }
0x132: {  	[sflag:s23] =	ssyncadd.s32 $0xFFFFC000  }
0x133: {  	[spmem:s3] =	stream.indirect.scatter.add.f32 [tilespmem:s24], [sflag:$0x2], $0x80, s21, s15, $0xb8;
	[tilespmem:$0x1D780] =	vst v63  }
0x134: {  	_ =	swait.ge [sflag:s13], $0x4000  }
0x135: {  	[sflag:s13] =	ssyncset.done $0x0  }
0x136: {  	[sflag:s13] =	ssyncadd.s32 $0xFFFFC000  }
0x137: {  	[spmem:s4] =	stream.indirect.scatter.add.f32 [tilespmem:s25], [sflag:$0x2], $0x1, s21, s15, $0xb8;
	[tilespmem:$0x1D780] =	vst v63  }
0x138: {  	_ =	swait.ge [sflag:s13], $0x80  }
0x139: {  	[sflag:s13] =	ssyncset.done $0x0  }
0x13a: {  	s28 =	stileid.u32;
	[sflag:s13] =	ssyncadd.s32 $0xFFFFFF80  }
0x13b: {  	s28 =	sshll.u32 s28, $0x6;
	[bflag:$0x0] =	sbarrier.arrive $0xFFFF  }
0x13c: {  	s29 =	sshrl.u32 s6, $0x3;
	s28 =	sor.u32 $0x1C02, s28;
	s30 =	rddreg [dreg:$0x10]  }
0x13d: {  	[hbm:s30], [sflag:s28] =	dma.local [spmem:s29], $0x2800  }
0x13e: {  	_ =	swait.ge [sflag:s13], $0x2800  }
0x13f: {  	s1 =	simm.s32 $0x10;
	[sflag:s13] =	ssyncset.done $0x0  }
0x140: {  	s29 =	sshrl.u32 s22, $0x3;
	s30 =	rddreg [dreg:$0x11];
	[sflag:s13] =	ssyncadd.s32 $0xFFFFD800  }
0x141: {  	[hbm:s30@s31], [sflag:s28] =	dma.strided [spmem:s29@s1], $0x50, s23, $0x10   }
0x142: {  	_ =	swait.ge [sflag:s13], $0x50  }
0x143: {  	s26 =	sadd.s32 $0x1, s26;
	s30 =	rddreg [dreg:$0x12]  }
0x144: {  	p0 =	sne.s32 s26, s30  }
.Ltmp2:
0x145: {  	_ = 	snop;
	(pc) =	sbr.rel @p0 .LBB2_1-.Ltmp2, $3  }
0x146: {  	_ =	sdelay $0x1  }
0x147: {  	[sflag:s13] =	ssyncset.done $0x0  }
0x148: {  	[sflag:s13] =	ssyncadd.s32 $0xFFFFFFB0  }
0x149: {  	_ =	sfence.sel $0x180000  }
0x14a: {  	[bflag:$0x0] =	sbarrier.arrive $0xFFFF  }
0x14b: {  	_ =	strace $0x90000047  }
0x14c: {  	s0 =	stileid.u32;
	[bflag:$0x2] =	sbarrier.arrive $0xFFFF  }
0x14d: {  	p0 =	sne.s32 s0, $0x0;
	s0 =	rddreg [dreg:$0x4]  }
0x14e: {  	s0 =	sadd.s32 @!p0 $0x100000, s0  }
0x14f: {  	[sflag:s0] =	ssyncadd.tile.s32 @!p0 $0x1;
	_ =	shalt  }
.Lfunc_end2:
_tile_overlayer_lowered:
.L_overlay_start_2:
0x150: {  	(tag) =	ssettag $0x2  }
0x151: {  	s0 =	rddreg [dreg:$0x0];
	s2 =	stileid.u32  }
0x152: {  	s1 =	rddreg [dreg:$0x1];
	p0 =	sne.s32 s2, $0x0  }
0x153: {  	s3 =	rddreg [dreg:$0x2];
	[bflag:$0x3] =	sbarrier.arrive $0xFFFF;
	s2 =	simm.s32 @!p0 $0x1C02  }
0x154: {  	[timem:s3], [sflag:s2] =	dma.local @!p0 [hbm:s0], s1  }
0x155: {  	s0 =	simm.s32 @!p0 $0x2  }
0x156: {  	_ =	swait.ge @!p0 [sflag:s0], s1  }
0x157: {  	s1 =	ssub.s32 @!p0 $0x0, s1;
	[sflag:s0] =	ssyncset.done @!p0 $0x0  }
0x158: {  	[sflag:s0] =	ssyncadd.s32 @!p0 s1  }
0x159: {  	[bflag:$0x3] =	sbarrier.arrive $0xFFFF  }
0x15a: {  	_ =	shalt  }

// kernel: kernel.9.cloned.1.call-start
scs
__scs_entry_jumppad:
0x0: {  	(pc) =	sbr.rel $0x88, $3  }
0x1: {  	(tag) =	ssettag $0x0;
	lr =	simm.s32 $0x1  }
0x2: {  	[smem:$0x3F9D] =	sst lr;
	_ =	strace $0xD0000000  }
0x3: {  	_ = 	snop  }
0x4: {  	_ = 	snop  }
0x5: {  	_ = 	snop  }
0x6: {  	_ = 	snop  }
0x7: {  	_ = 	snop  }
__scs_overlays_trampoline_lowered:
0x8: {  	[smem:$0x3FAC] =	sst s0  }
0x9: {  	[smem:$0x3FAD] =	sst s1  }
0xa: {  	[smem:$0x3FAE] =	sst s2  }
0xb: {  	[smem:$0x3FAF] =	sst s3  }
0xc: {  	[smem:$0x3FB0] =	sst s4  }
0xd: {  	[smem:$0x3FB1] =	sst s5  }
0xe: {  	[smem:$0x3FB2] =	sst s6  }
0xf: {  	[smem:$0x3FB3] =	sst s7  }
0x10: {  	[smem:$0x3FB4] =	sst s8  }
0x11: {  	[smem:$0x3FB5] =	sst s9;
	s0 =	simm.s32 @!p0 $0x0  }
0x12: {  	s1 =	sld [smem:$0x3F9B];
	s0 =	simm.s32 @p0 $0x1  }
0x13: {  	[smem:$0x3FB6] =	sst s0;
	s0 =	simm.s32 @!p1 $0x0  }
0x14: {  	s2 =	sld [smem:$0x3F9A];
	s0 =	simm.s32 @p1 $0x1  }
0x15: {  	[smem:$0x3FB7] =	sst s0;
	s0 =	simm.s32 @!p2 $0x0  }
0x16: {  	s3 =	sld [smem:$0x3FDB];
	s0 =	simm.s32 @p2 $0x1  }
0x17: {  	s4 =	simm.s32 $0x1BF5;
	[smem:$0x3FB9] =	sst s0  }
0x18: {  	s0 =	sld [smem:$0x3F9C];
	_ =	swait.ge [sflag:s4], $0x0  }
0x19: {  	s7 =	sld [smem:$0x3F9D]  }
0x1a: {  	s8 =	sadd.s32 $0xFFFFE003, lr  }
0x1b: {  	s9 =	sadd.s32 $0xFFFFFEF7, lr;
	s5 =	simm.s32 $0xFFFFFFFF;
	p2 =	slt.u32 s8, $0xFFFFF086  }
0x1c: {  	p1 =	slt.u32 s9, $0xF7A;
	s5 =	simm.s32 @!p2 $0x0  }
0x1d: {  	s5 =	simm.s32 @p1 $0x1;
	p0 =	seq.s32 s7, s2  }
0x1e: {  	s7 =	smul.u32 @!p0 $0xF7A, s2;
	p2 =	seq.s32 @!p0 s5, $0x0  }
0x1f: {  	s9 =	smul.u32 $0xF7A, s1;
	s8 =	simm.s32 @!p0 $0x1BF5;
	p2 =	por !p2, p0  }
0x20: {  	[sflag:s8] =	ssyncset.s32 @!p0 $0xFFFFF086;
	s6 =	sadd.s32 @!p0 s3, s7;
	s7 =	simm.s32 @!p0 $0x108  }
0x21: {  	s3 =	sadd.s32 s3, s9;
	s6 =	sadd.s32 @!p0 $0x88, s6;
	s7 =	simm.s32 @p2 $0x1082  }
0x22: {  	[simem:s7], [sflag:s8] =	dma.local @!p0 [hbm:s6], $0xF7A  }
0x23: {  	s9 =	sor.u32 $0xD0000000, s2;
	s6 =	simm.s32 $0x108;
	_ =	swait.ge @!p0 [sflag:s8], $0x0  }
0x24: {  	s3 =	sadd.s32 $0x88, s3;
	s6 =	simm.s32 @!p1 $0x1082;
	[sflag:s4] =	ssyncset.s32 $0xFFFFF086  }
0x25: {  	[simem:s6], [sflag:s4] =	dma.local [hbm:s3], $0xF7A  }
0x26: {  	[smem:$0x3F9D] =	sst s1;
	(tag) =	ssettag s2;
	_ =	strace s9  }
0x27: {  	s1 =	sld [smem:$0x3FAD]  }
0x28: {  	s2 =	sld [smem:$0x3FAE]  }
0x29: {  	s4 =	sld [smem:$0x3FB0]  }
0x2a: {  	p0 =	seq.s32 s5, $0x0;
	s5 =	sld [smem:$0x3FB1]  }
0x2b: {  	s6 =	sld [smem:$0x3FB2]  }
0x2c: {  	s7 =	sld [smem:$0x3FB3]  }
0x2d: {  	s3 =	simm.s32 $0x108;
	s8 =	sld [smem:$0x3FB4]  }
0x2e: {  	s3 =	simm.s32 @!p0 $0x1082;
	s9 =	sld [smem:$0x3FB5]  }
0x2f: {  	lr =	sadd.s32 s0, s3;
	s0 =	sld [smem:$0x3FAC]  }
0x30: {  	s3 =	sld [smem:$0x3FAF]  }
0x31: {  	[smem:$0x3FB8] =	sst s10  }
0x32: {  	s10 =	sld [smem:$0x3FB6];
	_ =	sdelay $0x3  }
0x33: {  	p0 =	seq.s32 s10, $0x1;
	s10 =	sld [smem:$0x3FB8];
	_ =	sdelay $0x3  }
0x34: {  	[smem:$0x3FB8] =	sst s10  }
0x35: {  	s10 =	sld [smem:$0x3FB7];
	_ =	sdelay $0x3  }
0x36: {  	p1 =	seq.s32 s10, $0x1;
	s10 =	sld [smem:$0x3FB8];
	_ =	sdelay $0x3  }
0x37: {  	[smem:$0x3FB8] =	sst s10  }
0x38: {  	s10 =	sld [smem:$0x3FB9]  }
0x39: {  	_ = 	snop;
	(pc) =	sbr.ind lr, $3  }
0x3a: {  	_ = 	snop  }
0x3b: {  	_ = 	snop  }
0x3c: {  	p2 =	seq.s32 s10, $0x1;
	s10 =	sld [smem:$0x3FB8]  }
0x3d: {  	_ =	shalt  }
0x3e: {  	_ =	shalt  }
0x3f: {  	_ =	shalt  }
0x40: {  	_ =	shalt  }
0x41: {  	_ =	shalt  }
0x42: {  	_ =	shalt  }
0x43: {  	_ =	shalt  }
0x44: {  	_ =	shalt  }
0x45: {  	_ =	shalt  }
0x46: {  	_ =	shalt  }
0x47: {  	_ =	shalt  }
0x48: {  	_ =	shalt  }
0x49: {  	_ =	shalt  }
0x4a: {  	_ =	shalt  }
0x4b: {  	_ =	shalt  }
0x4c: {  	_ =	shalt  }
0x4d: {  	_ =	shalt  }
0x4e: {  	_ =	shalt  }
0x4f: {  	_ =	shalt  }
0x50: {  	_ =	shalt  }
0x51: {  	_ =	shalt  }
0x52: {  	_ =	shalt  }
0x53: {  	_ =	shalt  }
0x54: {  	_ =	shalt  }
0x55: {  	_ =	shalt  }
0x56: {  	_ =	shalt  }
0x57: {  	_ =	shalt  }
0x58: {  	_ =	shalt  }
0x59: {  	_ =	shalt  }
0x5a: {  	_ =	shalt  }
0x5b: {  	_ =	shalt  }
0x5c: {  	_ =	shalt  }
0x5d: {  	_ =	shalt  }
0x5e: {  	_ =	shalt  }
0x5f: {  	_ =	shalt  }
0x60: {  	_ =	shalt  }
0x61: {  	_ =	shalt  }
0x62: {  	_ =	shalt  }
0x63: {  	_ =	shalt  }
0x64: {  	_ =	shalt  }
0x65: {  	_ =	shalt  }
0x66: {  	_ =	shalt  }
0x67: {  	_ =	shalt  }
0x68: {  	_ =	shalt  }
0x69: {  	_ =	shalt  }
0x6a: {  	_ =	shalt  }
0x6b: {  	_ =	shalt  }
0x6c: {  	_ =	shalt  }
0x6d: {  	_ =	shalt  }
0x6e: {  	_ =	shalt  }
0x6f: {  	_ =	shalt  }
0x70: {  	_ =	shalt  }
0x71: {  	_ =	shalt  }
0x72: {  	_ =	shalt  }
0x73: {  	_ =	shalt  }
0x74: {  	_ =	shalt  }
0x75: {  	_ =	shalt  }
0x76: {  	_ =	shalt  }
0x77: {  	_ =	shalt  }
0x78: {  	_ =	shalt  }
0x79: {  	_ =	shalt  }
0x7a: {  	_ =	shalt  }
0x7b: {  	_ =	shalt  }
0x7c: {  	_ =	shalt  }
0x7d: {  	_ =	shalt  }
0x7e: {  	_ =	shalt  }
0x7f: {  	_ =	shalt  }
0x80: {  	_ =	shalt  }
0x81: {  	_ =	shalt  }
0x82: {  	_ =	shalt  }
0x83: {  	_ =	shalt  }
0x84: {  	_ =	shalt  }
0x85: {  	_ =	shalt  }
0x86: {  	_ =	shalt  }
0x87: {  	_ =	shalt  }
.Lfunc_end0:
.L_simem_size_0:
called_computation.1_lowered:
.L_overlay_start_0:
0x88: {  	s2 =	sld [smem:$0x3FD9]  }
0x89: {  	s3 =	sld [smem:$0x3FFE];
	_ =	sdelay $0x1  }
0x8a: {  	s1 =	srdreg.scid  }
0x8b: {  	s0 =	sand.u32 $0x1, s1  }
0x8c: {  	s17 =	sshll.u32 s0, $0xA;
	s2 =	sadd.s32 s3, s2  }
0x8d: {  	s2 =	sadd.s32 s2, s17  }
0x8e: {  	[smem:$0x3FC4] =	sst s2  }
0x8f: {  	_ = 	snop  }
0x90: {  	s2 =	sld [smem:$0x3FD0];
	(tm) =	ssettm $0x1  }
0x91: {  	s18 =	sld [smem:$0x3FFB];
	_ =	sdelay $0x3  }
0x92: {  	_ =	strace s18  }
0x93: {  	s3 =	sld [smem:$0x3FFC];
	_ =	sdelay $0x3  }
0x94: {  	_ =	strace s3  }
0x95: {  	s3 =	sld [smem:$0x3FFD];
	_ =	sdelay $0x3  }
0x96: {  	_ =	strace s3  }
0x97: {  	_ =	strace $0x8FFFFFFF  }
0x98: {  	s19 =	sld [smem:$0x3FDB];
	_ =	sdelay $0x1  }
0x99: {  	s4 =	simm.s32 $_scs_section_size  }
0x9a: {  	s5 =	simm.s32 $_size__tile_overlayer_lowered;
	s6 =	simm.s32 $_tile_overlayer_lowered  }
0x9b: {  	s22 =	simm.s32 $0x1BFF;
	s21 =	sshll.u32 s6, $0x1;
	s3 =	sadd.s32 s4, s19  }
0x9c: {  	s7 =	simm.s32 $0x0;
	s20 =	sshll.u32 s5, $0x1;
	s5 =	sadd.s32 s21, s3  }
0x9d: {  	[timem:s7], [sflag:s22] =	dma.local [hbm:s5], s20  }
0x9e: {  	_ =	swait.ge [sflag:s22], s20  }
0x9f: {  	s4 =	ssub.s32 $0x0, s20;
	[sflag:s22] =	ssyncset.done $0x0  }
0xa0: {  	[sflag:s22] =	ssyncadd.s32 s4;
	_ =	sdelay $0x1  }
0xa1: {  	s23 =	simm.s32 $0x1B8B  }
0xa2: {  	_ =	swait.ge [sflag:s23], $0x1  }
0xa3: {  	[sflag:s23] =	ssyncset.done $0x0  }
0xa4: {  	s25 =	simm.s32 $0x1B8E;
	s24 =	sld [smem:$0x3FFE];
	[sflag:s23] =	ssyncadd.s32 $0xFFFFFFFF  }
0xa5: {  	s26 =	simm.s32 $execute0_lowered;
	[smem:$0x3FD2] =	sst s25  }
0xa6: {  	s5 =	sshll.u32 s26, $0x1;
	_ =	strace $0x80000049;
	[dreg:$0x1] =	wrdreg $0xFFFFFFFF  }
0xa7: {  	s28 =	simm.s32 $_size_execute0_lowered;
	s3 =	sadd.s32 s3, s5;
	[dreg:$0x0] =	wrdreg $0x0  }
0xa8: {  	s5 =	sshll.u32 s28, $0x1;
	[dreg:$0x2] =	wrdreg s3  }
0xa9: {  	[dreg:$0x3] =	wrdreg s5  }
0xaa: {  	[dreg:$0x4] =	wrdreg $0xC0  }
0xab: {  	_ =	task [dreg:s7], $0x5FFFF  }
0xac: {  	[dreg:$0x1] =	wrdreg $0xFFFFFFFF  }
0xad: {  	[dreg:$0x0] =	wrdreg $0x60  }
0xae: {  	[dreg:$0x2] =	wrdreg s24  }
0xaf: {  	[dreg:$0x3] =	wrdreg s2  }
0xb0: {  	[dreg:$0x4] =	wrdreg $0x95000  }
0xb1: {  	[dreg:$0x5] =	wrdreg $0x1D5000  }
0xb2: {  	[dreg:$0x6] =	wrdreg $0x9  }
0xb3: {  	_ =	task.clear_ibuf [dreg:s7], $0x7FFFF;
	_ =	strace $0x90000049  }
0xb4: {  	s29 =	simm.s32 $0x9;
	_ =	strace $0x8000004B  }
0xb5: {  	_ =	swait.ge [sflag:s29], $0x1  }
0xb6: {  	[sflag:s29] =	ssyncadd.s32 $0xFFFFFFFF  }
0xb7: {  	_ =	strace $0x9000004B  }
0xb8: {  	_ =	sfence  }
0xb9: {  	s30 =	sld [smem:$0x0];
	_ =	sdelay $0x2  }
0xba: {  	s31 =	sshll.u32 s1, $0xD;
	s1 =	sshrl.u32 s1, $0x2  }
0xbb: {  	s3 =	sand.u32 $0x4000, s31;
	s1 =	sadd.s32 s1, s30  }
0xbc: {  	s0 =	sor.u32 s3, s0;
	s1 =	sshll.u32 s1, $0x11  }
0xbd: {  	s0 =	sor.u32 s1, s0  }
0xbe: {  	s0 =	sadd.s32 $0x8F2B, s0  }
0xbf: {  	[sflag:s0] =	ssyncadd.remote.s32 $0x1  }
0xc0: {  	_ =	sfence.sel $0xFFFF  }
0xc1: {  	[dreg:$0x0] =	wrdreg $0xFFFFFFFF;
	(pc) =	sbr.abs _section_cstart, $3  }
0xc2: {  	[dreg:$0x1] =	wrdreg $0xFFFFFFFF  }
0xc3: {  	_ =	task.clear_ibuf [dreg:s7], $0x2FFFF;
	_ =	strace $0x9FFFFFFF  }
0xc4: {  	(tm) =	ssettm $0x7FFFFFFF  }
0xc5: {  	_ =	shalt  }
tec
execute0_lowered:
.L_overlay_start_1:
0x0: {  	(tag) =	ssettag $0x1  }
0x1: {  	s0 =	rddreg [dreg:$0x0]  }
0x2: {  	s1 =	rddreg [dreg:$0x1]  }
0x3: {  	s2 =	rddreg [dreg:$0x2];
	s13 =	stileid.u32  }
0x4: {  	s4 =	srdreg.scid;
	s6 =	smul.u32 $0x14000, s13  }
0x5: {  	s3 =	rddreg [dreg:$0x3];
	s8 =	smul.u32 $0x500, s13  }
0x6: {  	s31 =	simm.s32 $0x20;
	s7 =	sand.u32 $0x1, s4;
	s19 =	smul.u32 $0x50000, s13  }
0x7: {  	s4 =	simm.s32 $0x0;
	s10 =	sadd.s32 $0x15A00, s0;
	s21 =	smul.u32 $0xA00, s13  }
0x8: {  	s5 =	smul.u32 $0x140000, s7;
	[smem:$0x7FF] =	sst s4;
	s9 =	sshll.u32 s7, $0x7  }
0x9: {  	s18 =	sshll.u32 s7, $0x4;
	s20 =	ssub.s32 $0x2, s7;
	s7 =	smul.u32 $0x28000, s7  }
0xa: {  	_ =	strace $0x8000004A;
	s17 =	sor.u32 s9, s8;
	s8 =	sor.u32 s13, s18  }
0xb: {  	s12 =	sshrl.u32 s20, $0x1;
	s9 =	sshrl.u32 s19, $0x2;
	s13 =	smul.u32 $0x2800, s13  }
0xc: {  	s6 =	sadd.s32 s6, s5;
	s5 =	sadd.s32 $0x1FA00, s0;
	s8 =	smul.u32 $0x2800, s8  }
0xd: {  	s12 =	ssub.s32 s20, s12;
	s6 =	sshrl.u32 s6, $0x3;
	s7 =	sadd.s32 s13, s7  }
0xe: {  	s11 =	sadd.s32 s6, s0;
	s6 =	sshrl.u32 s17, $0x3;
	s8 =	sshrl.u32 s8, $0x3  }
0xf: {  	s30 =	sor.u32 $0x180, s7;
	s7 =	sor.u32 $0x100, s7;
	s0 =	sadd.s32 s6, s0  }
0x10: {  	s6 =	sadd.s32 s9, s2;
	s9 =	sshrl.u32 s21, $0x2;
	s28 =	sadd.s32 s1, s8  }
0x11: {  	s29 =	sadd.s32 s10, s8;
	s8 =	sor.u32 $0x10, s8;
	[dreg:$0xb] =	wrdreg s28  }
0x12: {  	s13 =	sshrl.u32 s30, $0x3;
	s21 =	sadd.s32 $0x47A00, s11;
	[dreg:$0xc] =	wrdreg s29  }
0x13: {  	s7 =	sshrl.u32 s7, $0x3;
	s14 =	sadd.s32 $0x1000, s6;
	[dreg:$0x10] =	wrdreg s21  }
0x14: {  	s22 =	sadd.s32 $0x2000, s6;
	s23 =	sadd.s32 $0x3000, s6;
	[dreg:$0x5] =	wrdreg s14  }
0x15: {  	s24 =	sadd.s32 $0x4000, s6;
	s25 =	sadd.s32 $0x5000, s6;
	[dreg:$0x6] =	wrdreg s22  }
0x16: {  	s26 =	sadd.s32 $0x6000, s6;
	s15 =	sadd.s32 s1, s8;
	[dreg:$0x7] =	wrdreg s23  }
0x17: {  	s8 =	sadd.s32 s10, s8;
	s17 =	sadd.s32 s13, s10;
	[dreg:$0x8] =	wrdreg s24  }
0x18: {  	s18 =	sadd.s32 s13, s1;
	s19 =	sadd.s32 s7, s10;
	[dreg:$0x9] =	wrdreg s25  }
0x19: {  	s20 =	sadd.s32 s7, s1;
	s16 =	sadd.s32 $0x7000, s6;
	[dreg:$0xa] =	wrdreg s26  }
0x1a: {  	s0 =	sadd.s32 $0x1A00, s0;
	s28 =	sadd.s32 $0xB000, s6;
	[dreg:$0xd] =	wrdreg s15  }
0x1b: {  	s29 =	sadd.s32 $0xC000, s6;
	s30 =	sadd.s32 $0xD000, s6;
	[dreg:$0xe] =	wrdreg s8  }
0x1c: {  	s1 =	sadd.s32 $0xE000, s6;
	s7 =	sadd.s32 $0xF000, s6;
	[dreg:$0xf] =	wrdreg s16  }
0x1d: {  	s10 =	sadd.s32 $0x12000, s6;
	s11 =	sadd.s32 $0x13000, s6;
	[dreg:$0x11] =	wrdreg s0  }
0x1e: {  	s13 =	simm.s32 $0x2;
	s21 =	simm.s32 $0x180;
	[dreg:$0x16] =	wrdreg s28  }
0x1f: {  	s22 =	sadd.s32 s9, s3;
	s23 =	smax.u32 s12, $0x1;
	[dreg:$0x17] =	wrdreg s29  }
0x20: {  	s24 =	sadd.s32 $0x8000, s6;
	s25 =	sadd.s32 $0x9000, s6;
	[dreg:$0x18] =	wrdreg s30  }
0x21: {  	s26 =	sadd.s32 $0xA000, s6;
	s8 =	sadd.s32 $0x10000, s6;
	[dreg:$0x12] =	wrdreg s23  }
0x22: {  	s9 =	sadd.s32 $0x11000, s6;
	s12 =	simm.s32 $0x8280;
	[dreg:$0x13] =	wrdreg s24  }
0x23: {  	s14 =	simm.s32 $0x100;
	s15 =	simm.s32 $0x80;
	[dreg:$0x14] =	wrdreg s25  }
0x24: {  	s16 =	simm.s32 $0x200;
	[dreg:$0x15] =	wrdreg s26;
	s23 =	simm.s32 $0x1  }
0x25: {  	v0 =	vimm.f32 $1.000000000e+00;
	v1 =	vimm.f32 $0.0e+00;
	s24 =	simm.s32 $0x4200;
	s25 =	simm.s32 $0x8200;
	s26 =	simm.s32 $0x0  }
.LBB2_1:
0x26: {  	[tilespmem:$0x8200] =	vst v0  }
0x27: {  	[tilespmem:$0x8210] =	vst v0  }
0x28: {  	[tilespmem:$0x8220] =	vst v0  }
0x29: {  	[tilespmem:$0x8230] =	vst v0  }
0x2a: {  	[tilespmem:$0x8240] =	vst v0  }
0x2b: {  	[tilespmem:$0x8250] =	vst v0  }
0x2c: {  	[tilespmem:$0x8260] =	vst v0  }
0x2d: {  	[tilespmem:$0x8270] =	vst v0;
	s28 =	simm.s32 $0x0;
	s29 =	simm.s32 $0x200  }
.LBB2_2:
0x2e: {  	p0 =	sne.s32 s29, $0x3E00;
	[tilespmem:s28+$0x82F0] =	vst v1  }
0x2f: {  	[tilespmem:s28+$0x8280] =	vst v1  }
0x30: {  	[tilespmem:s28+$0x8290] =	vst v1  }
.Ltmp0:
0x31: {  	[tilespmem:s28+$0x82A0] =	vst v1;
	(pc) =	sbr.rel @p0 .LBB2_2-.Ltmp0, $4  }
0x32: {  	[tilespmem:s28+$0x82B0] =	vst v1  }
0x33: {  	[tilespmem:s28+$0x82C0] =	vst v1  }
0x34: {  	[tilespmem:s28+$0x82D0] =	vst v1  }
0x35: {  	[tilespmem:s28+$0x82E0] =	vst v1;
	s28 =	sshra.s32 s29, $0x2;
	s29 =	sadd.s32 $0x200, s29  }
0x36: {  	[tilespmem:s28+$0x82F0] =	vst v1  }
0x37: {  	[tilespmem:s28+$0x8280] =	vst v1  }
0x38: {  	[tilespmem:s28+$0x8290] =	vst v1  }
0x39: {  	[tilespmem:s28+$0x82A0] =	vst v1  }
0x3a: {  	[tilespmem:s28+$0x82B0] =	vst v1  }
0x3b: {  	[tilespmem:s28+$0x82C0] =	vst v1  }
0x3c: {  	[tilespmem:s28+$0x82D0] =	vst v1  }
0x3d: {  	[tilespmem:s28+$0x82E0] =	vst v1  }
0x3e: {  	[tilespmem:$0x9280] =	vst v1  }
0x3f: {  	[tilespmem:$0x9290] =	vst v1  }
0x40: {  	[tilespmem:$0x92A0] =	vst v1  }
0x41: {  	[tilespmem:$0x92B0] =	vst v1  }
0x42: {  	[tilespmem:$0x92C0] =	vst v1  }
0x43: {  	[tilespmem:$0x92D0] =	vst v1  }
0x44: {  	[tilespmem:$0x92E0] =	vst v1  }
0x45: {  	[tilespmem:$0x92F0] =	vst v1  }
0x46: {  	[tilespmem:$0x9300] =	vst v1  }
0x47: {  	[tilespmem:$0x9310] =	vst v1  }
0x48: {  	[tilespmem:$0x9320] =	vst v1  }
0x49: {  	[tilespmem:$0x9330] =	vst v1  }
0x4a: {  	[tilespmem:$0x9340] =	vst v1  }
0x4b: {  	[tilespmem:$0x9350] =	vst v1  }
0x4c: {  	[tilespmem:$0x9360] =	vst v1  }
0x4d: {  	[tilespmem:$0x9370] =	vst v1  }
0x4e: {  	[tilespmem:$0x9380] =	vst v1  }
0x4f: {  	[tilespmem:$0x9390] =	vst v1  }
0x50: {  	[tilespmem:$0x93A0] =	vst v1  }
0x51: {  	[tilespmem:$0x93B0] =	vst v1  }
0x52: {  	[tilespmem:$0x93C0] =	vst v1  }
0x53: {  	[tilespmem:$0x93D0] =	vst v1  }
0x54: {  	[tilespmem:$0x93E0] =	vst v1  }
0x55: {  	[tilespmem:$0x93F0] =	vst v1  }
0x56: {  	[tilespmem:$0x9400] =	vst v1  }
0x57: {  	[tilespmem:$0x9410] =	vst v1  }
0x58: {  	[tilespmem:$0x9420] =	vst v1  }
0x59: {  	[tilespmem:$0x9430] =	vst v1  }
0x5a: {  	[tilespmem:$0x9440] =	vst v1  }
0x5b: {  	[tilespmem:$0x9450] =	vst v1  }
0x5c: {  	[tilespmem:$0x9460] =	vst v1  }
0x5d: {  	[tilespmem:$0x9470] =	vst v1  }
0x5e: {  	[tilespmem:$0x9480] =	vst v1  }
0x5f: {  	[tilespmem:$0x9490] =	vst v1  }
0x60: {  	[tilespmem:$0x94A0] =	vst v1  }
0x61: {  	[tilespmem:$0x94B0] =	vst v1  }
0x62: {  	[tilespmem:$0x94C0] =	vst v1  }
0x63: {  	[tilespmem:$0x94D0] =	vst v1  }
0x64: {  	[tilespmem:$0x94E0] =	vst v1  }
0x65: {  	[tilespmem:$0x94F0] =	vst v1  }
0x66: {  	[spmem:s6] =	stream.linear.scatter [tilespmem:s12], [sflag:$0x2], $0x1000, $0x38;
	[tilespmem:$0x1D780] =	vst v63  }
0x67: {  	_ =	swait.ge [sflag:s13], $0x1000  }
0x68: {  	[sflag:s13] =	ssyncset.done $0x0  }
0x69: {  	s28 =	rddreg [dreg:$0x5];
	[sflag:s13] =	ssyncadd.s32 $0xFFFFF000  }
0x6a: {  	[spmem:s28] =	stream.linear.scatter [tilespmem:s12], [sflag:$0x2], $0x1000, $0x38;
	[tilespmem:$0x1D780] =	vst v63  }
0x6b: {  	_ =	swait.ge [sflag:s13], $0x1000  }
0x6c: {  	[sflag:s13] =	ssyncset.done $0x0  }
0x6d: {  	s28 =	rddreg [dreg:$0x6];
	[sflag:s13] =	ssyncadd.s32 $0xFFFFF000  }
0x6e: {  	[spmem:s28] =	stream.linear.scatter [tilespmem:s12], [sflag:$0x2], $0x1000, $0x38;
	[tilespmem:$0x1D780] =	vst v63  }
0x6f: {  	_ =	swait.ge [sflag:s13], $0x1000  }
0x70: {  	[sflag:s13] =	ssyncset.done $0x0  }
0x71: {  	s28 =	rddreg [dreg:$0x7];
	[sflag:s13] =	ssyncadd.s32 $0xFFFFF000  }
0x72: {  	[spmem:s28] =	stream.linear.scatter [tilespmem:s12], [sflag:$0x2], $0x1000, $0x38;
	[tilespmem:$0x1D780] =	vst v63  }
0x73: {  	_ =	swait.ge [sflag:s13], $0x1000  }
0x74: {  	[sflag:s13] =	ssyncset.done $0x0  }
0x75: {  	s28 =	rddreg [dreg:$0x8];
	[sflag:s13] =	ssyncadd.s32 $0xFFFFF000  }
0x76: {  	[spmem:s28] =	stream.linear.scatter [tilespmem:s12], [sflag:$0x2], $0x1000, $0x38;
	[tilespmem:$0x1D780] =	vst v63  }
0x77: {  	_ =	swait.ge [sflag:s13], $0x1000  }
0x78: {  	[sflag:s13] =	ssyncset.done $0x0  }
0x79: {  	s28 =	rddreg [dreg:$0x9];
	[sflag:s13] =	ssyncadd.s32 $0xFFFFF000  }
0x7a: {  	[spmem:s28] =	stream.linear.scatter [tilespmem:s12], [sflag:$0x2], $0x1000, $0x38;
	[tilespmem:$0x1D780] =	vst v63  }
0x7b: {  	_ =	swait.ge [sflag:s13], $0x1000  }
0x7c: {  	[sflag:s13] =	ssyncset.done $0x0  }
0x7d: {  	s28 =	rddreg [dreg:$0xa];
	[sflag:s13] =	ssyncadd.s32 $0xFFFFF000  }
0x7e: {  	[spmem:s28] =	stream.linear.scatter [tilespmem:s12], [sflag:$0x2], $0x1000, $0x38;
	[tilespmem:$0x1D780] =	vst v63  }
0x7f: {  	_ =	swait.ge [sflag:s13], $0x1000  }
0x80: {  	[sflag:s13] =	ssyncset.done $0x0  }
0x81: {  	s28 =	rddreg [dreg:$0xf];
	[sflag:s13] =	ssyncadd.s32 $0xFFFFF000  }
0x82: {  	[spmem:s28] =	stream.linear.scatter [tilespmem:s12], [sflag:$0x2], $0x1000, $0x38;
	[tilespmem:$0x1D780] =	vst v63  }
0x83: {  	_ =	swait.ge [sflag:s13], $0x1000  }
0x84: {  	[sflag:s13] =	ssyncset.done $0x0  }
0x85: {  	s28 =	rddreg [dreg:$0x13];
	[sflag:s13] =	ssyncadd.s32 $0xFFFFF000  }
0x86: {  	[spmem:s28] =	stream.linear.scatter [tilespmem:s12], [sflag:$0x2], $0x1000, $0x38;
	[tilespmem:$0x1D780] =	vst v63  }
0x87: {  	_ =	swait.ge [sflag:s13], $0x1000  }
0x88: {  	[sflag:s13] =	ssyncset.done $0x0  }
0x89: {  	s28 =	rddreg [dreg:$0x14];
	[sflag:s13] =	ssyncadd.s32 $0xFFFFF000  }
0x8a: {  	[spmem:s28] =	stream.linear.scatter [tilespmem:s12], [sflag:$0x2], $0x1000, $0x38;
	[tilespmem:$0x1D780] =	vst v63  }
0x8b: {  	_ =	swait.ge [sflag:s13], $0x1000  }
0x8c: {  	[sflag:s13] =	ssyncset.done $0x0  }
0x8d: {  	s28 =	rddreg [dreg:$0x15];
	[sflag:s13] =	ssyncadd.s32 $0xFFFFF000  }
0x8e: {  	[spmem:s28] =	stream.linear.scatter [tilespmem:s12], [sflag:$0x2], $0x1000, $0x38;
	[tilespmem:$0x1D780] =	vst v63  }
0x8f: {  	_ =	swait.ge [sflag:s13], $0x1000  }
0x90: {  	[sflag:s13] =	ssyncset.done $0x0  }
0x91: {  	s28 =	rddreg [dreg:$0x16];
	[sflag:s13] =	ssyncadd.s32 $0xFFFFF000  }
0x92: {  	[spmem:s28] =	stream.linear.scatter [tilespmem:s12], [sflag:$0x2], $0x1000, $0x38;
	[tilespmem:$0x1D780] =	vst v63  }
0x93: {  	_ =	swait.ge [sflag:s13], $0x1000  }
0x94: {  	[sflag:s13] =	ssyncset.done $0x0  }
0x95: {  	s28 =	rddreg [dreg:$0x17];
	[sflag:s13] =	ssyncadd.s32 $0xFFFFF000  }
0x96: {  	[spmem:s28] =	stream.linear.scatter [tilespmem:s12], [sflag:$0x2], $0x1000, $0x38;
	[tilespmem:$0x1D780] =	vst v63  }
0x97: {  	_ =	swait.ge [sflag:s13], $0x1000  }
0x98: {  	[sflag:s13] =	ssyncset.done $0x0  }
0x99: {  	s0 =	rddreg [dreg:$0x18];
	[sflag:s13] =	ssyncadd.s32 $0xFFFFF000  }
0x9a: {  	[spmem:s0] =	stream.linear.scatter [tilespmem:s12], [sflag:$0x2], $0x1000, $0x38;
	[tilespmem:$0x1D780] =	vst v63  }
0x9b: {  	_ =	swait.ge [sflag:s13], $0x1000  }
0x9c: {  	[sflag:s13] =	ssyncset.done $0x0  }
0x9d: {  	[sflag:s13] =	ssyncadd.s32 $0xFFFFF000  }
0x9e: {  	[spmem:s1] =	stream.linear.scatter [tilespmem:s12], [sflag:$0x2], $0x1000, $0x38;
	[tilespmem:$0x1D780] =	vst v63  }
0x9f: {  	_ =	swait.ge [sflag:s13], $0x1000  }
0xa0: {  	[sflag:s13] =	ssyncset.done $0x0  }
0xa1: {  	[sflag:s13] =	ssyncadd.s32 $0xFFFFF000  }
0xa2: {  	[spmem:s7] =	stream.linear.scatter [tilespmem:s12], [sflag:$0x2], $0x1000, $0x38;
	[tilespmem:$0x1D780] =	vst v63  }
0xa3: {  	_ =	swait.ge [sflag:s13], $0x1000  }
0xa4: {  	[sflag:s13] =	ssyncset.done $0x0  }
0xa5: {  	[sflag:s13] =	ssyncadd.s32 $0xFFFFF000  }
0xa6: {  	[spmem:s8] =	stream.linear.scatter [tilespmem:s12], [sflag:$0x2], $0x1000, $0x38;
	[tilespmem:$0x1D780] =	vst v63  }
0xa7: {  	_ =	swait.ge [sflag:s13], $0x1000  }
0xa8: {  	[sflag:s13] =	ssyncset.done $0x0  }
0xa9: {  	[sflag:s13] =	ssyncadd.s32 $0xFFFFF000  }
0xaa: {  	[spmem:s9] =	stream.linear.scatter [tilespmem:s12], [sflag:$0x2], $0x1000, $0x38;
	[tilespmem:$0x1D780] =	vst v63  }
0xab: {  	_ =	swait.ge [sflag:s13], $0x1000  }
0xac: {  	[sflag:s13] =	ssyncset.done $0x0  }
0xad: {  	[sflag:s13] =	ssyncadd.s32 $0xFFFFF000  }
0xae: {  	[spmem:s10] =	stream.linear.scatter [tilespmem:s12], [sflag:$0x2], $0x1000, $0x38;
	[tilespmem:$0x1D780] =	vst v63  }
0xaf: {  	_ =	swait.ge [sflag:s13], $0x1000  }
0xb0: {  	[sflag:s13] =	ssyncset.done $0x0  }
0xb1: {  	[sflag:s13] =	ssyncadd.s32 $0xFFFFF000  }
0xb2: {  	[spmem:s11] =	stream.linear.scatter [tilespmem:s12], [sflag:$0x2], $0x1000, $0x38;
	[tilespmem:$0x1D780] =	vst v63  }
0xb3: {  	_ =	swait.ge [sflag:s13], $0x1000  }
0xb4: {  	[sflag:s13] =	ssyncset.done $0x0  }
0xb5: {  	s28 =	simm.s32 $0x9280;
	[sflag:s13] =	ssyncadd.s32 $0xFFFFF000  }
0xb6: {  	[spmem:s22] =	stream.linear.scatter [tilespmem:s28], [sflag:$0x2], $0x280, $0x38;
	[tilespmem:$0x1D780] =	vst v63  }
0xb7: {  	_ =	swait.ge [sflag:s13], $0x280  }
0xb8: {  	[sflag:s13] =	ssyncset.done $0x0  }
0xb9: {  	[sflag:s13] =	ssyncadd.s32 $0xFFFFFD80  }
0xba: {  	[bflag:$0x0] =	sbarrier.arrive $0xFFFF  }
0xbb: {  	s28 =	simm.s32 $0x0;
	s29 =	rddreg [dreg:$0xb]  }
0xbc: {  	[tilespmem:s28], [sflag:$0x2] =	stream.linear.gather [hbm4b:s29+s28], $0x80, $0x38;
	[tilespmem:$0x1D780] =	vst v63  }
0xbd: {  	_ =	swait.ge [sflag:s13], $0x80  }
0xbe: {  	[sflag:s13] =	ssyncset.done $0x0  }
0xbf: {  	s30 =	rddreg [dreg:$0xc];
	[sflag:s13] =	ssyncadd.s32 $0xFFFFFF80  }
0xc0: {  	[tilespmem:s14], [sflag:$0x2] =	stream.linear.gather [hbm4b:s30+s28], $0x80, $0x38;
	[tilespmem:$0x1D780] =	vst v63  }
0xc1: {  	_ =	swait.ge [sflag:s13], $0x80  }
0xc2: {  	[sflag:s13] =	ssyncset.done $0x0  }
0xc3: {  	[sflag:s13] =	ssyncadd.s32 $0xFFFFFF80  }
0xc4: {  	[tilespmem:s16], [sflag:$0x1] =	stream.indirect.gather [hbm4b:s5+s15], $0x80, s28, s15, $0xb8;
	[tilespmem:$0x1D780] =	vst v63  }
0xc5: {  	s0 =	rddreg [dreg:$0xd]  }
0xc6: {  	[tilespmem:s15], [sflag:$0x2] =	stream.linear.gather [hbm4b:s0+s28], $0x80, $0x38;
	[tilespmem:$0x1D780] =	vst v63  }
0xc7: {  	_ =	swait.ge [sflag:s13], $0x80  }
0xc8: {  	[sflag:s13] =	ssyncset.done $0x0  }
0xc9: {  	s30 =	rddreg [dreg:$0xe];
	[sflag:s13] =	ssyncadd.s32 $0xFFFFFF80  }
0xca: {  	[tilespmem:s21], [sflag:$0x2] =	stream.linear.gather [hbm4b:s30+s28], $0x80, $0x38;
	[tilespmem:$0x1D780] =	vst v63  }
0xcb: {  	_ =	swait.ge [sflag:s13], $0x80  }
0xcc: {  	[sflag:s13] =	ssyncset.done $0x0  }
0xcd: {  	[sflag:s13] =	ssyncadd.s32 $0xFFFFFF80  }
0xce: {  	_ =	swait.ge [sflag:s23], $0x4000  }
0xcf: {  	[sflag:s23] =	ssyncset.done $0x0  }
0xd0: {  	[sflag:s23] =	ssyncadd.s32 $0xFFFFC000  }
0xd1: {  	[tilespmem:s24], [sflag:$0x1] =	stream.indirect.gather [hbm4b:s5+s15], $0x80, s15, s15, $0xb8;
	[tilespmem:$0x1D780] =	vst v63  }
0xd2: {  	_ = 	snop  }
0xd3: {  	[spmem:s2] =	stream.indirect.scatter.add.f32 [tilespmem:s16], [sflag:$0x2], $0x80, s14, s15, $0xb8;
	[tilespmem:$0x1D780] =	vst v63  }
0xd4: {  	_ =	swait.ge [sflag:s13], $0x4000  }
0xd5: {  	[sflag:s13] =	ssyncset.done $0x0  }
0xd6: {  	[sflag:s13] =	ssyncadd.s32 $0xFFFFC000  }
0xd7: {  	[spmem:s3] =	stream.indirect.scatter.add.f32 [tilespmem:s25], [sflag:$0x2], $0x1, s14, s15, $0xb8;
	[tilespmem:$0x1D780] =	vst v63  }
0xd8: {  	_ =	swait.ge [sflag:s13], $0x80  }
0xd9: {  	[sflag:s13] =	ssyncset.done $0x0  }
0xda: {  	s28 =	sadd.s32 $0x0, s20;
	[sflag:s13] =	ssyncadd.s32 $0xFFFFFF80  }
0xdb: {  	[tilespmem:s4], [sflag:$0x2] =	stream.linear.gather [hbm4b:s28+s4], $0x80, $0x38;
	[tilespmem:$0x1D780] =	vst v63  }
0xdc: {  	_ =	swait.ge [sflag:s13], $0x80  }
0xdd: {  	[sflag:s13] =	ssyncset.done $0x0  }
0xde: {  	s28 =	sadd.s32 $0x0, s19;
	[sflag:s13] =	ssyncadd.s32 $0xFFFFFF80  }
0xdf: {  	[tilespmem:s14], [sflag:$0x2] =	stream.linear.gather [hbm4b:s28+s4], $0x80, $0x38;
	[tilespmem:$0x1D780] =	vst v63  }
0xe0: {  	_ =	swait.ge [sflag:s13], $0x80  }
0xe1: {  	[sflag:s13] =	ssyncset.done $0x0  }
0xe2: {  	[sflag:s13] =	ssyncadd.s32 $0xFFFFFF80  }
0xe3: {  	_ =	swait.ge [sflag:s23], $0x4000  }
0xe4: {  	[sflag:s23] =	ssyncset.done $0x0  }
0xe5: {  	[sflag:s23] =	ssyncadd.s32 $0xFFFFC000  }
0xe6: {  	[tilespmem:s16], [sflag:$0x1] =	stream.indirect.gather [hbm4b:s5+s15], $0x80, s4, s15, $0xb8;
	[tilespmem:$0x1D780] =	vst v63  }
0xe7: {  	_ = 	snop  }
0xe8: {  	[spmem:s2] =	stream.indirect.scatter.add.f32 [tilespmem:s24], [sflag:$0x2], $0x80, s21, s15, $0xb8;
	[tilespmem:$0x1D780] =	vst v63  }
0xe9: {  	_ =	swait.ge [sflag:s13], $0x4000  }
0xea: {  	[sflag:s13] =	ssyncset.done $0x0  }
0xeb: {  	[sflag:s13] =	ssyncadd.s32 $0xFFFFC000  }
0xec: {  	[spmem:s3] =	stream.indirect.scatter.add.f32 [tilespmem:s25], [sflag:$0x2], $0x1, s21, s15, $0xb8;
	[tilespmem:$0x1D780] =	vst v63  }
0xed: {  	_ =	swait.ge [sflag:s13], $0x80  }
0xee: {  	[sflag:s13] =	ssyncset.done $0x0  }
0xef: {  	s28 =	sadd.s32 $0x0, s18;
	[sflag:s13] =	ssyncadd.s32 $0xFFFFFF80  }
0xf0: {  	[tilespmem:s15], [sflag:$0x2] =	stream.linear.gather [hbm4b:s28+s4], $0x80, $0x38;
	[tilespmem:$0x1D780] =	vst v63  }
0xf1: {  	_ =	swait.ge [sflag:s13], $0x80  }
0xf2: {  	[sflag:s13] =	ssyncset.done $0x0  }
0xf3: {  	s28 =	sadd.s32 $0x0, s17;
	[sflag:s13] =	ssyncadd.s32 $0xFFFFFF80  }
0xf4: {  	[tilespmem:s21], [sflag:$0x2] =	stream.linear.gather [hbm4b:s28+s4], $0x80, $0x38;
	[tilespmem:$0x1D780] =	vst v63  }
0xf5: {  	_ =	swait.ge [sflag:s13], $0x80  }
0xf6: {  	[sflag:s13] =	ssyncset.done $0x0  }
0xf7: {  	[sflag:s13] =	ssyncadd.s32 $0xFFFFFF80  }
0xf8: {  	_ =	swait.ge [sflag:s23], $0x4000  }
0xf9: {  	s28 =	simm.s32 $0x20;
	[sflag:s23] =	ssyncset.done $0x0  }
.LBB2_4:
0xfa: {  	p0 =	sne.s32 s28, $0x4C0  }
0xfb: {  	[sflag:s23] =	ssyncadd.s32 $0xFFFFC000;
	s29 =	smov.u32 s28;
	s28 =	sadd.s32 $0x20, s28  }
0xfc: {  	[tilespmem:s24], [sflag:$0x1] =	stream.indirect.gather [hbm4b:s5+s15], $0x80, s15, s15, $0xb8;
	[tilespmem:$0x1D780] =	vst v63  }
0xfd: {  	_ = 	snop  }
0xfe: {  	[spmem:s2] =	stream.indirect.scatter.add.f32 [tilespmem:s16], [sflag:$0x2], $0x80, s14, s15, $0xb8;
	[tilespmem:$0x1D780] =	vst v63  }
0xff: {  	_ =	swait.ge [sflag:s13], $0x4000  }
0x100: {  	[sflag:s13] =	ssyncset.done $0x0  }
0x101: {  	[sflag:s13] =	ssyncadd.s32 $0xFFFFC000  }
0x102: {  	[spmem:s3] =	stream.indirect.scatter.add.f32 [tilespmem:s25], [sflag:$0x2], $0x1, s14, s15, $0xb8;
	[tilespmem:$0x1D780] =	vst v63  }
0x103: {  	_ =	swait.ge [sflag:s13], $0x80  }
0x104: {  	[sflag:s13] =	ssyncset.done $0x0  }
0x105: {  	s30 =	sadd.s32 s29, s20;
	[sflag:s13] =	ssyncadd.s32 $0xFFFFFF80  }
0x106: {  	[tilespmem:s4], [sflag:$0x2] =	stream.linear.gather [hbm4b:s30+s4], $0x80, $0x38;
	[tilespmem:$0x1D780] =	vst v63  }
0x107: {  	_ =	swait.ge [sflag:s13], $0x80  }
0x108: {  	[sflag:s13] =	ssyncset.done $0x0  }
0x109: {  	s30 =	sadd.s32 s29, s19;
	[sflag:s13] =	ssyncadd.s32 $0xFFFFFF80  }
0x10a: {  	[tilespmem:s14], [sflag:$0x2] =	stream.linear.gather [hbm4b:s30+s4], $0x80, $0x38;
	[tilespmem:$0x1D780] =	vst v63  }
0x10b: {  	_ =	swait.ge [sflag:s13], $0x80  }
0x10c: {  	[sflag:s13] =	ssyncset.done $0x0  }
0x10d: {  	[sflag:s13] =	ssyncadd.s32 $0xFFFFFF80  }
0x10e: {  	_ =	swait.ge [sflag:s23], $0x4000  }
0x10f: {  	[sflag:s23] =	ssyncset.done $0x0  }
0x110: {  	[sflag:s23] =	ssyncadd.s32 $0xFFFFC000  }
0x111: {  	[tilespmem:s16], [sflag:$0x1] =	stream.indirect.gather [hbm4b:s5+s15], $0x80, s4, s15, $0xb8;
	[tilespmem:$0x1D780] =	vst v63  }
0x112: {  	_ = 	snop  }
0x113: {  	[spmem:s2] =	stream.indirect.scatter.add.f32 [tilespmem:s24], [sflag:$0x2], $0x80, s21, s15, $0xb8;
	[tilespmem:$0x1D780] =	vst v63  }
0x114: {  	_ =	swait.ge [sflag:s13], $0x4000  }
0x115: {  	[sflag:s13] =	ssyncset.done $0x0  }
0x116: {  	[sflag:s13] =	ssyncadd.s32 $0xFFFFC000  }
0x117: {  	[spmem:s3] =	stream.indirect.scatter.add.f32 [tilespmem:s25], [sflag:$0x2], $0x1, s21, s15, $0xb8;
	[tilespmem:$0x1D780] =	vst v63  }
0x118: {  	_ =	swait.ge [sflag:s13], $0x80  }
0x119: {  	[sflag:s13] =	ssyncset.done $0x0  }
0x11a: {  	s30 =	sadd.s32 s29, s18;
	[sflag:s13] =	ssyncadd.s32 $0xFFFFFF80  }
0x11b: {  	[tilespmem:s15], [sflag:$0x2] =	stream.linear.gather [hbm4b:s30+s4], $0x80, $0x38;
	[tilespmem:$0x1D780] =	vst v63  }
0x11c: {  	_ =	swait.ge [sflag:s13], $0x80  }
0x11d: {  	[sflag:s13] =	ssyncset.done $0x0  }
0x11e: {  	s29 =	sadd.s32 s29, s17;
	[sflag:s13] =	ssyncadd.s32 $0xFFFFFF80  }
0x11f: {  	[tilespmem:s21], [sflag:$0x2] =	stream.linear.gather [hbm4b:s29+s4], $0x80, $0x38;
	[tilespmem:$0x1D780] =	vst v63  }
.Ltmp1:
0x120: {  	_ =	swait.ge [sflag:s13], $0x80;
	(pc) =	sbr.rel @p0 .LBB2_4-.Ltmp1, $4  }
0x121: {  	[sflag:s13] =	ssyncset.done $0x0  }
0x122: {  	[sflag:s13] =	ssyncadd.s32 $0xFFFFFF80  }
0x123: {  	_ =	swait.ge [sflag:s23], $0x4000  }
0x124: {  	[sflag:s23] =	ssyncset.done $0x0  }
0x125: {  	[sflag:s23] =	ssyncadd.s32 $0xFFFFC000  }
0x126: {  	[tilespmem:s24], [sflag:$0x1] =	stream.indirect.gather [hbm4b:s5+s15], $0x80, s15, s15, $0xb8;
	[tilespmem:$0x1D780] =	vst v63  }
0x127: {  	_ = 	snop  }
0x128: {  	[spmem:s2] =	stream.indirect.scatter.add.f32 [tilespmem:s16], [sflag:$0x2], $0x80, s14, s15, $0xb8;
	[tilespmem:$0x1D780] =	vst v63  }
0x129: {  	_ =	swait.ge [sflag:s13], $0x4000  }
0x12a: {  	[sflag:s13] =	ssyncset.done $0x0  }
0x12b: {  	[sflag:s13] =	ssyncadd.s32 $0xFFFFC000  }
0x12c: {  	[spmem:s3] =	stream.indirect.scatter.add.f32 [tilespmem:s25], [sflag:$0x2], $0x1, s14, s15, $0xb8;
	[tilespmem:$0x1D780] =	vst v63  }
0x12d: {  	_ =	swait.ge [sflag:s13], $0x80  }
0x12e: {  	[sflag:s13] =	ssyncset.done $0x0  }
0x12f: {  	[sflag:s13] =	ssyncadd.s32 $0xFFFFFF80  }
0x130: {  	_ =	swait.ge [sflag:s23], $0x4000  }
0x131: {  	[sflag:s23] =	ssyncset.done $0x0  }
0x132: {  	[sflag:s23] =	ssyncadd.s32 $0xFFFFC000  }
0x133: {  	[spmem:s2] =	stream.indirect.scatter.add.f32 [tilespmem:s24], [sflag:$0x2], $0x80, s21, s15, $0xb8;
	[tilespmem:$0x1D780] =	vst v63  }
0x134: {  	_ =	swait.ge [sflag:s13], $0x4000  }
0x135: {  	[sflag:s13] =	ssyncset.done $0x0  }
0x136: {  	[sflag:s13] =	ssyncadd.s32 $0xFFFFC000  }
0x137: {  	[spmem:s3] =	stream.indirect.scatter.add.f32 [tilespmem:s25], [sflag:$0x2], $0x1, s21, s15, $0xb8;
	[tilespmem:$0x1D780] =	vst v63  }
0x138: {  	_ =	swait.ge [sflag:s13], $0x80  }
0x139: {  	[sflag:s13] =	ssyncset.done $0x0  }
0x13a: {  	s28 =	stileid.u32;
	[sflag:s13] =	ssyncadd.s32 $0xFFFFFF80  }
0x13b: {  	s28 =	sshll.u32 s28, $0x6;
	[bflag:$0x0] =	sbarrier.arrive $0xFFFF  }
0x13c: {  	s29 =	sshrl.u32 s6, $0x3;
	s28 =	sor.u32 $0x1C02, s28;
	s30 =	rddreg [dreg:$0x10]  }
0x13d: {  	[hbm:s30], [sflag:s28] =	dma.local [spmem:s29], $0x2800  }
0x13e: {  	_ =	swait.ge [sflag:s13], $0x2800  }
0x13f: {  	s0 =	simm.s32 $0x10;
	[sflag:s13] =	ssyncset.done $0x0  }
0x140: {  	s29 =	sshrl.u32 s22, $0x3;
	s30 =	rddreg [dreg:$0x11];
	[sflag:s13] =	ssyncadd.s32 $0xFFFFD800  }
0x141: {  	[hbm:s30@s31], [sflag:s28] =	dma.strided [spmem:s29@s0], $0x50, s23, $0x10   }
0x142: {  	_ =	swait.ge [sflag:s13], $0x50  }
0x143: {  	s26 =	sadd.s32 $0x1, s26;
	s30 =	rddreg [dreg:$0x12]  }
0x144: {  	p0 =	sne.s32 s26, s30  }
.Ltmp2:
0x145: {  	_ = 	snop;
	(pc) =	sbr.rel @p0 .LBB2_1-.Ltmp2, $3  }
0x146: {  	_ =	sdelay $0x1  }
0x147: {  	[sflag:s13] =	ssyncset.done $0x0  }
0x148: {  	[sflag:s13] =	ssyncadd.s32 $0xFFFFFFB0  }
0x149: {  	_ =	sfence.sel $0x180000  }
0x14a: {  	[bflag:$0x0] =	sbarrier.arrive $0xFFFF  }
0x14b: {  	_ =	strace $0x9000004A  }
0x14c: {  	s0 =	stileid.u32;
	[bflag:$0x2] =	sbarrier.arrive $0xFFFF  }
0x14d: {  	p0 =	sne.s32 s0, $0x0;
	s0 =	rddreg [dreg:$0x4]  }
0x14e: {  	s0 =	sadd.s32 @!p0 $0x100000, s0  }
0x14f: {  	[sflag:s0] =	ssyncadd.tile.s32 @!p0 $0x1;
	_ =	shalt  }
.Lfunc_end2:
_tile_overlayer_lowered:
.L_overlay_start_2:
0x150: {  	(tag) =	ssettag $0x2  }
0x151: {  	s0 =	rddreg [dreg:$0x0];
	s2 =	stileid.u32  }
0x152: {  	s1 =	rddreg [dreg:$0x1];
	p0 =	sne.s32 s2, $0x0  }
0x153: {  	s3 =	rddreg [dreg:$0x2];
	[bflag:$0x3] =	sbarrier.arrive $0xFFFF;
	s2 =	simm.s32 @!p0 $0x1C02  }
0x154: {  	[timem:s3], [sflag:s2] =	dma.local @!p0 [hbm:s0], s1  }
0x155: {  	s0 =	simm.s32 @!p0 $0x2  }
0x156: {  	_ =	swait.ge @!p0 [sflag:s0], s1  }
0x157: {  	s1 =	ssub.s32 @!p0 $0x0, s1;
	[sflag:s0] =	ssyncset.done @!p0 $0x0  }
0x158: {  	[sflag:s0] =	ssyncadd.s32 @!p0 s1  }
0x159: {  	[bflag:$0x3] =	sbarrier.arrive $0xFFFF  }
0x15a: {  	_ =	shalt  }

</sc_bundles>
